<compile_context>
chip_gen: v7x
topology: tpu7x:2x2x1
jax: 0.10.2.dev20260603
libtpu: 0.0.44.dev20260713+nightly
codegen_flags: <defaults>
</compile_context>

<pallas_src>
import functools

import jax
import jax.numpy as jnp
from jax import lax
from jax.experimental import pallas as pl
from jax.experimental.pallas import tpu as pltpu
from jax.experimental.pallas import tpu_sc as plsc

NC, NS = 2, 16
NW = NC * NS
F = 128
N = 10000
NPAD = 10112
E = 320000
CHUNK = 128
EPW = 10240
NCHUNKS = EPW // CHUNK
EPAD = NW * EPW
ROWS_PT = NPAD // NS

NPAIRS = 4096
GTOT = 3 * NPAIRS
GCH_PW = 2 * GTOT // (NW * CHUNK)

_MESH = plsc.VectorSubcoreMesh(core_axis_name="c", subcore_axis_name="s")


NBUF = 2
PASSES = 2
PCHUNKS = NCHUNKS // PASSES


def _scatter_body(sup_hbm, srcw_hbm, dstw_hbm, zeros_hbm, out_hbm,
                  src_idx_v, dst_idx_v, rows_v, acc_sh, gsem, ssem):
    c = lax.axis_index("c")
    s = lax.axis_index("s")
    wid = c * NS + s

    pltpu.sync_copy(zeros_hbm.at[pl.ds(s * ROWS_PT, ROWS_PT)],
                    acc_sh.at[pl.ds(s * ROWS_PT, ROWS_PT)])
    plsc.subcore_barrier()

    def _gather(i, b):
        pltpu.async_copy(sup_hbm.at[src_idx_v.at[i]], rows_v.at[b], gsem.at[b])

    def _gather_wait(i, b):
        pltpu.make_async_copy(sup_hbm.at[src_idx_v.at[i]], rows_v.at[b],
                              gsem.at[b]).wait()

    def _scat(i, b):
        pltpu.async_copy(rows_v.at[b], acc_sh.at[dst_idx_v.at[i]], ssem.at[b],
                         add=True)

    def _scat_wait(i, b):
        pltpu.make_async_copy(rows_v.at[b], acc_sh.at[dst_idx_v.at[i]],
                              ssem.at[b]).wait()

    for p in range(PASSES):
        pltpu.sync_copy(
            srcw_hbm.at[pl.ds(wid * NCHUNKS + p * PCHUNKS, PCHUNKS)], src_idx_v)
        pltpu.sync_copy(
            dstw_hbm.at[pl.ds(wid * NCHUNKS + p * PCHUNKS, PCHUNKS)], dst_idx_v)
        for b in range(NBUF):
            _gather(b, b)

        def step(i, b):
            _gather_wait(i, b)
            _scat(i, b)
            _scat_wait(i, b)
            _gather(i + NBUF, b)

        def ring(k, carry):
            for b in range(NBUF):
                step(NBUF * k + b, b)
            return carry

        lax.fori_loop(0, PCHUNKS // NBUF - 1, ring, 0)
        base = PCHUNKS - NBUF
        for b in range(NBUF):
            _gather_wait(base + b, b)
            _scat(base + b, b)
        for b in range(NBUF):
            _scat_wait(base + b, b)

    plsc.subcore_barrier()
    pltpu.sync_copy(acc_sh.at[pl.ds(s * ROWS_PT, ROWS_PT)],
                    out_hbm.at[c, pl.ds(s * ROWS_PT, ROWS_PT)])


def _sc_scatter(sup, srcw, dstw, zeros):
    return pl.kernel(
        _scatter_body,
        out_type=jax.ShapeDtypeStruct((NC, NPAD, F), jnp.float32),
        mesh=_MESH,
        scratch_types=[
            pltpu.VMEM((PCHUNKS, CHUNK), jnp.int32),
            pltpu.VMEM((PCHUNKS, CHUNK), jnp.int32),
            pltpu.VMEM((NBUF, CHUNK, F), jnp.float32),
            pltpu.VMEM_SHARED((NPAD, F), jnp.float32),
            pltpu.SemaphoreType.DMA((NBUF,)),
            pltpu.SemaphoreType.DMA((NBUF,)),
        ],
    )(sup, srcw, dstw, zeros)


def _gather_body(tab_hbm, idxw_hbm, out_hbm, idx_v, rows_v):
    c = lax.axis_index("c")
    s = lax.axis_index("s")
    wid = c * NS + s
    pltpu.sync_copy(idxw_hbm.at[pl.ds(wid * GCH_PW * CHUNK, GCH_PW * CHUNK)], idx_v)
    for i in range(GCH_PW):
        pltpu.sync_copy(tab_hbm.at[idx_v.at[pl.ds(i * CHUNK, CHUNK)]], rows_v)
        pltpu.sync_copy(rows_v, out_hbm.at[pl.ds((wid * GCH_PW + i) * CHUNK, CHUNK)])


def _sc_gather(tab, idxw):
    return pl.kernel(
        _gather_body,
        out_type=jax.ShapeDtypeStruct((2 * GTOT, F), jnp.float32),
        mesh=_MESH,
        scratch_types=[
            pltpu.VMEM((GCH_PW * CHUNK,), jnp.int32),
            pltpu.VMEM((CHUNK, F), jnp.float32),
        ],
    )(tab, idxw)


def _mm1_body(x_ref, w_ref, o_ref):
    o_ref[...] = jnp.dot(
        x_ref[...], w_ref[...], preferred_element_type=jnp.float32)


def _tc_mm1(x, W1):
    return pl.pallas_call(
        _mm1_body,
        grid=(10,),
        in_specs=[
            pl.BlockSpec((N // 10, F), lambda i: (i, 0)),
            pl.BlockSpec((F, F), lambda i: (0, 0)),
        ],
        out_specs=pl.BlockSpec((N // 10, F), lambda i: (i, 0)),
        out_shape=jax.ShapeDtypeStruct((N, F), jnp.float32),
    )(x, W1)


def _mm2_body(a_ref, b_ref, w_ref, o_ref):
    h = jnp.maximum(a_ref[0] + a_ref[1] + b_ref[...], 0.0)
    o_ref[...] = jnp.dot(h, w_ref[...], preferred_element_type=jnp.float32)


def _tc_relu_mm2(acc1, b1, W2):
    return pl.pallas_call(
        _mm2_body,
        grid=(10,),
        in_specs=[
            pl.BlockSpec((2, N // 10, F), lambda i: (0, i, 0)),
            pl.BlockSpec((1, F), lambda i: (0, 0)),
            pl.BlockSpec((F, F), lambda i: (0, 0)),
        ],
        out_specs=pl.BlockSpec((N // 10, F), lambda i: (i, 0)),
        out_shape=jax.ShapeDtypeStruct((N, F), jnp.float32),
    )(acc1, b1.reshape(1, F), W2)


def _loss_body(g_ref, b_ref, o_ref):
    g = g_ref[...]
    b2 = b_ref[...]
    gh = g[0:NPAIRS] + g[GTOT:GTOT + NPAIRS] + b2
    gp = g[NPAIRS:2 * NPAIRS] + g[GTOT + NPAIRS:GTOT + 2 * NPAIRS] + b2
    gn = g[2 * NPAIRS:3 * NPAIRS] + g[GTOT + 2 * NPAIRS:GTOT + 3 * NPAIRS] + b2
    pos = jnp.sum(gh * gp, axis=1)
    neg = jnp.sum(gh * gn, axis=1)
    z = pos - neg
    l = jnp.maximum(-z, 0.0) + jnp.log1p(jnp.exp(-jnp.abs(z)))
    o_ref[...] = jnp.mean(l).reshape(1, 1)


def _tc_loss(g, b2):
    return pl.pallas_call(
        _loss_body,
        out_shape=jax.ShapeDtypeStruct((1, 1), jnp.float32),
    )(g, b2.reshape(1, F))


def kernel(x, adj, head, pos_tail, neg_tail, W1, b1, W2, b2):
    src = adj[0].astype(jnp.int32)
    dst = adj[1].astype(jnp.int32)
    pad = EPAD - E
    srcw = jnp.concatenate([src, jnp.zeros((pad,), jnp.int32)]).reshape(
        NW * NCHUNKS, CHUNK)
    dstw = jnp.concatenate([dst, jnp.full((pad,), N, jnp.int32)]).reshape(
        NW * NCHUNKS, CHUNK)
    zeros = jnp.zeros((NPAD, F), jnp.float32)
    gidx = jnp.concatenate([head, pos_tail, neg_tail]).astype(jnp.int32)

    s1 = _tc_mm1(x, W1)
    acc1 = _sc_scatter(s1, srcw, dstw, zeros)
    s2 = _tc_relu_mm2(acc1, b1, W2)
    acc2 = _sc_scatter(s2, srcw, dstw, zeros)
    gidx2 = jnp.concatenate([gidx, gidx + NPAD])
    g = _sc_gather(acc2.reshape(2 * NPAD, F), gidx2)
    loss = _tc_loss(g, b2)
    return loss[0, 0]

# --- scband reference (transcript-rebuilt; emitter-appended) ---
"""Pipeline reference for scband-gcn-74912819577179 (READ-ONLY COPY).

The authoritative reference and input builder live on the scoring server;
editing this copy changes nothing except your own understanding.
"""

import jax, jax.numpy as jnp
import numpy as np

N_NODES = 10000
N_EDGES = 320000
NFEAT = 128
NHID = 128
N_PAIRS = 4096


def setup_inputs(seed: int = 0) -> dict:
    key = jax.random.key(seed)
    ks = jax.random.split(key, 10)
    x = jax.random.normal(ks[0], (N_NODES, NFEAT), dtype=jnp.float32)
    # sparse adjacency in COO form: adj[0]=src, adj[1]=dst; spmm(adj, h) == segment_sum(h[src], dst)
    adj = jax.random.randint(ks[1], (2, N_EDGES), 0, N_NODES)
    head = jax.random.randint(ks[2], (N_PAIRS,), 0, N_NODES)
    pos_tail = jax.random.randint(ks[3], (N_PAIRS,), 0, N_NODES)
    neg_tail = jax.random.randint(ks[4], (N_PAIRS,), 0, N_NODES)
    # GraphConvolution parameters (Glorot-style init)
    s1 = 1.0 / np.sqrt(NFEAT)
    s2 = 1.0 / np.sqrt(NHID)
    W1 = jax.random.uniform(ks[5], (NFEAT, NHID), dtype=jnp.float32, minval=-s1, maxval=s1)
    b1 = jax.random.uniform(ks[6], (NHID,), dtype=jnp.float32, minval=-s1, maxval=s1)
    W2 = jax.random.uniform(ks[7], (NHID, NHID), dtype=jnp.float32, minval=-s2, maxval=s2)
    b2 = jax.random.uniform(ks[8], (NHID,), dtype=jnp.float32, minval=-s2, maxval=s2)
    return {"x": x, "adj": adj, "head": head, "pos_tail": pos_tail, "neg_tail": neg_tail,
            "W1": W1, "b1": b1, "W2": W2, "b2": b2}


def reference(x, adj, head, pos_tail, neg_tail, W1, b1, W2, b2):
    n = x.shape[0]
    src = adj[0]
    dst = adj[1]

    def graph_conv(h, W, b):
        support = h @ W
        out = jax.ops.segment_sum(support[src], dst, num_segments=n)
        return out + b

    h = jax.nn.relu(graph_conv(x, W1, b1))
    # F.dropout with training=False is the identity at inference
    h = graph_conv(h, W2, b2)

    head_embed = h[head]
    pos_tail_embed = h[pos_tail]
    neg_tail_embed = h[neg_tail]
    pos_score = jnp.sum(head_embed * pos_tail_embed, axis=1)
    neg_score = jnp.sum(head_embed * neg_tail_embed, axis=1)
    loss = -1.0 * jax.nn.log_sigmoid(pos_score - neg_score)
    loss = jnp.mean(loss)
    return loss

if __name__ == "__main__":
    import jax
    _d = setup_inputs()
    print(jax.jit(kernel)(*tuple(_d.values())))

</pallas_src>

<mosaic_0001>
#map = affine_map<(d0, d1) -> (0, 0)>
#map1 = affine_map<(d0, d1) -> (0, 0, 0)>
module attributes {stable_mosaic.version = 14 : i64} {
  func.func @_scatter_body(%arg0: i32, %arg1: i32, %arg2: memref<10000x128xf32, #tpu.memory_space<hbm>>, %arg3: memref<2560x128xi32, #tpu.memory_space<hbm>>, %arg4: memref<2560x128xi32, #tpu.memory_space<hbm>>, %arg5: memref<10112x128xf32, #tpu.memory_space<hbm>>, %arg6: memref<2x10112x128xf32, #tpu.memory_space<hbm>>, %arg7: memref<40x128xi32, #tpu.memory_space<vmem>>, %arg8: memref<40x128xi32, #tpu.memory_space<vmem>>, %arg9: memref<2x128x128xf32, #tpu.memory_space<vmem>>, %arg10: memref<10112x128xf32, #tpu.memory_space<vmem_shared>>, %arg11: memref<2x!tpu.dma_semaphore, #tpu.memory_space<semaphore_mem>>, %arg12: memref<2x!tpu.dma_semaphore, #tpu.memory_space<semaphore_mem>>) attributes {dimension_semantics = [#tpu.dimension_semantics<core_parallel>, #tpu.dimension_semantics<subcore_parallel>], iteration_bounds = array<i64: 2, 16>, scalar_prefetch = 0 : i64, scratch_operands = 6 : i64, tpu.core_type = #tpu.core_type<sc_vector_subcore>, window_params = [{transform_indices = #map}, {transform_indices = #map}, {transform_indices = #map}, {transform_indices = #map}, {transform_indices = #map1}]} {
    %mul3A = arith.constant 16 : i32
    %mul3A_0 = arith.muli %arg0, %mul3A : i32
    %add3A = arith.addi %mul3A_0, %arg1 : i32
    %mul3A_1 = arith.constant 632 : i32
    %mul3A_2 = arith.muli %arg1, %mul3A_1 : i32
    %mul3A_3 = arith.constant 632 : i32
    %mul3A_4 = arith.muli %arg1, %mul3A_3 : i32
    "tpu.region"() ({
      %run_scoped3A = tpu.sem_alloc : memref<!tpu.dma_semaphore, #tpu.memory_space<semaphore_mem>>
      %dma_start3A_275 = arith.constant 0 : i32
      %dma_start3A_276 = tpu.memref_slice %arg10[%mul3A_4, %dma_start3A_275] : memref<10112x128xf32, #tpu.memory_space<vmem_shared>> -> memref<632x128xf32, #tpu.memory_space<vmem_shared>>
      %dma_start3A_277 = arith.constant 0 : i32
      %dma_start3A_278 = tpu.memref_slice %arg5[%mul3A_2, %dma_start3A_277] : memref<10112x128xf32, #tpu.memory_space<hbm>> -> memref<632x128xf32, #tpu.memory_space<hbm>>
      tpu.enqueue_dma source(%dma_start3A_278 : memref<632x128xf32, #tpu.memory_space<hbm>>) target(%dma_start3A_276 : memref<632x128xf32, #tpu.memory_space<vmem_shared>>) target_semaphore(%run_scoped3A : memref<!tpu.dma_semaphore, #tpu.memory_space<semaphore_mem>>)
      %dma_wait3A_279 = arith.constant 0 : i32
      %dma_wait3A_280 = tpu.memref_slice %arg10[%mul3A_4, %dma_wait3A_279] : memref<10112x128xf32, #tpu.memory_space<vmem_shared>> -> memref<632x128xf32, #tpu.memory_space<vmem_shared>>
      %dma_wait3A_281 = arith.constant 0 : i32
      %dma_wait3A_282 = tpu.memref_slice %arg5[%mul3A_2, %dma_wait3A_281] : memref<10112x128xf32, #tpu.memory_space<hbm>> -> memref<632x128xf32, #tpu.memory_space<hbm>>
      tpu.wait_dma2 semaphore(%run_scoped3A : memref<!tpu.dma_semaphore, #tpu.memory_space<semaphore_mem>>) src(%dma_wait3A_282 : memref<632x128xf32, #tpu.memory_space<hbm>>) dst(%dma_wait3A_280 : memref<632x128xf32, #tpu.memory_space<vmem_shared>>)
      tpu.yield
    }) : () -> ()
    %barrier3A = arith.constant 0 : index
    tpu.barrier barrier_id(%barrier3A)
    %mul3A_5 = arith.constant 80 : i32
    %mul3A_6 = arith.muli %add3A, %mul3A_5 : i32
    %add3A_7 = arith.constant 0 : i32
    %add3A_8 = arith.addi %mul3A_6, %add3A_7 : i32
    "tpu.region"() ({
      %run_scoped3A = tpu.sem_alloc : memref<!tpu.dma_semaphore, #tpu.memory_space<semaphore_mem>>
      %dma_start3A_275 = arith.constant 0 : i32
      %dma_start3A_276 = tpu.memref_slice %arg3[%add3A_8, %dma_start3A_275] : memref<2560x128xi32, #tpu.memory_space<hbm>> -> memref<40x128xi32, #tpu.memory_space<hbm>>
      %dma_start3A_277 = arith.constant 0 : i32
      %dma_start3A_278 = tpu.memref_slice %arg3[%add3A_8, %dma_start3A_277] : memref<2560x128xi32, #tpu.memory_space<hbm>> -> memref<40x128xi32, #tpu.memory_space<hbm>>
      tpu.enqueue_dma source(%dma_start3A_278 : memref<40x128xi32, #tpu.memory_space<hbm>>) target(%arg7 : memref<40x128xi32, #tpu.memory_space<vmem>>) target_semaphore(%run_scoped3A : memref<!tpu.dma_semaphore, #tpu.memory_space<semaphore_mem>>)
      %dma_wait3A_279 = arith.constant 0 : i32
      %dma_wait3A_280 = tpu.memref_slice %arg3[%add3A_8, %dma_wait3A_279] : memref<2560x128xi32, #tpu.memory_space<hbm>> -> memref<40x128xi32, #tpu.memory_space<hbm>>
      %dma_wait3A_281 = arith.constant 0 : i32
      %dma_wait3A_282 = tpu.memref_slice %arg3[%add3A_8, %dma_wait3A_281] : memref<2560x128xi32, #tpu.memory_space<hbm>> -> memref<40x128xi32, #tpu.memory_space<hbm>>
      tpu.wait_dma2 semaphore(%run_scoped3A : memref<!tpu.dma_semaphore, #tpu.memory_space<semaphore_mem>>) src(%dma_wait3A_282 : memref<40x128xi32, #tpu.memory_space<hbm>>) dst(%arg7 : memref<40x128xi32, #tpu.memory_space<vmem>>)
      tpu.yield
    }) : () -> ()
    %mul3A_9 = arith.constant 80 : i32
    %mul3A_10 = arith.muli %add3A, %mul3A_9 : i32
    %add3A_11 = arith.constant 0 : i32
    %add3A_12 = arith.addi %mul3A_10, %add3A_11 : i32
    "tpu.region"() ({
      %run_scoped3A = tpu.sem_alloc : memref<!tpu.dma_semaphore, #tpu.memory_space<semaphore_mem>>
      %dma_start3A_275 = arith.constant 0 : i32
      %dma_start3A_276 = tpu.memref_slice %arg4[%add3A_12, %dma_start3A_275] : memref<2560x128xi32, #tpu.memory_space<hbm>> -> memref<40x128xi32, #tpu.memory_space<hbm>>
      %dma_start3A_277 = arith.constant 0 : i32
      %dma_start3A_278 = tpu.memref_slice %arg4[%add3A_12, %dma_start3A_277] : memref<2560x128xi32, #tpu.memory_space<hbm>> -> memref<40x128xi32, #tpu.memory_space<hbm>>
      tpu.enqueue_dma source(%dma_start3A_278 : memref<40x128xi32, #tpu.memory_space<hbm>>) target(%arg8 : memref<40x128xi32, #tpu.memory_space<vmem>>) target_semaphore(%run_scoped3A : memref<!tpu.dma_semaphore, #tpu.memory_space<semaphore_mem>>)
      %dma_wait3A_279 = arith.constant 0 : i32
      %dma_wait3A_280 = tpu.memref_slice %arg4[%add3A_12, %dma_wait3A_279] : memref<2560x128xi32, #tpu.memory_space<hbm>> -> memref<40x128xi32, #tpu.memory_space<hbm>>
      %dma_wait3A_281 = arith.constant 0 : i32
      %dma_wait3A_282 = tpu.memref_slice %arg4[%add3A_12, %dma_wait3A_281] : memref<2560x128xi32, #tpu.memory_space<hbm>> -> memref<40x128xi32, #tpu.memory_space<hbm>>
      tpu.wait_dma2 semaphore(%run_scoped3A : memref<!tpu.dma_semaphore, #tpu.memory_space<semaphore_mem>>) src(%dma_wait3A_282 : memref<40x128xi32, #tpu.memory_space<hbm>>) dst(%arg8 : memref<40x128xi32, #tpu.memory_space<vmem>>)
      tpu.yield
    }) : () -> ()
    %dma_start3A = arith.constant 0 : i32
    %dma_start3A_13 = arith.constant 0 : i32
    %dma_start3A_14 = arith.constant 0 : i32
    %dma_start3A_15 = arith.constant 0 : i32
    %dma_start3A_16 = arith.constant 0 : i32
    %dma_start3A_17 = tpu.memref_slice %arg9[%dma_start3A_13, %dma_start3A_15, %dma_start3A_16] : memref<2x128x128xf32, #tpu.memory_space<vmem>> -> memref<1x128x128xf32, #tpu.memory_space<vmem>>
    %dma_start3A_18 = tpu.memref_squeeze %dma_start3A_17 : memref<1x128x128xf32, #tpu.memory_space<vmem>> -> memref<128x128xf32, #tpu.memory_space<vmem>>
    %dma_start3A_19 = arith.constant 0 : i32
    %dma_start3A_20 = tpu.memref_slice %arg7[%dma_start3A, %dma_start3A_19] : memref<40x128xi32, #tpu.memory_space<vmem>> -> memref<1x128xi32, #tpu.memory_space<vmem>>
    %dma_start3A_21 = tpu.memref_squeeze %dma_start3A_20 : memref<1x128xi32, #tpu.memory_space<vmem>> -> memref<128xi32, #tpu.memory_space<vmem>>
    %dma_start3A_22 = arith.constant 0 : i32
    %dma_start3A_23 = arith.constant 0 : i32
    %dma_start3A_24 = tpu.memref_slice %arg2[%dma_start3A_22, %dma_start3A_23] : memref<10000x128xf32, #tpu.memory_space<hbm>> -> memref<10000x128xf32, #tpu.memory_space<hbm>>
    %dma_start3A_25 = tpu.memref_slice %arg11[%dma_start3A_14] : memref<2x!tpu.dma_semaphore, #tpu.memory_space<semaphore_mem>> -> memref<1x!tpu.dma_semaphore, #tpu.memory_space<semaphore_mem>>
    %dma_start3A_26 = tpu.memref_squeeze %dma_start3A_25 : memref<1x!tpu.dma_semaphore, #tpu.memory_space<semaphore_mem>> -> memref<!tpu.dma_semaphore, #tpu.memory_space<semaphore_mem>>
    tpu.enqueue_indirect_dma source(%dma_start3A_24 : memref<10000x128xf32, #tpu.memory_space<hbm>>) target(%dma_start3A_18 : memref<128x128xf32, #tpu.memory_space<vmem>>) offsets(%dma_start3A_21 : memref<128xi32, #tpu.memory_space<vmem>>) semaphore(%dma_start3A_26 : memref<!tpu.dma_semaphore, #tpu.memory_space<semaphore_mem>>)
    %dma_start3A_27 = arith.constant 1 : i32
    %dma_start3A_28 = arith.constant 1 : i32
    %dma_start3A_29 = arith.constant 1 : i32
    %dma_start3A_30 = arith.constant 0 : i32
    %dma_start3A_31 = arith.constant 0 : i32
    %dma_start3A_32 = tpu.memref_slice %arg9[%dma_start3A_28, %dma_start3A_30, %dma_start3A_31] : memref<2x128x128xf32, #tpu.memory_space<vmem>> -> memref<1x128x128xf32, #tpu.memory_space<vmem>>
    %dma_start3A_33 = tpu.memref_squeeze %dma_start3A_32 : memref<1x128x128xf32, #tpu.memory_space<vmem>> -> memref<128x128xf32, #tpu.memory_space<vmem>>
    %dma_start3A_34 = arith.constant 0 : i32
    %dma_start3A_35 = tpu.memref_slice %arg7[%dma_start3A_27, %dma_start3A_34] : memref<40x128xi32, #tpu.memory_space<vmem>> -> memref<1x128xi32, #tpu.memory_space<vmem>>
    %dma_start3A_36 = tpu.memref_squeeze %dma_start3A_35 : memref<1x128xi32, #tpu.memory_space<vmem>> -> memref<128xi32, #tpu.memory_space<vmem>>
    %dma_start3A_37 = arith.constant 0 : i32
    %dma_start3A_38 = arith.constant 0 : i32
    %dma_start3A_39 = tpu.memref_slice %arg2[%dma_start3A_37, %dma_start3A_38] : memref<10000x128xf32, #tpu.memory_space<hbm>> -> memref<10000x128xf32, #tpu.memory_space<hbm>>
    %dma_start3A_40 = tpu.memref_slice %arg11[%dma_start3A_29] : memref<2x!tpu.dma_semaphore, #tpu.memory_space<semaphore_mem>> -> memref<1x!tpu.dma_semaphore, #tpu.memory_space<semaphore_mem>>
    %dma_start3A_41 = tpu.memref_squeeze %dma_start3A_40 : memref<1x!tpu.dma_semaphore, #tpu.memory_space<semaphore_mem>> -> memref<!tpu.dma_semaphore, #tpu.memory_space<semaphore_mem>>
    tpu.enqueue_indirect_dma source(%dma_start3A_39 : memref<10000x128xf32, #tpu.memory_space<hbm>>) target(%dma_start3A_33 : memref<128x128xf32, #tpu.memory_space<vmem>>) offsets(%dma_start3A_36 : memref<128xi32, #tpu.memory_space<vmem>>) semaphore(%dma_start3A_41 : memref<!tpu.dma_semaphore, #tpu.memory_space<semaphore_mem>>)
    %scan3A = arith.constant 0 : i32
    %scan3A_42 = arith.constant 0 : i32
    %scan3A_43 = arith.constant 19 : i32
    %scan3A_44 = arith.addi %scan3A_42, %scan3A_43 : i32
    %scan3A_45 = arith.constant 1 : i32
    scf.for %scan3A_275 = %scan3A_42 to %scan3A_44 step %scan3A_45  : i32 {
      %mul3A_276 = arith.constant 2 : i32
      %mul3A_277 = arith.muli %mul3A_276, %scan3A_275 : i32
      %add3A_278 = arith.constant 0 : i32
      %add3A_279 = arith.addi %mul3A_277, %add3A_278 : i32
      %dma_wait3A_280 = arith.constant 0 : i32
      %dma_wait3A_281 = arith.constant 0 : i32
      %dma_wait3A_282 = arith.constant 0 : i32
      %dma_wait3A_283 = arith.constant 0 : i32
      %dma_wait3A_284 = tpu.memref_slice %arg9[%dma_wait3A_280, %dma_wait3A_282, %dma_wait3A_283] : memref<2x128x128xf32, #tpu.memory_space<vmem>> -> memref<1x128x128xf32, #tpu.memory_space<vmem>>
      %dma_wait3A_285 = tpu.memref_squeeze %dma_wait3A_284 : memref<1x128x128xf32, #tpu.memory_space<vmem>> -> memref<128x128xf32, #tpu.memory_space<vmem>>
      %dma_wait3A_286 = arith.constant 0 : i32
      %dma_wait3A_287 = tpu.memref_slice %arg7[%add3A_279, %dma_wait3A_286] : memref<40x128xi32, #tpu.memory_space<vmem>> -> memref<1x128xi32, #tpu.memory_space<vmem>>
      %dma_wait3A_288 = tpu.memref_squeeze %dma_wait3A_287 : memref<1x128xi32, #tpu.memory_space<vmem>> -> memref<128xi32, #tpu.memory_space<vmem>>
      %dma_wait3A_289 = arith.constant 0 : i32
      %dma_wait3A_290 = arith.constant 0 : i32
      %dma_wait3A_291 = tpu.memref_slice %arg2[%dma_wait3A_289, %dma_wait3A_290] : memref<10000x128xf32, #tpu.memory_space<hbm>> -> memref<10000x128xf32, #tpu.memory_space<hbm>>
      %dma_wait3A_292 = tpu.memref_slice %arg11[%dma_wait3A_281] : memref<2x!tpu.dma_semaphore, #tpu.memory_space<semaphore_mem>> -> memref<1x!tpu.dma_semaphore, #tpu.memory_space<semaphore_mem>>
      %dma_wait3A_293 = tpu.memref_squeeze %dma_wait3A_292 : memref<1x!tpu.dma_semaphore, #tpu.memory_space<semaphore_mem>> -> memref<!tpu.dma_semaphore, #tpu.memory_space<semaphore_mem>>
      tpu.wait_indirect_dma semaphore(%dma_wait3A_293 : memref<!tpu.dma_semaphore, #tpu.memory_space<semaphore_mem>>) src(%dma_wait3A_291 : memref<10000x128xf32, #tpu.memory_space<hbm>>) dst(%dma_wait3A_285 : memref<128x128xf32, #tpu.memory_space<vmem>>)
      %dma_start3A_294 = arith.constant 0 : i32
      %dma_start3A_295 = arith.constant 0 : i32
      %dma_start3A_296 = arith.constant 0 : i32
      %dma_start3A_297 = arith.constant 0 : i32
      %dma_start3A_298 = tpu.memref_slice %arg9[%dma_start3A_294, %dma_start3A_296, %dma_start3A_297] : memref<2x128x128xf32, #tpu.memory_space<vmem>> -> memref<1x128x128xf32, #tpu.memory_space<vmem>>
      %dma_start3A_299 = tpu.memref_squeeze %dma_start3A_298 : memref<1x128x128xf32, #tpu.memory_space<vmem>> -> memref<128x128xf32, #tpu.memory_space<vmem>>
      %dma_start3A_300 = arith.constant 0 : i32
      %dma_start3A_301 = tpu.memref_slice %arg8[%add3A_279, %dma_start3A_300] : memref<40x128xi32, #tpu.memory_space<vmem>> -> memref<1x128xi32, #tpu.memory_space<vmem>>
      %dma_start3A_302 = tpu.memref_squeeze %dma_start3A_301 : memref<1x128xi32, #tpu.memory_space<vmem>> -> memref<128xi32, #tpu.memory_space<vmem>>
      %dma_start3A_303 = arith.constant 0 : i32
      %dma_start3A_304 = arith.constant 0 : i32
      %dma_start3A_305 = tpu.memref_slice %arg10[%dma_start3A_303, %dma_start3A_304] : memref<10112x128xf32, #tpu.memory_space<vmem_shared>> -> memref<10112x128xf32, #tpu.memory_space<vmem_shared>>
      %dma_start3A_306 = tpu.memref_slice %arg12[%dma_start3A_295] : memref<2x!tpu.dma_semaphore, #tpu.memory_space<semaphore_mem>> -> memref<1x!tpu.dma_semaphore, #tpu.memory_space<semaphore_mem>>
      %dma_start3A_307 = tpu.memref_squeeze %dma_start3A_306 : memref<1x!tpu.dma_semaphore, #tpu.memory_space<semaphore_mem>> -> memref<!tpu.dma_semaphore, #tpu.memory_space<semaphore_mem>>
      tpu.enqueue_indirect_dma source(%dma_start3A_299 : memref<128x128xf32, #tpu.memory_space<vmem>>) target(%dma_start3A_305 : memref<10112x128xf32, #tpu.memory_space<vmem_shared>>) offsets(%dma_start3A_302 : memref<128xi32, #tpu.memory_space<vmem>>) semaphore(%dma_start3A_307 : memref<!tpu.dma_semaphore, #tpu.memory_space<semaphore_mem>>) {add = true}
      %dma_wait3A_308 = arith.constant 0 : i32
      %dma_wait3A_309 = arith.constant 0 : i32
      %dma_wait3A_310 = arith.constant 0 : i32
      %dma_wait3A_311 = arith.constant 0 : i32
      %dma_wait3A_312 = tpu.memref_slice %arg9[%dma_wait3A_308, %dma_wait3A_310, %dma_wait3A_311] : memref<2x128x128xf32, #tpu.memory_space<vmem>> -> memref<1x128x128xf32, #tpu.memory_space<vmem>>
      %dma_wait3A_313 = tpu.memref_squeeze %dma_wait3A_312 : memref<1x128x128xf32, #tpu.memory_space<vmem>> -> memref<128x128xf32, #tpu.memory_space<vmem>>
      %dma_wait3A_314 = arith.constant 0 : i32
      %dma_wait3A_315 = tpu.memref_slice %arg8[%add3A_279, %dma_wait3A_314] : memref<40x128xi32, #tpu.memory_space<vmem>> -> memref<1x128xi32, #tpu.memory_space<vmem>>
      %dma_wait3A_316 = tpu.memref_squeeze %dma_wait3A_315 : memref<1x128xi32, #tpu.memory_space<vmem>> -> memref<128xi32, #tpu.memory_space<vmem>>
      %dma_wait3A_317 = arith.constant 0 : i32
      %dma_wait3A_318 = arith.constant 0 : i32
      %dma_wait3A_319 = tpu.memref_slice %arg10[%dma_wait3A_317, %dma_wait3A_318] : memref<10112x128xf32, #tpu.memory_space<vmem_shared>> -> memref<10112x128xf32, #tpu.memory_space<vmem_shared>>
      %dma_wait3A_320 = tpu.memref_slice %arg12[%dma_wait3A_309] : memref<2x!tpu.dma_semaphore, #tpu.memory_space<semaphore_mem>> -> memref<1x!tpu.dma_semaphore, #tpu.memory_space<semaphore_mem>>
      %dma_wait3A_321 = tpu.memref_squeeze %dma_wait3A_320 : memref<1x!tpu.dma_semaphore, #tpu.memory_space<semaphore_mem>> -> memref<!tpu.dma_semaphore, #tpu.memory_space<semaphore_mem>>
      tpu.wait_indirect_dma semaphore(%dma_wait3A_321 : memref<!tpu.dma_semaphore, #tpu.memory_space<semaphore_mem>>) src(%dma_wait3A_313 : memref<128x128xf32, #tpu.memory_space<vmem>>) dst(%dma_wait3A_319 : memref<10112x128xf32, #tpu.memory_space<vmem_shared>>)
      %add3A_322 = arith.constant 2 : i32
      %add3A_323 = arith.addi %add3A_279, %add3A_322 : i32
      %dma_start3A_324 = arith.constant 0 : i32
      %dma_start3A_325 = arith.constant 0 : i32
      %dma_start3A_326 = arith.constant 0 : i32
      %dma_start3A_327 = arith.constant 0 : i32
      %dma_start3A_328 = tpu.memref_slice %arg9[%dma_start3A_324, %dma_start3A_326, %dma_start3A_327] : memref<2x128x128xf32, #tpu.memory_space<vmem>> -> memref<1x128x128xf32, #tpu.memory_space<vmem>>
      %dma_start3A_329 = tpu.memref_squeeze %dma_start3A_328 : memref<1x128x128xf32, #tpu.memory_space<vmem>> -> memref<128x128xf32, #tpu.memory_space<vmem>>
      %dma_start3A_330 = arith.constant 0 : i32
      %dma_start3A_331 = tpu.memref_slice %arg7[%add3A_323, %dma_start3A_330] : memref<40x128xi32, #tpu.memory_space<vmem>> -> memref<1x128xi32, #tpu.memory_space<vmem>>
      %dma_start3A_332 = tpu.memref_squeeze %dma_start3A_331 : memref<1x128xi32, #tpu.memory_space<vmem>> -> memref<128xi32, #tpu.memory_space<vmem>>
      %dma_start3A_333 = arith.constant 0 : i32
      %dma_start3A_334 = arith.constant 0 : i32
      %dma_start3A_335 = tpu.memref_slice %arg2[%dma_start3A_333, %dma_start3A_334] : memref<10000x128xf32, #tpu.memory_space<hbm>> -> memref<10000x128xf32, #tpu.memory_space<hbm>>
      %dma_start3A_336 = tpu.memref_slice %arg11[%dma_start3A_325] : memref<2x!tpu.dma_semaphore, #tpu.memory_space<semaphore_mem>> -> memref<1x!tpu.dma_semaphore, #tpu.memory_space<semaphore_mem>>
      %dma_start3A_337 = tpu.memref_squeeze %dma_start3A_336 : memref<1x!tpu.dma_semaphore, #tpu.memory_space<semaphore_mem>> -> memref<!tpu.dma_semaphore, #tpu.memory_space<semaphore_mem>>
      tpu.enqueue_indirect_dma source(%dma_start3A_335 : memref<10000x128xf32, #tpu.memory_space<hbm>>) target(%dma_start3A_329 : memref<128x128xf32, #tpu.memory_space<vmem>>) offsets(%dma_start3A_332 : memref<128xi32, #tpu.memory_space<vmem>>) semaphore(%dma_start3A_337 : memref<!tpu.dma_semaphore, #tpu.memory_space<semaphore_mem>>)
      %mul3A_338 = arith.constant 2 : i32
      %mul3A_339 = arith.muli %mul3A_338, %scan3A_275 : i32
      %add3A_340 = arith.constant 1 : i32
      %add3A_341 = arith.addi %mul3A_339, %add3A_340 : i32
      %dma_wait3A_342 = arith.constant 1 : i32
      %dma_wait3A_343 = arith.constant 1 : i32
      %dma_wait3A_344 = arith.constant 0 : i32
      %dma_wait3A_345 = arith.constant 0 : i32
      %dma_wait3A_346 = tpu.memref_slice %arg9[%dma_wait3A_342, %dma_wait3A_344, %dma_wait3A_345] : memref<2x128x128xf32, #tpu.memory_space<vmem>> -> memref<1x128x128xf32, #tpu.memory_space<vmem>>
      %dma_wait3A_347 = tpu.memref_squeeze %dma_wait3A_346 : memref<1x128x128xf32, #tpu.memory_space<vmem>> -> memref<128x128xf32, #tpu.memory_space<vmem>>
      %dma_wait3A_348 = arith.constant 0 : i32
      %dma_wait3A_349 = tpu.memref_slice %arg7[%add3A_341, %dma_wait3A_348] : memref<40x128xi32, #tpu.memory_space<vmem>> -> memref<1x128xi32, #tpu.memory_space<vmem>>
      %dma_wait3A_350 = tpu.memref_squeeze %dma_wait3A_349 : memref<1x128xi32, #tpu.memory_space<vmem>> -> memref<128xi32, #tpu.memory_space<vmem>>
      %dma_wait3A_351 = arith.constant 0 : i32
      %dma_wait3A_352 = arith.constant 0 : i32
      %dma_wait3A_353 = tpu.memref_slice %arg2[%dma_wait3A_351, %dma_wait3A_352] : memref<10000x128xf32, #tpu.memory_space<hbm>> -> memref<10000x128xf32, #tpu.memory_space<hbm>>
      %dma_wait3A_354 = tpu.memref_slice %arg11[%dma_wait3A_343] : memref<2x!tpu.dma_semaphore, #tpu.memory_space<semaphore_mem>> -> memref<1x!tpu.dma_semaphore, #tpu.memory_space<semaphore_mem>>
      %dma_wait3A_355 = tpu.memref_squeeze %dma_wait3A_354 : memref<1x!tpu.dma_semaphore, #tpu.memory_space<semaphore_mem>> -> memref<!tpu.dma_semaphore, #tpu.memory_space<semaphore_mem>>
      tpu.wait_indirect_dma semaphore(%dma_wait3A_355 : memref<!tpu.dma_semaphore, #tpu.memory_space<semaphore_mem>>) src(%dma_wait3A_353 : memref<10000x128xf32, #tpu.memory_space<hbm>>) dst(%dma_wait3A_347 : memref<128x128xf32, #tpu.memory_space<vmem>>)
      %dma_start3A_356 = arith.constant 1 : i32
      %dma_start3A_357 = arith.constant 1 : i32
      %dma_start3A_358 = arith.constant 0 : i32
      %dma_start3A_359 = arith.constant 0 : i32
      %dma_start3A_360 = tpu.memref_slice %arg9[%dma_start3A_356, %dma_start3A_358, %dma_start3A_359] : memref<2x128x128xf32, #tpu.memory_space<vmem>> -> memref<1x128x128xf32, #tpu.memory_space<vmem>>
      %dma_start3A_361 = tpu.memref_squeeze %dma_start3A_360 : memref<1x128x128xf32, #tpu.memory_space<vmem>> -> memref<128x128xf32, #tpu.memory_space<vmem>>
      %dma_start3A_362 = arith.constant 0 : i32
      %dma_start3A_363 = tpu.memref_slice %arg8[%add3A_341, %dma_start3A_362] : memref<40x128xi32, #tpu.memory_space<vmem>> -> memref<1x128xi32, #tpu.memory_space<vmem>>
      %dma_start3A_364 = tpu.memref_squeeze %dma_start3A_363 : memref<1x128xi32, #tpu.memory_space<vmem>> -> memref<128xi32, #tpu.memory_space<vmem>>
      %dma_start3A_365 = arith.constant 0 : i32
      %dma_start3A_366 = arith.constant 0 : i32
      %dma_start3A_367 = tpu.memref_slice %arg10[%dma_start3A_365, %dma_start3A_366] : memref<10112x128xf32, #tpu.memory_space<vmem_shared>> -> memref<10112x128xf32, #tpu.memory_space<vmem_shared>>
      %dma_start3A_368 = tpu.memref_slice %arg12[%dma_start3A_357] : memref<2x!tpu.dma_semaphore, #tpu.memory_space<semaphore_mem>> -> memref<1x!tpu.dma_semaphore, #tpu.memory_space<semaphore_mem>>
      %dma_start3A_369 = tpu.memref_squeeze %dma_start3A_368 : memref<1x!tpu.dma_semaphore, #tpu.memory_space<semaphore_mem>> -> memref<!tpu.dma_semaphore, #tpu.memory_space<semaphore_mem>>
      tpu.enqueue_indirect_dma source(%dma_start3A_361 : memref<128x128xf32, #tpu.memory_space<vmem>>) target(%dma_start3A_367 : memref<10112x128xf32, #tpu.memory_space<vmem_shared>>) offsets(%dma_start3A_364 : memref<128xi32, #tpu.memory_space<vmem>>) semaphore(%dma_start3A_369 : memref<!tpu.dma_semaphore, #tpu.memory_space<semaphore_mem>>) {add = true}
      %dma_wait3A_370 = arith.constant 1 : i32
      %dma_wait3A_371 = arith.constant 1 : i32
      %dma_wait3A_372 = arith.constant 0 : i32
      %dma_wait3A_373 = arith.constant 0 : i32
      %dma_wait3A_374 = tpu.memref_slice %arg9[%dma_wait3A_370, %dma_wait3A_372, %dma_wait3A_373] : memref<2x128x128xf32, #tpu.memory_space<vmem>> -> memref<1x128x128xf32, #tpu.memory_space<vmem>>
      %dma_wait3A_375 = tpu.memref_squeeze %dma_wait3A_374 : memref<1x128x128xf32, #tpu.memory_space<vmem>> -> memref<128x128xf32, #tpu.memory_space<vmem>>
      %dma_wait3A_376 = arith.constant 0 : i32
      %dma_wait3A_377 = tpu.memref_slice %arg8[%add3A_341, %dma_wait3A_376] : memref<40x128xi32, #tpu.memory_space<vmem>> -> memref<1x128xi32, #tpu.memory_space<vmem>>
      %dma_wait3A_378 = tpu.memref_squeeze %dma_wait3A_377 : memref<1x128xi32, #tpu.memory_space<vmem>> -> memref<128xi32, #tpu.memory_space<vmem>>
      %dma_wait3A_379 = arith.constant 0 : i32
      %dma_wait3A_380 = arith.constant 0 : i32
      %dma_wait3A_381 = tpu.memref_slice %arg10[%dma_wait3A_379, %dma_wait3A_380] : memref<10112x128xf32, #tpu.memory_space<vmem_shared>> -> memref<10112x128xf32, #tpu.memory_space<vmem_shared>>
      %dma_wait3A_382 = tpu.memref_slice %arg12[%dma_wait3A_371] : memref<2x!tpu.dma_semaphore, #tpu.memory_space<semaphore_mem>> -> memref<1x!tpu.dma_semaphore, #tpu.memory_space<semaphore_mem>>
      %dma_wait3A_383 = tpu.memref_squeeze %dma_wait3A_382 : memref<1x!tpu.dma_semaphore, #tpu.memory_space<semaphore_mem>> -> memref<!tpu.dma_semaphore, #tpu.memory_space<semaphore_mem>>
      tpu.wait_indirect_dma semaphore(%dma_wait3A_383 : memref<!tpu.dma_semaphore, #tpu.memory_space<semaphore_mem>>) src(%dma_wait3A_375 : memref<128x128xf32, #tpu.memory_space<vmem>>) dst(%dma_wait3A_381 : memref<10112x128xf32, #tpu.memory_space<vmem_shared>>)
      %add3A_384 = arith.constant 2 : i32
      %add3A_385 = arith.addi %add3A_341, %add3A_384 : i32
      %dma_start3A_386 = arith.constant 1 : i32
      %dma_start3A_387 = arith.constant 1 : i32
      %dma_start3A_388 = arith.constant 0 : i32
      %dma_start3A_389 = arith.constant 0 : i32
      %dma_start3A_390 = tpu.memref_slice %arg9[%dma_start3A_386, %dma_start3A_388, %dma_start3A_389] : memref<2x128x128xf32, #tpu.memory_space<vmem>> -> memref<1x128x128xf32, #tpu.memory_space<vmem>>
      %dma_start3A_391 = tpu.memref_squeeze %dma_start3A_390 : memref<1x128x128xf32, #tpu.memory_space<vmem>> -> memref<128x128xf32, #tpu.memory_space<vmem>>
      %dma_start3A_392 = arith.constant 0 : i32
      %dma_start3A_393 = tpu.memref_slice %arg7[%add3A_385, %dma_start3A_392] : memref<40x128xi32, #tpu.memory_space<vmem>> -> memref<1x128xi32, #tpu.memory_space<vmem>>
      %dma_start3A_394 = tpu.memref_squeeze %dma_start3A_393 : memref<1x128xi32, #tpu.memory_space<vmem>> -> memref<128xi32, #tpu.memory_space<vmem>>
      %dma_start3A_395 = arith.constant 0 : i32
      %dma_start3A_396 = arith.constant 0 : i32
      %dma_start3A_397 = tpu.memref_slice %arg2[%dma_start3A_395, %dma_start3A_396] : memref<10000x128xf32, #tpu.memory_space<hbm>> -> memref<10000x128xf32, #tpu.memory_space<hbm>>
      %dma_start3A_398 = tpu.memref_slice %arg11[%dma_start3A_387] : memref<2x!tpu.dma_semaphore, #tpu.memory_space<semaphore_mem>> -> memref<1x!tpu.dma_semaphore, #tpu.memory_space<semaphore_mem>>
      %dma_start3A_399 = tpu.memref_squeeze %dma_start3A_398 : memref<1x!tpu.dma_semaphore, #tpu.memory_space<semaphore_mem>> -> memref<!tpu.dma_semaphore, #tpu.memory_space<semaphore_mem>>
      tpu.enqueue_indirect_dma source(%dma_start3A_397 : memref<10000x128xf32, #tpu.memory_space<hbm>>) target(%dma_start3A_391 : memref<128x128xf32, #tpu.memory_space<vmem>>) offsets(%dma_start3A_394 : memref<128xi32, #tpu.memory_space<vmem>>) semaphore(%dma_start3A_399 : memref<!tpu.dma_semaphore, #tpu.memory_space<semaphore_mem>>)
    }
    %scan3A_46 = arith.constant 19 : i32
    %dma_wait3A = arith.constant 38 : i32
    %dma_wait3A_47 = arith.constant 0 : i32
    %dma_wait3A_48 = arith.constant 0 : i32
    %dma_wait3A_49 = arith.constant 0 : i32
    %dma_wait3A_50 = arith.constant 0 : i32
    %dma_wait3A_51 = tpu.memref_slice %arg9[%dma_wait3A_47, %dma_wait3A_49, %dma_wait3A_50] : memref<2x128x128xf32, #tpu.memory_space<vmem>> -> memref<1x128x128xf32, #tpu.memory_space<vmem>>
    %dma_wait3A_52 = tpu.memref_squeeze %dma_wait3A_51 : memref<1x128x128xf32, #tpu.memory_space<vmem>> -> memref<128x128xf32, #tpu.memory_space<vmem>>
    %dma_wait3A_53 = arith.constant 0 : i32
    %dma_wait3A_54 = tpu.memref_slice %arg7[%dma_wait3A, %dma_wait3A_53] : memref<40x128xi32, #tpu.memory_space<vmem>> -> memref<1x128xi32, #tpu.memory_space<vmem>>
    %dma_wait3A_55 = tpu.memref_squeeze %dma_wait3A_54 : memref<1x128xi32, #tpu.memory_space<vmem>> -> memref<128xi32, #tpu.memory_space<vmem>>
    %dma_wait3A_56 = arith.constant 0 : i32
    %dma_wait3A_57 = arith.constant 0 : i32
    %dma_wait3A_58 = tpu.memref_slice %arg2[%dma_wait3A_56, %dma_wait3A_57] : memref<10000x128xf32, #tpu.memory_space<hbm>> -> memref<10000x128xf32, #tpu.memory_space<hbm>>
    %dma_wait3A_59 = tpu.memref_slice %arg11[%dma_wait3A_48] : memref<2x!tpu.dma_semaphore, #tpu.memory_space<semaphore_mem>> -> memref<1x!tpu.dma_semaphore, #tpu.memory_space<semaphore_mem>>
    %dma_wait3A_60 = tpu.memref_squeeze %dma_wait3A_59 : memref<1x!tpu.dma_semaphore, #tpu.memory_space<semaphore_mem>> -> memref<!tpu.dma_semaphore, #tpu.memory_space<semaphore_mem>>
    tpu.wait_indirect_dma semaphore(%dma_wait3A_60 : memref<!tpu.dma_semaphore, #tpu.memory_space<semaphore_mem>>) src(%dma_wait3A_58 : memref<10000x128xf32, #tpu.memory_space<hbm>>) dst(%dma_wait3A_52 : memref<128x128xf32, #tpu.memory_space<vmem>>)
    %dma_start3A_61 = arith.constant 0 : i32
    %dma_start3A_62 = arith.constant 38 : i32
    %dma_start3A_63 = arith.constant 0 : i32
    %dma_start3A_64 = arith.constant 0 : i32
    %dma_start3A_65 = arith.constant 0 : i32
    %dma_start3A_66 = tpu.memref_slice %arg9[%dma_start3A_61, %dma_start3A_64, %dma_start3A_65] : memref<2x128x128xf32, #tpu.memory_space<vmem>> -> memref<1x128x128xf32, #tpu.memory_space<vmem>>
    %dma_start3A_67 = tpu.memref_squeeze %dma_start3A_66 : memref<1x128x128xf32, #tpu.memory_space<vmem>> -> memref<128x128xf32, #tpu.memory_space<vmem>>
    %dma_start3A_68 = arith.constant 0 : i32
    %dma_start3A_69 = tpu.memref_slice %arg8[%dma_start3A_62, %dma_start3A_68] : memref<40x128xi32, #tpu.memory_space<vmem>> -> memref<1x128xi32, #tpu.memory_space<vmem>>
    %dma_start3A_70 = tpu.memref_squeeze %dma_start3A_69 : memref<1x128xi32, #tpu.memory_space<vmem>> -> memref<128xi32, #tpu.memory_space<vmem>>
    %dma_start3A_71 = arith.constant 0 : i32
    %dma_start3A_72 = arith.constant 0 : i32
    %dma_start3A_73 = tpu.memref_slice %arg10[%dma_start3A_71, %dma_start3A_72] : memref<10112x128xf32, #tpu.memory_space<vmem_shared>> -> memref<10112x128xf32, #tpu.memory_space<vmem_shared>>
    %dma_start3A_74 = tpu.memref_slice %arg12[%dma_start3A_63] : memref<2x!tpu.dma_semaphore, #tpu.memory_space<semaphore_mem>> -> memref<1x!tpu.dma_semaphore, #tpu.memory_space<semaphore_mem>>
    %dma_start3A_75 = tpu.memref_squeeze %dma_start3A_74 : memref<1x!tpu.dma_semaphore, #tpu.memory_space<semaphore_mem>> -> memref<!tpu.dma_semaphore, #tpu.memory_space<semaphore_mem>>
    tpu.enqueue_indirect_dma source(%dma_start3A_67 : memref<128x128xf32, #tpu.memory_space<vmem>>) target(%dma_start3A_73 : memref<10112x128xf32, #tpu.memory_space<vmem_shared>>) offsets(%dma_start3A_70 : memref<128xi32, #tpu.memory_space<vmem>>) semaphore(%dma_start3A_75 : memref<!tpu.dma_semaphore, #tpu.memory_space<semaphore_mem>>) {add = true}
    %dma_wait3A_76 = arith.constant 39 : i32
    %dma_wait3A_77 = arith.constant 1 : i32
    %dma_wait3A_78 = arith.constant 1 : i32
    %dma_wait3A_79 = arith.constant 0 : i32
    %dma_wait3A_80 = arith.constant 0 : i32
    %dma_wait3A_81 = tpu.memref_slice %arg9[%dma_wait3A_77, %dma_wait3A_79, %dma_wait3A_80] : memref<2x128x128xf32, #tpu.memory_space<vmem>> -> memref<1x128x128xf32, #tpu.memory_space<vmem>>
    %dma_wait3A_82 = tpu.memref_squeeze %dma_wait3A_81 : memref<1x128x128xf32, #tpu.memory_space<vmem>> -> memref<128x128xf32, #tpu.memory_space<vmem>>
    %dma_wait3A_83 = arith.constant 0 : i32
    %dma_wait3A_84 = tpu.memref_slice %arg7[%dma_wait3A_76, %dma_wait3A_83] : memref<40x128xi32, #tpu.memory_space<vmem>> -> memref<1x128xi32, #tpu.memory_space<vmem>>
    %dma_wait3A_85 = tpu.memref_squeeze %dma_wait3A_84 : memref<1x128xi32, #tpu.memory_space<vmem>> -> memref<128xi32, #tpu.memory_space<vmem>>
    %dma_wait3A_86 = arith.constant 0 : i32
    %dma_wait3A_87 = arith.constant 0 : i32
    %dma_wait3A_88 = tpu.memref_slice %arg2[%dma_wait3A_86, %dma_wait3A_87] : memref<10000x128xf32, #tpu.memory_space<hbm>> -> memref<10000x128xf32, #tpu.memory_space<hbm>>
    %dma_wait3A_89 = tpu.memref_slice %arg11[%dma_wait3A_78] : memref<2x!tpu.dma_semaphore, #tpu.memory_space<semaphore_mem>> -> memref<1x!tpu.dma_semaphore, #tpu.memory_space<semaphore_mem>>
    %dma_wait3A_90 = tpu.memref_squeeze %dma_wait3A_89 : memref<1x!tpu.dma_semaphore, #tpu.memory_space<semaphore_mem>> -> memref<!tpu.dma_semaphore, #tpu.memory_space<semaphore_mem>>
    tpu.wait_indirect_dma semaphore(%dma_wait3A_90 : memref<!tpu.dma_semaphore, #tpu.memory_space<semaphore_mem>>) src(%dma_wait3A_88 : memref<10000x128xf32, #tpu.memory_space<hbm>>) dst(%dma_wait3A_82 : memref<128x128xf32, #tpu.memory_space<vmem>>)
    %dma_start3A_91 = arith.constant 1 : i32
    %dma_start3A_92 = arith.constant 39 : i32
    %dma_start3A_93 = arith.constant 1 : i32
    %dma_start3A_94 = arith.constant 0 : i32
    %dma_start3A_95 = arith.constant 0 : i32
    %dma_start3A_96 = tpu.memref_slice %arg9[%dma_start3A_91, %dma_start3A_94, %dma_start3A_95] : memref<2x128x128xf32, #tpu.memory_space<vmem>> -> memref<1x128x128xf32, #tpu.memory_space<vmem>>
    %dma_start3A_97 = tpu.memref_squeeze %dma_start3A_96 : memref<1x128x128xf32, #tpu.memory_space<vmem>> -> memref<128x128xf32, #tpu.memory_space<vmem>>
    %dma_start3A_98 = arith.constant 0 : i32
    %dma_start3A_99 = tpu.memref_slice %arg8[%dma_start3A_92, %dma_start3A_98] : memref<40x128xi32, #tpu.memory_space<vmem>> -> memref<1x128xi32, #tpu.memory_space<vmem>>
    %dma_start3A_100 = tpu.memref_squeeze %dma_start3A_99 : memref<1x128xi32, #tpu.memory_space<vmem>> -> memref<128xi32, #tpu.memory_space<vmem>>
    %dma_start3A_101 = arith.constant 0 : i32
    %dma_start3A_102 = arith.constant 0 : i32
    %dma_start3A_103 = tpu.memref_slice %arg10[%dma_start3A_101, %dma_start3A_102] : memref<10112x128xf32, #tpu.memory_space<vmem_shared>> -> memref<10112x128xf32, #tpu.memory_space<vmem_shared>>
    %dma_start3A_104 = tpu.memref_slice %arg12[%dma_start3A_93] : memref<2x!tpu.dma_semaphore, #tpu.memory_space<semaphore_mem>> -> memref<1x!tpu.dma_semaphore, #tpu.memory_space<semaphore_mem>>
    %dma_start3A_105 = tpu.memref_squeeze %dma_start3A_104 : memref<1x!tpu.dma_semaphore, #tpu.memory_space<semaphore_mem>> -> memref<!tpu.dma_semaphore, #tpu.memory_space<semaphore_mem>>
    tpu.enqueue_indirect_dma source(%dma_start3A_97 : memref<128x128xf32, #tpu.memory_space<vmem>>) target(%dma_start3A_103 : memref<10112x128xf32, #tpu.memory_space<vmem_shared>>) offsets(%dma_start3A_100 : memref<128xi32, #tpu.memory_space<vmem>>) semaphore(%dma_start3A_105 : memref<!tpu.dma_semaphore, #tpu.memory_space<semaphore_mem>>) {add = true}
    %dma_wait3A_106 = arith.constant 0 : i32
    %dma_wait3A_107 = arith.constant 38 : i32
    %dma_wait3A_108 = arith.constant 0 : i32
    %dma_wait3A_109 = arith.constant 0 : i32
    %dma_wait3A_110 = arith.constant 0 : i32
    %dma_wait3A_111 = tpu.memref_slice %arg9[%dma_wait3A_106, %dma_wait3A_109, %dma_wait3A_110] : memref<2x128x128xf32, #tpu.memory_space<vmem>> -> memref<1x128x128xf32, #tpu.memory_space<vmem>>
    %dma_wait3A_112 = tpu.memref_squeeze %dma_wait3A_111 : memref<1x128x128xf32, #tpu.memory_space<vmem>> -> memref<128x128xf32, #tpu.memory_space<vmem>>
    %dma_wait3A_113 = arith.constant 0 : i32
    %dma_wait3A_114 = tpu.memref_slice %arg8[%dma_wait3A_107, %dma_wait3A_113] : memref<40x128xi32, #tpu.memory_space<vmem>> -> memref<1x128xi32, #tpu.memory_space<vmem>>
    %dma_wait3A_115 = tpu.memref_squeeze %dma_wait3A_114 : memref<1x128xi32, #tpu.memory_space<vmem>> -> memref<128xi32, #tpu.memory_space<vmem>>
    %dma_wait3A_116 = arith.constant 0 : i32
    %dma_wait3A_117 = arith.constant 0 : i32
    %dma_wait3A_118 = tpu.memref_slice %arg10[%dma_wait3A_116, %dma_wait3A_117] : memref<10112x128xf32, #tpu.memory_space<vmem_shared>> -> memref<10112x128xf32, #tpu.memory_space<vmem_shared>>
    %dma_wait3A_119 = tpu.memref_slice %arg12[%dma_wait3A_108] : memref<2x!tpu.dma_semaphore, #tpu.memory_space<semaphore_mem>> -> memref<1x!tpu.dma_semaphore, #tpu.memory_space<semaphore_mem>>
    %dma_wait3A_120 = tpu.memref_squeeze %dma_wait3A_119 : memref<1x!tpu.dma_semaphore, #tpu.memory_space<semaphore_mem>> -> memref<!tpu.dma_semaphore, #tpu.memory_space<semaphore_mem>>
    tpu.wait_indirect_dma semaphore(%dma_wait3A_120 : memref<!tpu.dma_semaphore, #tpu.memory_space<semaphore_mem>>) src(%dma_wait3A_112 : memref<128x128xf32, #tpu.memory_space<vmem>>) dst(%dma_wait3A_118 : memref<10112x128xf32, #tpu.memory_space<vmem_shared>>)
    %dma_wait3A_121 = arith.constant 1 : i32
    %dma_wait3A_122 = arith.constant 39 : i32
    %dma_wait3A_123 = arith.constant 1 : i32
    %dma_wait3A_124 = arith.constant 0 : i32
    %dma_wait3A_125 = arith.constant 0 : i32
    %dma_wait3A_126 = tpu.memref_slice %arg9[%dma_wait3A_121, %dma_wait3A_124, %dma_wait3A_125] : memref<2x128x128xf32, #tpu.memory_space<vmem>> -> memref<1x128x128xf32, #tpu.memory_space<vmem>>
    %dma_wait3A_127 = tpu.memref_squeeze %dma_wait3A_126 : memref<1x128x128xf32, #tpu.memory_space<vmem>> -> memref<128x128xf32, #tpu.memory_space<vmem>>
    %dma_wait3A_128 = arith.constant 0 : i32
    %dma_wait3A_129 = tpu.memref_slice %arg8[%dma_wait3A_122, %dma_wait3A_128] : memref<40x128xi32, #tpu.memory_space<vmem>> -> memref<1x128xi32, #tpu.memory_space<vmem>>
    %dma_wait3A_130 = tpu.memref_squeeze %dma_wait3A_129 : memref<1x128xi32, #tpu.memory_space<vmem>> -> memref<128xi32, #tpu.memory_space<vmem>>
    %dma_wait3A_131 = arith.constant 0 : i32
    %dma_wait3A_132 = arith.constant 0 : i32
    %dma_wait3A_133 = tpu.memref_slice %arg10[%dma_wait3A_131, %dma_wait3A_132] : memref<10112x128xf32, #tpu.memory_space<vmem_shared>> -> memref<10112x128xf32, #tpu.memory_space<vmem_shared>>
    %dma_wait3A_134 = tpu.memref_slice %arg12[%dma_wait3A_123] : memref<2x!tpu.dma_semaphore, #tpu.memory_space<semaphore_mem>> -> memref<1x!tpu.dma_semaphore, #tpu.memory_space<semaphore_mem>>
    %dma_wait3A_135 = tpu.memref_squeeze %dma_wait3A_134 : memref<1x!tpu.dma_semaphore, #tpu.memory_space<semaphore_mem>> -> memref<!tpu.dma_semaphore, #tpu.memory_space<semaphore_mem>>
    tpu.wait_indirect_dma semaphore(%dma_wait3A_135 : memref<!tpu.dma_semaphore, #tpu.memory_space<semaphore_mem>>) src(%dma_wait3A_127 : memref<128x128xf32, #tpu.memory_space<vmem>>) dst(%dma_wait3A_133 : memref<10112x128xf32, #tpu.memory_space<vmem_shared>>)
    %mul3A_136 = arith.constant 80 : i32
    %mul3A_137 = arith.muli %add3A, %mul3A_136 : i32
    %add3A_138 = arith.constant 40 : i32
    %add3A_139 = arith.addi %mul3A_137, %add3A_138 : i32
    "tpu.region"() ({
      %run_scoped3A = tpu.sem_alloc : memref<!tpu.dma_semaphore, #tpu.memory_space<semaphore_mem>>
      %dma_start3A_275 = arith.constant 0 : i32
      %dma_start3A_276 = tpu.memref_slice %arg3[%add3A_139, %dma_start3A_275] : memref<2560x128xi32, #tpu.memory_space<hbm>> -> memref<40x128xi32, #tpu.memory_space<hbm>>
      %dma_start3A_277 = arith.constant 0 : i32
      %dma_start3A_278 = tpu.memref_slice %arg3[%add3A_139, %dma_start3A_277] : memref<2560x128xi32, #tpu.memory_space<hbm>> -> memref<40x128xi32, #tpu.memory_space<hbm>>
      tpu.enqueue_dma source(%dma_start3A_278 : memref<40x128xi32, #tpu.memory_space<hbm>>) target(%arg7 : memref<40x128xi32, #tpu.memory_space<vmem>>) target_semaphore(%run_scoped3A : memref<!tpu.dma_semaphore, #tpu.memory_space<semaphore_mem>>)
      %dma_wait3A_279 = arith.constant 0 : i32
      %dma_wait3A_280 = tpu.memref_slice %arg3[%add3A_139, %dma_wait3A_279] : memref<2560x128xi32, #tpu.memory_space<hbm>> -> memref<40x128xi32, #tpu.memory_space<hbm>>
      %dma_wait3A_281 = arith.constant 0 : i32
      %dma_wait3A_282 = tpu.memref_slice %arg3[%add3A_139, %dma_wait3A_281] : memref<2560x128xi32, #tpu.memory_space<hbm>> -> memref<40x128xi32, #tpu.memory_space<hbm>>
      tpu.wait_dma2 semaphore(%run_scoped3A : memref<!tpu.dma_semaphore, #tpu.memory_space<semaphore_mem>>) src(%dma_wait3A_282 : memref<40x128xi32, #tpu.memory_space<hbm>>) dst(%arg7 : memref<40x128xi32, #tpu.memory_space<vmem>>)
      tpu.yield
    }) : () -> ()
    %mul3A_140 = arith.constant 80 : i32
    %mul3A_141 = arith.muli %add3A, %mul3A_140 : i32
    %add3A_142 = arith.constant 40 : i32
    %add3A_143 = arith.addi %mul3A_141, %add3A_142 : i32
    "tpu.region"() ({
      %run_scoped3A = tpu.sem_alloc : memref<!tpu.dma_semaphore, #tpu.memory_space<semaphore_mem>>
      %dma_start3A_275 = arith.constant 0 : i32
      %dma_start3A_276 = tpu.memref_slice %arg4[%add3A_143, %dma_start3A_275] : memref<2560x128xi32, #tpu.memory_space<hbm>> -> memref<40x128xi32, #tpu.memory_space<hbm>>
      %dma_start3A_277 = arith.constant 0 : i32
      %dma_start3A_278 = tpu.memref_slice %arg4[%add3A_143, %dma_start3A_277] : memref<2560x128xi32, #tpu.memory_space<hbm>> -> memref<40x128xi32, #tpu.memory_space<hbm>>
      tpu.enqueue_dma source(%dma_start3A_278 : memref<40x128xi32, #tpu.memory_space<hbm>>) target(%arg8 : memref<40x128xi32, #tpu.memory_space<vmem>>) target_semaphore(%run_scoped3A : memref<!tpu.dma_semaphore, #tpu.memory_space<semaphore_mem>>)
      %dma_wait3A_279 = arith.constant 0 : i32
      %dma_wait3A_280 = tpu.memref_slice %arg4[%add3A_143, %dma_wait3A_279] : memref<2560x128xi32, #tpu.memory_space<hbm>> -> memref<40x128xi32, #tpu.memory_space<hbm>>
      %dma_wait3A_281 = arith.constant 0 : i32
      %dma_wait3A_282 = tpu.memref_slice %arg4[%add3A_143, %dma_wait3A_281] : memref<2560x128xi32, #tpu.memory_space<hbm>> -> memref<40x128xi32, #tpu.memory_space<hbm>>
      tpu.wait_dma2 semaphore(%run_scoped3A : memref<!tpu.dma_semaphore, #tpu.memory_space<semaphore_mem>>) src(%dma_wait3A_282 : memref<40x128xi32, #tpu.memory_space<hbm>>) dst(%arg8 : memref<40x128xi32, #tpu.memory_space<vmem>>)
      tpu.yield
    }) : () -> ()
    %dma_start3A_144 = arith.constant 0 : i32
    %dma_start3A_145 = arith.constant 0 : i32
    %dma_start3A_146 = arith.constant 0 : i32
    %dma_start3A_147 = arith.constant 0 : i32
    %dma_start3A_148 = arith.constant 0 : i32
    %dma_start3A_149 = tpu.memref_slice %arg9[%dma_start3A_145, %dma_start3A_147, %dma_start3A_148] : memref<2x128x128xf32, #tpu.memory_space<vmem>> -> memref<1x128x128xf32, #tpu.memory_space<vmem>>
    %dma_start3A_150 = tpu.memref_squeeze %dma_start3A_149 : memref<1x128x128xf32, #tpu.memory_space<vmem>> -> memref<128x128xf32, #tpu.memory_space<vmem>>
    %dma_start3A_151 = arith.constant 0 : i32
    %dma_start3A_152 = tpu.memref_slice %arg7[%dma_start3A_144, %dma_start3A_151] : memref<40x128xi32, #tpu.memory_space<vmem>> -> memref<1x128xi32, #tpu.memory_space<vmem>>
    %dma_start3A_153 = tpu.memref_squeeze %dma_start3A_152 : memref<1x128xi32, #tpu.memory_space<vmem>> -> memref<128xi32, #tpu.memory_space<vmem>>
    %dma_start3A_154 = arith.constant 0 : i32
    %dma_start3A_155 = arith.constant 0 : i32
    %dma_start3A_156 = tpu.memref_slice %arg2[%dma_start3A_154, %dma_start3A_155] : memref<10000x128xf32, #tpu.memory_space<hbm>> -> memref<10000x128xf32, #tpu.memory_space<hbm>>
    %dma_start3A_157 = tpu.memref_slice %arg11[%dma_start3A_146] : memref<2x!tpu.dma_semaphore, #tpu.memory_space<semaphore_mem>> -> memref<1x!tpu.dma_semaphore, #tpu.memory_space<semaphore_mem>>
    %dma_start3A_158 = tpu.memref_squeeze %dma_start3A_157 : memref<1x!tpu.dma_semaphore, #tpu.memory_space<semaphore_mem>> -> memref<!tpu.dma_semaphore, #tpu.memory_space<semaphore_mem>>
    tpu.enqueue_indirect_dma source(%dma_start3A_156 : memref<10000x128xf32, #tpu.memory_space<hbm>>) target(%dma_start3A_150 : memref<128x128xf32, #tpu.memory_space<vmem>>) offsets(%dma_start3A_153 : memref<128xi32, #tpu.memory_space<vmem>>) semaphore(%dma_start3A_158 : memref<!tpu.dma_semaphore, #tpu.memory_space<semaphore_mem>>)
    %dma_start3A_159 = arith.constant 1 : i32
    %dma_start3A_160 = arith.constant 1 : i32
    %dma_start3A_161 = arith.constant 1 : i32
    %dma_start3A_162 = arith.constant 0 : i32
    %dma_start3A_163 = arith.constant 0 : i32
    %dma_start3A_164 = tpu.memref_slice %arg9[%dma_start3A_160, %dma_start3A_162, %dma_start3A_163] : memref<2x128x128xf32, #tpu.memory_space<vmem>> -> memref<1x128x128xf32, #tpu.memory_space<vmem>>
    %dma_start3A_165 = tpu.memref_squeeze %dma_start3A_164 : memref<1x128x128xf32, #tpu.memory_space<vmem>> -> memref<128x128xf32, #tpu.memory_space<vmem>>
    %dma_start3A_166 = arith.constant 0 : i32
    %dma_start3A_167 = tpu.memref_slice %arg7[%dma_start3A_159, %dma_start3A_166] : memref<40x128xi32, #tpu.memory_space<vmem>> -> memref<1x128xi32, #tpu.memory_space<vmem>>
    %dma_start3A_168 = tpu.memref_squeeze %dma_start3A_167 : memref<1x128xi32, #tpu.memory_space<vmem>> -> memref<128xi32, #tpu.memory_space<vmem>>
    %dma_start3A_169 = arith.constant 0 : i32
    %dma_start3A_170 = arith.constant 0 : i32
    %dma_start3A_171 = tpu.memref_slice %arg2[%dma_start3A_169, %dma_start3A_170] : memref<10000x128xf32, #tpu.memory_space<hbm>> -> memref<10000x128xf32, #tpu.memory_space<hbm>>
    %dma_start3A_172 = tpu.memref_slice %arg11[%dma_start3A_161] : memref<2x!tpu.dma_semaphore, #tpu.memory_space<semaphore_mem>> -> memref<1x!tpu.dma_semaphore, #tpu.memory_space<semaphore_mem>>
    %dma_start3A_173 = tpu.memref_squeeze %dma_start3A_172 : memref<1x!tpu.dma_semaphore, #tpu.memory_space<semaphore_mem>> -> memref<!tpu.dma_semaphore, #tpu.memory_space<semaphore_mem>>
    tpu.enqueue_indirect_dma source(%dma_start3A_171 : memref<10000x128xf32, #tpu.memory_space<hbm>>) target(%dma_start3A_165 : memref<128x128xf32, #tpu.memory_space<vmem>>) offsets(%dma_start3A_168 : memref<128xi32, #tpu.memory_space<vmem>>) semaphore(%dma_start3A_173 : memref<!tpu.dma_semaphore, #tpu.memory_space<semaphore_mem>>)
    %scan3A_174 = arith.constant 0 : i32
    %scan3A_175 = arith.constant 0 : i32
    %scan3A_176 = arith.constant 19 : i32
    %scan3A_177 = arith.addi %scan3A_175, %scan3A_176 : i32
    %scan3A_178 = arith.constant 1 : i32
    scf.for %scan3A_275 = %scan3A_175 to %scan3A_177 step %scan3A_178  : i32 {
      %mul3A_276 = arith.constant 2 : i32
      %mul3A_277 = arith.muli %mul3A_276, %scan3A_275 : i32
      %add3A_278 = arith.constant 0 : i32
      %add3A_279 = arith.addi %mul3A_277, %add3A_278 : i32
      %dma_wait3A_280 = arith.constant 0 : i32
      %dma_wait3A_281 = arith.constant 0 : i32
      %dma_wait3A_282 = arith.constant 0 : i32
      %dma_wait3A_283 = arith.constant 0 : i32
      %dma_wait3A_284 = tpu.memref_slice %arg9[%dma_wait3A_280, %dma_wait3A_282, %dma_wait3A_283] : memref<2x128x128xf32, #tpu.memory_space<vmem>> -> memref<1x128x128xf32, #tpu.memory_space<vmem>>
      %dma_wait3A_285 = tpu.memref_squeeze %dma_wait3A_284 : memref<1x128x128xf32, #tpu.memory_space<vmem>> -> memref<128x128xf32, #tpu.memory_space<vmem>>
      %dma_wait3A_286 = arith.constant 0 : i32
      %dma_wait3A_287 = tpu.memref_slice %arg7[%add3A_279, %dma_wait3A_286] : memref<40x128xi32, #tpu.memory_space<vmem>> -> memref<1x128xi32, #tpu.memory_space<vmem>>
      %dma_wait3A_288 = tpu.memref_squeeze %dma_wait3A_287 : memref<1x128xi32, #tpu.memory_space<vmem>> -> memref<128xi32, #tpu.memory_space<vmem>>
      %dma_wait3A_289 = arith.constant 0 : i32
      %dma_wait3A_290 = arith.constant 0 : i32
      %dma_wait3A_291 = tpu.memref_slice %arg2[%dma_wait3A_289, %dma_wait3A_290] : memref<10000x128xf32, #tpu.memory_space<hbm>> -> memref<10000x128xf32, #tpu.memory_space<hbm>>
      %dma_wait3A_292 = tpu.memref_slice %arg11[%dma_wait3A_281] : memref<2x!tpu.dma_semaphore, #tpu.memory_space<semaphore_mem>> -> memref<1x!tpu.dma_semaphore, #tpu.memory_space<semaphore_mem>>
      %dma_wait3A_293 = tpu.memref_squeeze %dma_wait3A_292 : memref<1x!tpu.dma_semaphore, #tpu.memory_space<semaphore_mem>> -> memref<!tpu.dma_semaphore, #tpu.memory_space<semaphore_mem>>
      tpu.wait_indirect_dma semaphore(%dma_wait3A_293 : memref<!tpu.dma_semaphore, #tpu.memory_space<semaphore_mem>>) src(%dma_wait3A_291 : memref<10000x128xf32, #tpu.memory_space<hbm>>) dst(%dma_wait3A_285 : memref<128x128xf32, #tpu.memory_space<vmem>>)
      %dma_start3A_294 = arith.constant 0 : i32
      %dma_start3A_295 = arith.constant 0 : i32
      %dma_start3A_296 = arith.constant 0 : i32
      %dma_start3A_297 = arith.constant 0 : i32
      %dma_start3A_298 = tpu.memref_slice %arg9[%dma_start3A_294, %dma_start3A_296, %dma_start3A_297] : memref<2x128x128xf32, #tpu.memory_space<vmem>> -> memref<1x128x128xf32, #tpu.memory_space<vmem>>
      %dma_start3A_299 = tpu.memref_squeeze %dma_start3A_298 : memref<1x128x128xf32, #tpu.memory_space<vmem>> -> memref<128x128xf32, #tpu.memory_space<vmem>>
      %dma_start3A_300 = arith.constant 0 : i32
      %dma_start3A_301 = tpu.memref_slice %arg8[%add3A_279, %dma_start3A_300] : memref<40x128xi32, #tpu.memory_space<vmem>> -> memref<1x128xi32, #tpu.memory_space<vmem>>
      %dma_start3A_302 = tpu.memref_squeeze %dma_start3A_301 : memref<1x128xi32, #tpu.memory_space<vmem>> -> memref<128xi32, #tpu.memory_space<vmem>>
      %dma_start3A_303 = arith.constant 0 : i32
      %dma_start3A_304 = arith.constant 0 : i32
      %dma_start3A_305 = tpu.memref_slice %arg10[%dma_start3A_303, %dma_start3A_304] : memref<10112x128xf32, #tpu.memory_space<vmem_shared>> -> memref<10112x128xf32, #tpu.memory_space<vmem_shared>>
      %dma_start3A_306 = tpu.memref_slice %arg12[%dma_start3A_295] : memref<2x!tpu.dma_semaphore, #tpu.memory_space<semaphore_mem>> -> memref<1x!tpu.dma_semaphore, #tpu.memory_space<semaphore_mem>>
      %dma_start3A_307 = tpu.memref_squeeze %dma_start3A_306 : memref<1x!tpu.dma_semaphore, #tpu.memory_space<semaphore_mem>> -> memref<!tpu.dma_semaphore, #tpu.memory_space<semaphore_mem>>
      tpu.enqueue_indirect_dma source(%dma_start3A_299 : memref<128x128xf32, #tpu.memory_space<vmem>>) target(%dma_start3A_305 : memref<10112x128xf32, #tpu.memory_space<vmem_shared>>) offsets(%dma_start3A_302 : memref<128xi32, #tpu.memory_space<vmem>>) semaphore(%dma_start3A_307 : memref<!tpu.dma_semaphore, #tpu.memory_space<semaphore_mem>>) {add = true}
      %dma_wait3A_308 = arith.constant 0 : i32
      %dma_wait3A_309 = arith.constant 0 : i32
      %dma_wait3A_310 = arith.constant 0 : i32
      %dma_wait3A_311 = arith.constant 0 : i32
      %dma_wait3A_312 = tpu.memref_slice %arg9[%dma_wait3A_308, %dma_wait3A_310, %dma_wait3A_311] : memref<2x128x128xf32, #tpu.memory_space<vmem>> -> memref<1x128x128xf32, #tpu.memory_space<vmem>>
      %dma_wait3A_313 = tpu.memref_squeeze %dma_wait3A_312 : memref<1x128x128xf32, #tpu.memory_space<vmem>> -> memref<128x128xf32, #tpu.memory_space<vmem>>
      %dma_wait3A_314 = arith.constant 0 : i32
      %dma_wait3A_315 = tpu.memref_slice %arg8[%add3A_279, %dma_wait3A_314] : memref<40x128xi32, #tpu.memory_space<vmem>> -> memref<1x128xi32, #tpu.memory_space<vmem>>
      %dma_wait3A_316 = tpu.memref_squeeze %dma_wait3A_315 : memref<1x128xi32, #tpu.memory_space<vmem>> -> memref<128xi32, #tpu.memory_space<vmem>>
      %dma_wait3A_317 = arith.constant 0 : i32
      %dma_wait3A_318 = arith.constant 0 : i32
      %dma_wait3A_319 = tpu.memref_slice %arg10[%dma_wait3A_317, %dma_wait3A_318] : memref<10112x128xf32, #tpu.memory_space<vmem_shared>> -> memref<10112x128xf32, #tpu.memory_space<vmem_shared>>
      %dma_wait3A_320 = tpu.memref_slice %arg12[%dma_wait3A_309] : memref<2x!tpu.dma_semaphore, #tpu.memory_space<semaphore_mem>> -> memref<1x!tpu.dma_semaphore, #tpu.memory_space<semaphore_mem>>
      %dma_wait3A_321 = tpu.memref_squeeze %dma_wait3A_320 : memref<1x!tpu.dma_semaphore, #tpu.memory_space<semaphore_mem>> -> memref<!tpu.dma_semaphore, #tpu.memory_space<semaphore_mem>>
      tpu.wait_indirect_dma semaphore(%dma_wait3A_321 : memref<!tpu.dma_semaphore, #tpu.memory_space<semaphore_mem>>) src(%dma_wait3A_313 : memref<128x128xf32, #tpu.memory_space<vmem>>) dst(%dma_wait3A_319 : memref<10112x128xf32, #tpu.memory_space<vmem_shared>>)
      %add3A_322 = arith.constant 2 : i32
      %add3A_323 = arith.addi %add3A_279, %add3A_322 : i32
      %dma_start3A_324 = arith.constant 0 : i32
      %dma_start3A_325 = arith.constant 0 : i32
      %dma_start3A_326 = arith.constant 0 : i32
      %dma_start3A_327 = arith.constant 0 : i32
      %dma_start3A_328 = tpu.memref_slice %arg9[%dma_start3A_324, %dma_start3A_326, %dma_start3A_327] : memref<2x128x128xf32, #tpu.memory_space<vmem>> -> memref<1x128x128xf32, #tpu.memory_space<vmem>>
      %dma_start3A_329 = tpu.memref_squeeze %dma_start3A_328 : memref<1x128x128xf32, #tpu.memory_space<vmem>> -> memref<128x128xf32, #tpu.memory_space<vmem>>
      %dma_start3A_330 = arith.constant 0 : i32
      %dma_start3A_331 = tpu.memref_slice %arg7[%add3A_323, %dma_start3A_330] : memref<40x128xi32, #tpu.memory_space<vmem>> -> memref<1x128xi32, #tpu.memory_space<vmem>>
      %dma_start3A_332 = tpu.memref_squeeze %dma_start3A_331 : memref<1x128xi32, #tpu.memory_space<vmem>> -> memref<128xi32, #tpu.memory_space<vmem>>
      %dma_start3A_333 = arith.constant 0 : i32
      %dma_start3A_334 = arith.constant 0 : i32
      %dma_start3A_335 = tpu.memref_slice %arg2[%dma_start3A_333, %dma_start3A_334] : memref<10000x128xf32, #tpu.memory_space<hbm>> -> memref<10000x128xf32, #tpu.memory_space<hbm>>
      %dma_start3A_336 = tpu.memref_slice %arg11[%dma_start3A_325] : memref<2x!tpu.dma_semaphore, #tpu.memory_space<semaphore_mem>> -> memref<1x!tpu.dma_semaphore, #tpu.memory_space<semaphore_mem>>
      %dma_start3A_337 = tpu.memref_squeeze %dma_start3A_336 : memref<1x!tpu.dma_semaphore, #tpu.memory_space<semaphore_mem>> -> memref<!tpu.dma_semaphore, #tpu.memory_space<semaphore_mem>>
      tpu.enqueue_indirect_dma source(%dma_start3A_335 : memref<10000x128xf32, #tpu.memory_space<hbm>>) target(%dma_start3A_329 : memref<128x128xf32, #tpu.memory_space<vmem>>) offsets(%dma_start3A_332 : memref<128xi32, #tpu.memory_space<vmem>>) semaphore(%dma_start3A_337 : memref<!tpu.dma_semaphore, #tpu.memory_space<semaphore_mem>>)
      %mul3A_338 = arith.constant 2 : i32
      %mul3A_339 = arith.muli %mul3A_338, %scan3A_275 : i32
      %add3A_340 = arith.constant 1 : i32
      %add3A_341 = arith.addi %mul3A_339, %add3A_340 : i32
      %dma_wait3A_342 = arith.constant 1 : i32
      %dma_wait3A_343 = arith.constant 1 : i32
      %dma_wait3A_344 = arith.constant 0 : i32
      %dma_wait3A_345 = arith.constant 0 : i32
      %dma_wait3A_346 = tpu.memref_slice %arg9[%dma_wait3A_342, %dma_wait3A_344, %dma_wait3A_345] : memref<2x128x128xf32, #tpu.memory_space<vmem>> -> memref<1x128x128xf32, #tpu.memory_space<vmem>>
      %dma_wait3A_347 = tpu.memref_squeeze %dma_wait3A_346 : memref<1x128x128xf32, #tpu.memory_space<vmem>> -> memref<128x128xf32, #tpu.memory_space<vmem>>
      %dma_wait3A_348 = arith.constant 0 : i32
      %dma_wait3A_349 = tpu.memref_slice %arg7[%add3A_341, %dma_wait3A_348] : memref<40x128xi32, #tpu.memory_space<vmem>> -> memref<1x128xi32, #tpu.memory_space<vmem>>
      %dma_wait3A_350 = tpu.memref_squeeze %dma_wait3A_349 : memref<1x128xi32, #tpu.memory_space<vmem>> -> memref<128xi32, #tpu.memory_space<vmem>>
      %dma_wait3A_351 = arith.constant 0 : i32
      %dma_wait3A_352 = arith.constant 0 : i32
      %dma_wait3A_353 = tpu.memref_slice %arg2[%dma_wait3A_351, %dma_wait3A_352] : memref<10000x128xf32, #tpu.memory_space<hbm>> -> memref<10000x128xf32, #tpu.memory_space<hbm>>
      %dma_wait3A_354 = tpu.memref_slice %arg11[%dma_wait3A_343] : memref<2x!tpu.dma_semaphore, #tpu.memory_space<semaphore_mem>> -> memref<1x!tpu.dma_semaphore, #tpu.memory_space<semaphore_mem>>
      %dma_wait3A_355 = tpu.memref_squeeze %dma_wait3A_354 : memref<1x!tpu.dma_semaphore, #tpu.memory_space<semaphore_mem>> -> memref<!tpu.dma_semaphore, #tpu.memory_space<semaphore_mem>>
      tpu.wait_indirect_dma semaphore(%dma_wait3A_355 : memref<!tpu.dma_semaphore, #tpu.memory_space<semaphore_mem>>) src(%dma_wait3A_353 : memref<10000x128xf32, #tpu.memory_space<hbm>>) dst(%dma_wait3A_347 : memref<128x128xf32, #tpu.memory_space<vmem>>)
      %dma_start3A_356 = arith.constant 1 : i32
      %dma_start3A_357 = arith.constant 1 : i32
      %dma_start3A_358 = arith.constant 0 : i32
      %dma_start3A_359 = arith.constant 0 : i32
      %dma_start3A_360 = tpu.memref_slice %arg9[%dma_start3A_356, %dma_start3A_358, %dma_start3A_359] : memref<2x128x128xf32, #tpu.memory_space<vmem>> -> memref<1x128x128xf32, #tpu.memory_space<vmem>>
      %dma_start3A_361 = tpu.memref_squeeze %dma_start3A_360 : memref<1x128x128xf32, #tpu.memory_space<vmem>> -> memref<128x128xf32, #tpu.memory_space<vmem>>
      %dma_start3A_362 = arith.constant 0 : i32
      %dma_start3A_363 = tpu.memref_slice %arg8[%add3A_341, %dma_start3A_362] : memref<40x128xi32, #tpu.memory_space<vmem>> -> memref<1x128xi32, #tpu.memory_space<vmem>>
      %dma_start3A_364 = tpu.memref_squeeze %dma_start3A_363 : memref<1x128xi32, #tpu.memory_space<vmem>> -> memref<128xi32, #tpu.memory_space<vmem>>
      %dma_start3A_365 = arith.constant 0 : i32
      %dma_start3A_366 = arith.constant 0 : i32
      %dma_start3A_367 = tpu.memref_slice %arg10[%dma_start3A_365, %dma_start3A_366] : memref<10112x128xf32, #tpu.memory_space<vmem_shared>> -> memref<10112x128xf32, #tpu.memory_space<vmem_shared>>
      %dma_start3A_368 = tpu.memref_slice %arg12[%dma_start3A_357] : memref<2x!tpu.dma_semaphore, #tpu.memory_space<semaphore_mem>> -> memref<1x!tpu.dma_semaphore, #tpu.memory_space<semaphore_mem>>
      %dma_start3A_369 = tpu.memref_squeeze %dma_start3A_368 : memref<1x!tpu.dma_semaphore, #tpu.memory_space<semaphore_mem>> -> memref<!tpu.dma_semaphore, #tpu.memory_space<semaphore_mem>>
      tpu.enqueue_indirect_dma source(%dma_start3A_361 : memref<128x128xf32, #tpu.memory_space<vmem>>) target(%dma_start3A_367 : memref<10112x128xf32, #tpu.memory_space<vmem_shared>>) offsets(%dma_start3A_364 : memref<128xi32, #tpu.memory_space<vmem>>) semaphore(%dma_start3A_369 : memref<!tpu.dma_semaphore, #tpu.memory_space<semaphore_mem>>) {add = true}
      %dma_wait3A_370 = arith.constant 1 : i32
      %dma_wait3A_371 = arith.constant 1 : i32
      %dma_wait3A_372 = arith.constant 0 : i32
      %dma_wait3A_373 = arith.constant 0 : i32
      %dma_wait3A_374 = tpu.memref_slice %arg9[%dma_wait3A_370, %dma_wait3A_372, %dma_wait3A_373] : memref<2x128x128xf32, #tpu.memory_space<vmem>> -> memref<1x128x128xf32, #tpu.memory_space<vmem>>
      %dma_wait3A_375 = tpu.memref_squeeze %dma_wait3A_374 : memref<1x128x128xf32, #tpu.memory_space<vmem>> -> memref<128x128xf32, #tpu.memory_space<vmem>>
      %dma_wait3A_376 = arith.constant 0 : i32
      %dma_wait3A_377 = tpu.memref_slice %arg8[%add3A_341, %dma_wait3A_376] : memref<40x128xi32, #tpu.memory_space<vmem>> -> memref<1x128xi32, #tpu.memory_space<vmem>>
      %dma_wait3A_378 = tpu.memref_squeeze %dma_wait3A_377 : memref<1x128xi32, #tpu.memory_space<vmem>> -> memref<128xi32, #tpu.memory_space<vmem>>
      %dma_wait3A_379 = arith.constant 0 : i32
      %dma_wait3A_380 = arith.constant 0 : i32
      %dma_wait3A_381 = tpu.memref_slice %arg10[%dma_wait3A_379, %dma_wait3A_380] : memref<10112x128xf32, #tpu.memory_space<vmem_shared>> -> memref<10112x128xf32, #tpu.memory_space<vmem_shared>>
      %dma_wait3A_382 = tpu.memref_slice %arg12[%dma_wait3A_371] : memref<2x!tpu.dma_semaphore, #tpu.memory_space<semaphore_mem>> -> memref<1x!tpu.dma_semaphore, #tpu.memory_space<semaphore_mem>>
      %dma_wait3A_383 = tpu.memref_squeeze %dma_wait3A_382 : memref<1x!tpu.dma_semaphore, #tpu.memory_space<semaphore_mem>> -> memref<!tpu.dma_semaphore, #tpu.memory_space<semaphore_mem>>
      tpu.wait_indirect_dma semaphore(%dma_wait3A_383 : memref<!tpu.dma_semaphore, #tpu.memory_space<semaphore_mem>>) src(%dma_wait3A_375 : memref<128x128xf32, #tpu.memory_space<vmem>>) dst(%dma_wait3A_381 : memref<10112x128xf32, #tpu.memory_space<vmem_shared>>)
      %add3A_384 = arith.constant 2 : i32
      %add3A_385 = arith.addi %add3A_341, %add3A_384 : i32
      %dma_start3A_386 = arith.constant 1 : i32
      %dma_start3A_387 = arith.constant 1 : i32
      %dma_start3A_388 = arith.constant 0 : i32
      %dma_start3A_389 = arith.constant 0 : i32
      %dma_start3A_390 = tpu.memref_slice %arg9[%dma_start3A_386, %dma_start3A_388, %dma_start3A_389] : memref<2x128x128xf32, #tpu.memory_space<vmem>> -> memref<1x128x128xf32, #tpu.memory_space<vmem>>
      %dma_start3A_391 = tpu.memref_squeeze %dma_start3A_390 : memref<1x128x128xf32, #tpu.memory_space<vmem>> -> memref<128x128xf32, #tpu.memory_space<vmem>>
      %dma_start3A_392 = arith.constant 0 : i32
      %dma_start3A_393 = tpu.memref_slice %arg7[%add3A_385, %dma_start3A_392] : memref<40x128xi32, #tpu.memory_space<vmem>> -> memref<1x128xi32, #tpu.memory_space<vmem>>
      %dma_start3A_394 = tpu.memref_squeeze %dma_start3A_393 : memref<1x128xi32, #tpu.memory_space<vmem>> -> memref<128xi32, #tpu.memory_space<vmem>>
      %dma_start3A_395 = arith.constant 0 : i32
      %dma_start3A_396 = arith.constant 0 : i32
      %dma_start3A_397 = tpu.memref_slice %arg2[%dma_start3A_395, %dma_start3A_396] : memref<10000x128xf32, #tpu.memory_space<hbm>> -> memref<10000x128xf32, #tpu.memory_space<hbm>>
      %dma_start3A_398 = tpu.memref_slice %arg11[%dma_start3A_387] : memref<2x!tpu.dma_semaphore, #tpu.memory_space<semaphore_mem>> -> memref<1x!tpu.dma_semaphore, #tpu.memory_space<semaphore_mem>>
      %dma_start3A_399 = tpu.memref_squeeze %dma_start3A_398 : memref<1x!tpu.dma_semaphore, #tpu.memory_space<semaphore_mem>> -> memref<!tpu.dma_semaphore, #tpu.memory_space<semaphore_mem>>
      tpu.enqueue_indirect_dma source(%dma_start3A_397 : memref<10000x128xf32, #tpu.memory_space<hbm>>) target(%dma_start3A_391 : memref<128x128xf32, #tpu.memory_space<vmem>>) offsets(%dma_start3A_394 : memref<128xi32, #tpu.memory_space<vmem>>) semaphore(%dma_start3A_399 : memref<!tpu.dma_semaphore, #tpu.memory_space<semaphore_mem>>)
    }
    %scan3A_179 = arith.constant 19 : i32
    %dma_wait3A_180 = arith.constant 38 : i32
    %dma_wait3A_181 = arith.constant 0 : i32
    %dma_wait3A_182 = arith.constant 0 : i32
    %dma_wait3A_183 = arith.constant 0 : i32
    %dma_wait3A_184 = arith.constant 0 : i32
    %dma_wait3A_185 = tpu.memref_slice %arg9[%dma_wait3A_181, %dma_wait3A_183, %dma_wait3A_184] : memref<2x128x128xf32, #tpu.memory_space<vmem>> -> memref<1x128x128xf32, #tpu.memory_space<vmem>>
    %dma_wait3A_186 = tpu.memref_squeeze %dma_wait3A_185 : memref<1x128x128xf32, #tpu.memory_space<vmem>> -> memref<128x128xf32, #tpu.memory_space<vmem>>
    %dma_wait3A_187 = arith.constant 0 : i32
    %dma_wait3A_188 = tpu.memref_slice %arg7[%dma_wait3A_180, %dma_wait3A_187] : memref<40x128xi32, #tpu.memory_space<vmem>> -> memref<1x128xi32, #tpu.memory_space<vmem>>
    %dma_wait3A_189 = tpu.memref_squeeze %dma_wait3A_188 : memref<1x128xi32, #tpu.memory_space<vmem>> -> memref<128xi32, #tpu.memory_space<vmem>>
    %dma_wait3A_190 = arith.constant 0 : i32
    %dma_wait3A_191 = arith.constant 0 : i32
    %dma_wait3A_192 = tpu.memref_slice %arg2[%dma_wait3A_190, %dma_wait3A_191] : memref<10000x128xf32, #tpu.memory_space<hbm>> -> memref<10000x128xf32, #tpu.memory_space<hbm>>
    %dma_wait3A_193 = tpu.memref_slice %arg11[%dma_wait3A_182] : memref<2x!tpu.dma_semaphore, #tpu.memory_space<semaphore_mem>> -> memref<1x!tpu.dma_semaphore, #tpu.memory_space<semaphore_mem>>
    %dma_wait3A_194 = tpu.memref_squeeze %dma_wait3A_193 : memref<1x!tpu.dma_semaphore, #tpu.memory_space<semaphore_mem>> -> memref<!tpu.dma_semaphore, #tpu.memory_space<semaphore_mem>>
    tpu.wait_indirect_dma semaphore(%dma_wait3A_194 : memref<!tpu.dma_semaphore, #tpu.memory_space<semaphore_mem>>) src(%dma_wait3A_192 : memref<10000x128xf32, #tpu.memory_space<hbm>>) dst(%dma_wait3A_186 : memref<128x128xf32, #tpu.memory_space<vmem>>)
    %dma_start3A_195 = arith.constant 0 : i32
    %dma_start3A_196 = arith.constant 38 : i32
    %dma_start3A_197 = arith.constant 0 : i32
    %dma_start3A_198 = arith.constant 0 : i32
    %dma_start3A_199 = arith.constant 0 : i32
    %dma_start3A_200 = tpu.memref_slice %arg9[%dma_start3A_195, %dma_start3A_198, %dma_start3A_199] : memref<2x128x128xf32, #tpu.memory_space<vmem>> -> memref<1x128x128xf32, #tpu.memory_space<vmem>>
    %dma_start3A_201 = tpu.memref_squeeze %dma_start3A_200 : memref<1x128x128xf32, #tpu.memory_space<vmem>> -> memref<128x128xf32, #tpu.memory_space<vmem>>
    %dma_start3A_202 = arith.constant 0 : i32
    %dma_start3A_203 = tpu.memref_slice %arg8[%dma_start3A_196, %dma_start3A_202] : memref<40x128xi32, #tpu.memory_space<vmem>> -> memref<1x128xi32, #tpu.memory_space<vmem>>
    %dma_start3A_204 = tpu.memref_squeeze %dma_start3A_203 : memref<1x128xi32, #tpu.memory_space<vmem>> -> memref<128xi32, #tpu.memory_space<vmem>>
    %dma_start3A_205 = arith.constant 0 : i32
    %dma_start3A_206 = arith.constant 0 : i32
    %dma_start3A_207 = tpu.memref_slice %arg10[%dma_start3A_205, %dma_start3A_206] : memref<10112x128xf32, #tpu.memory_space<vmem_shared>> -> memref<10112x128xf32, #tpu.memory_space<vmem_shared>>
    %dma_start3A_208 = tpu.memref_slice %arg12[%dma_start3A_197] : memref<2x!tpu.dma_semaphore, #tpu.memory_space<semaphore_mem>> -> memref<1x!tpu.dma_semaphore, #tpu.memory_space<semaphore_mem>>
    %dma_start3A_209 = tpu.memref_squeeze %dma_start3A_208 : memref<1x!tpu.dma_semaphore, #tpu.memory_space<semaphore_mem>> -> memref<!tpu.dma_semaphore, #tpu.memory_space<semaphore_mem>>
    tpu.enqueue_indirect_dma source(%dma_start3A_201 : memref<128x128xf32, #tpu.memory_space<vmem>>) target(%dma_start3A_207 : memref<10112x128xf32, #tpu.memory_space<vmem_shared>>) offsets(%dma_start3A_204 : memref<128xi32, #tpu.memory_space<vmem>>) semaphore(%dma_start3A_209 : memref<!tpu.dma_semaphore, #tpu.memory_space<semaphore_mem>>) {add = true}
    %dma_wait3A_210 = arith.constant 39 : i32
    %dma_wait3A_211 = arith.constant 1 : i32
    %dma_wait3A_212 = arith.constant 1 : i32
    %dma_wait3A_213 = arith.constant 0 : i32
    %dma_wait3A_214 = arith.constant 0 : i32
    %dma_wait3A_215 = tpu.memref_slice %arg9[%dma_wait3A_211, %dma_wait3A_213, %dma_wait3A_214] : memref<2x128x128xf32, #tpu.memory_space<vmem>> -> memref<1x128x128xf32, #tpu.memory_space<vmem>>
    %dma_wait3A_216 = tpu.memref_squeeze %dma_wait3A_215 : memref<1x128x128xf32, #tpu.memory_space<vmem>> -> memref<128x128xf32, #tpu.memory_space<vmem>>
    %dma_wait3A_217 = arith.constant 0 : i32
    %dma_wait3A_218 = tpu.memref_slice %arg7[%dma_wait3A_210, %dma_wait3A_217] : memref<40x128xi32, #tpu.memory_space<vmem>> -> memref<1x128xi32, #tpu.memory_space<vmem>>
    %dma_wait3A_219 = tpu.memref_squeeze %dma_wait3A_218 : memref<1x128xi32, #tpu.memory_space<vmem>> -> memref<128xi32, #tpu.memory_space<vmem>>
    %dma_wait3A_220 = arith.constant 0 : i32
    %dma_wait3A_221 = arith.constant 0 : i32
    %dma_wait3A_222 = tpu.memref_slice %arg2[%dma_wait3A_220, %dma_wait3A_221] : memref<10000x128xf32, #tpu.memory_space<hbm>> -> memref<10000x128xf32, #tpu.memory_space<hbm>>
    %dma_wait3A_223 = tpu.memref_slice %arg11[%dma_wait3A_212] : memref<2x!tpu.dma_semaphore, #tpu.memory_space<semaphore_mem>> -> memref<1x!tpu.dma_semaphore, #tpu.memory_space<semaphore_mem>>
    %dma_wait3A_224 = tpu.memref_squeeze %dma_wait3A_223 : memref<1x!tpu.dma_semaphore, #tpu.memory_space<semaphore_mem>> -> memref<!tpu.dma_semaphore, #tpu.memory_space<semaphore_mem>>
    tpu.wait_indirect_dma semaphore(%dma_wait3A_224 : memref<!tpu.dma_semaphore, #tpu.memory_space<semaphore_mem>>) src(%dma_wait3A_222 : memref<10000x128xf32, #tpu.memory_space<hbm>>) dst(%dma_wait3A_216 : memref<128x128xf32, #tpu.memory_space<vmem>>)
    %dma_start3A_225 = arith.constant 1 : i32
    %dma_start3A_226 = arith.constant 39 : i32
    %dma_start3A_227 = arith.constant 1 : i32
    %dma_start3A_228 = arith.constant 0 : i32
    %dma_start3A_229 = arith.constant 0 : i32
    %dma_start3A_230 = tpu.memref_slice %arg9[%dma_start3A_225, %dma_start3A_228, %dma_start3A_229] : memref<2x128x128xf32, #tpu.memory_space<vmem>> -> memref<1x128x128xf32, #tpu.memory_space<vmem>>
    %dma_start3A_231 = tpu.memref_squeeze %dma_start3A_230 : memref<1x128x128xf32, #tpu.memory_space<vmem>> -> memref<128x128xf32, #tpu.memory_space<vmem>>
    %dma_start3A_232 = arith.constant 0 : i32
    %dma_start3A_233 = tpu.memref_slice %arg8[%dma_start3A_226, %dma_start3A_232] : memref<40x128xi32, #tpu.memory_space<vmem>> -> memref<1x128xi32, #tpu.memory_space<vmem>>
    %dma_start3A_234 = tpu.memref_squeeze %dma_start3A_233 : memref<1x128xi32, #tpu.memory_space<vmem>> -> memref<128xi32, #tpu.memory_space<vmem>>
    %dma_start3A_235 = arith.constant 0 : i32
    %dma_start3A_236 = arith.constant 0 : i32
    %dma_start3A_237 = tpu.memref_slice %arg10[%dma_start3A_235, %dma_start3A_236] : memref<10112x128xf32, #tpu.memory_space<vmem_shared>> -> memref<10112x128xf32, #tpu.memory_space<vmem_shared>>
    %dma_start3A_238 = tpu.memref_slice %arg12[%dma_start3A_227] : memref<2x!tpu.dma_semaphore, #tpu.memory_space<semaphore_mem>> -> memref<1x!tpu.dma_semaphore, #tpu.memory_space<semaphore_mem>>
    %dma_start3A_239 = tpu.memref_squeeze %dma_start3A_238 : memref<1x!tpu.dma_semaphore, #tpu.memory_space<semaphore_mem>> -> memref<!tpu.dma_semaphore, #tpu.memory_space<semaphore_mem>>
    tpu.enqueue_indirect_dma source(%dma_start3A_231 : memref<128x128xf32, #tpu.memory_space<vmem>>) target(%dma_start3A_237 : memref<10112x128xf32, #tpu.memory_space<vmem_shared>>) offsets(%dma_start3A_234 : memref<128xi32, #tpu.memory_space<vmem>>) semaphore(%dma_start3A_239 : memref<!tpu.dma_semaphore, #tpu.memory_space<semaphore_mem>>) {add = true}
    %dma_wait3A_240 = arith.constant 0 : i32
    %dma_wait3A_241 = arith.constant 38 : i32
    %dma_wait3A_242 = arith.constant 0 : i32
    %dma_wait3A_243 = arith.constant 0 : i32
    %dma_wait3A_244 = arith.constant 0 : i32
    %dma_wait3A_245 = tpu.memref_slice %arg9[%dma_wait3A_240, %dma_wait3A_243, %dma_wait3A_244] : memref<2x128x128xf32, #tpu.memory_space<vmem>> -> memref<1x128x128xf32, #tpu.memory_space<vmem>>
    %dma_wait3A_246 = tpu.memref_squeeze %dma_wait3A_245 : memref<1x128x128xf32, #tpu.memory_space<vmem>> -> memref<128x128xf32, #tpu.memory_space<vmem>>
    %dma_wait3A_247 = arith.constant 0 : i32
    %dma_wait3A_248 = tpu.memref_slice %arg8[%dma_wait3A_241, %dma_wait3A_247] : memref<40x128xi32, #tpu.memory_space<vmem>> -> memref<1x128xi32, #tpu.memory_space<vmem>>
    %dma_wait3A_249 = tpu.memref_squeeze %dma_wait3A_248 : memref<1x128xi32, #tpu.memory_space<vmem>> -> memref<128xi32, #tpu.memory_space<vmem>>
    %dma_wait3A_250 = arith.constant 0 : i32
    %dma_wait3A_251 = arith.constant 0 : i32
    %dma_wait3A_252 = tpu.memref_slice %arg10[%dma_wait3A_250, %dma_wait3A_251] : memref<10112x128xf32, #tpu.memory_space<vmem_shared>> -> memref<10112x128xf32, #tpu.memory_space<vmem_shared>>
    %dma_wait3A_253 = tpu.memref_slice %arg12[%dma_wait3A_242] : memref<2x!tpu.dma_semaphore, #tpu.memory_space<semaphore_mem>> -> memref<1x!tpu.dma_semaphore, #tpu.memory_space<semaphore_mem>>
    %dma_wait3A_254 = tpu.memref_squeeze %dma_wait3A_253 : memref<1x!tpu.dma_semaphore, #tpu.memory_space<semaphore_mem>> -> memref<!tpu.dma_semaphore, #tpu.memory_space<semaphore_mem>>
    tpu.wait_indirect_dma semaphore(%dma_wait3A_254 : memref<!tpu.dma_semaphore, #tpu.memory_space<semaphore_mem>>) src(%dma_wait3A_246 : memref<128x128xf32, #tpu.memory_space<vmem>>) dst(%dma_wait3A_252 : memref<10112x128xf32, #tpu.memory_space<vmem_shared>>)
    %dma_wait3A_255 = arith.constant 1 : i32
    %dma_wait3A_256 = arith.constant 39 : i32
    %dma_wait3A_257 = arith.constant 1 : i32
    %dma_wait3A_258 = arith.constant 0 : i32
    %dma_wait3A_259 = arith.constant 0 : i32
    %dma_wait3A_260 = tpu.memref_slice %arg9[%dma_wait3A_255, %dma_wait3A_258, %dma_wait3A_259] : memref<2x128x128xf32, #tpu.memory_space<vmem>> -> memref<1x128x128xf32, #tpu.memory_space<vmem>>
    %dma_wait3A_261 = tpu.memref_squeeze %dma_wait3A_260 : memref<1x128x128xf32, #tpu.memory_space<vmem>> -> memref<128x128xf32, #tpu.memory_space<vmem>>
    %dma_wait3A_262 = arith.constant 0 : i32
    %dma_wait3A_263 = tpu.memref_slice %arg8[%dma_wait3A_256, %dma_wait3A_262] : memref<40x128xi32, #tpu.memory_space<vmem>> -> memref<1x128xi32, #tpu.memory_space<vmem>>
    %dma_wait3A_264 = tpu.memref_squeeze %dma_wait3A_263 : memref<1x128xi32, #tpu.memory_space<vmem>> -> memref<128xi32, #tpu.memory_space<vmem>>
    %dma_wait3A_265 = arith.constant 0 : i32
    %dma_wait3A_266 = arith.constant 0 : i32
    %dma_wait3A_267 = tpu.memref_slice %arg10[%dma_wait3A_265, %dma_wait3A_266] : memref<10112x128xf32, #tpu.memory_space<vmem_shared>> -> memref<10112x128xf32, #tpu.memory_space<vmem_shared>>
    %dma_wait3A_268 = tpu.memref_slice %arg12[%dma_wait3A_257] : memref<2x!tpu.dma_semaphore, #tpu.memory_space<semaphore_mem>> -> memref<1x!tpu.dma_semaphore, #tpu.memory_space<semaphore_mem>>
    %dma_wait3A_269 = tpu.memref_squeeze %dma_wait3A_268 : memref<1x!tpu.dma_semaphore, #tpu.memory_space<semaphore_mem>> -> memref<!tpu.dma_semaphore, #tpu.memory_space<semaphore_mem>>
    tpu.wait_indirect_dma semaphore(%dma_wait3A_269 : memref<!tpu.dma_semaphore, #tpu.memory_space<semaphore_mem>>) src(%dma_wait3A_261 : memref<128x128xf32, #tpu.memory_space<vmem>>) dst(%dma_wait3A_267 : memref<10112x128xf32, #tpu.memory_space<vmem_shared>>)
    %barrier3A_270 = arith.constant 0 : index
    tpu.barrier barrier_id(%barrier3A_270)
    %mul3A_271 = arith.constant 632 : i32
    %mul3A_272 = arith.muli %arg1, %mul3A_271 : i32
    %mul3A_273 = arith.constant 632 : i32
    %mul3A_274 = arith.muli %arg1, %mul3A_273 : i32
    "tpu.region"() ({
      %run_scoped3A = tpu.sem_alloc : memref<!tpu.dma_semaphore, #tpu.memory_space<semaphore_mem>>
      %dma_start3A_275 = arith.constant 0 : i32
      %dma_start3A_276 = tpu.memref_slice %arg6[%arg0, %mul3A_274, %dma_start3A_275] : memref<2x10112x128xf32, #tpu.memory_space<hbm>> -> memref<1x632x128xf32, #tpu.memory_space<hbm>>
      %dma_start3A_277 = tpu.memref_squeeze %dma_start3A_276 : memref<1x632x128xf32, #tpu.memory_space<hbm>> -> memref<632x128xf32, #tpu.memory_space<hbm>>
      %dma_start3A_278 = arith.constant 0 : i32
      %dma_start3A_279 = tpu.memref_slice %arg10[%mul3A_272, %dma_start3A_278] : memref<10112x128xf32, #tpu.memory_space<vmem_shared>> -> memref<632x128xf32, #tpu.memory_space<vmem_shared>>
      tpu.enqueue_dma source(%dma_start3A_279 : memref<632x128xf32, #tpu.memory_space<vmem_shared>>) target(%dma_start3A_277 : memref<632x128xf32, #tpu.memory_space<hbm>>) target_semaphore(%run_scoped3A : memref<!tpu.dma_semaphore, #tpu.memory_space<semaphore_mem>>)
      %dma_wait3A_280 = arith.constant 0 : i32
      %dma_wait3A_281 = tpu.memref_slice %arg6[%arg0, %mul3A_274, %dma_wait3A_280] : memref<2x10112x128xf32, #tpu.memory_space<hbm>> -> memref<1x632x128xf32, #tpu.memory_space<hbm>>
      %dma_wait3A_282 = tpu.memref_squeeze %dma_wait3A_281 : memref<1x632x128xf32, #tpu.memory_space<hbm>> -> memref<632x128xf32, #tpu.memory_space<hbm>>
      %dma_wait3A_283 = arith.constant 0 : i32
      %dma_wait3A_284 = tpu.memref_slice %arg10[%mul3A_272, %dma_wait3A_283] : memref<10112x128xf32, #tpu.memory_space<vmem_shared>> -> memref<632x128xf32, #tpu.memory_space<vmem_shared>>
      tpu.wait_dma2 semaphore(%run_scoped3A : memref<!tpu.dma_semaphore, #tpu.memory_space<semaphore_mem>>) src(%dma_wait3A_284 : memref<632x128xf32, #tpu.memory_space<vmem_shared>>) dst(%dma_wait3A_282 : memref<632x128xf32, #tpu.memory_space<hbm>>)
      tpu.yield
    }) : () -> ()
    return
  }
}

#map = affine_map<(d0, d1) -> (0, 0)>
#map1 = affine_map<(d0, d1) -> (0)>
module attributes {stable_mosaic.version = 14 : i64} {
  func.func @_gather_body(%arg0: i32, %arg1: i32, %arg2: memref<20224x128xf32, #tpu.memory_space<hbm>>, %arg3: memref<24576xi32, #tpu.memory_space<hbm>>, %arg4: memref<24576x128xf32, #tpu.memory_space<hbm>>, %arg5: memref<768xi32, #tpu.memory_space<vmem>>, %arg6: memref<128x128xf32, #tpu.memory_space<vmem>>) attributes {dimension_semantics = [#tpu.dimension_semantics<core_parallel>, #tpu.dimension_semantics<subcore_parallel>], iteration_bounds = array<i64: 2, 16>, scalar_prefetch = 0 : i64, scratch_operands = 2 : i64, tpu.core_type = #tpu.core_type<sc_vector_subcore>, window_params = [{transform_indices = #map}, {transform_indices = #map1}, {transform_indices = #map}]} {
    %mul3A = arith.constant 16 : i32
    %mul3A_0 = arith.muli %arg0, %mul3A : i32
    %add3A = arith.addi %mul3A_0, %arg1 : i32
    %mul3A_1 = arith.constant 6 : i32
    %mul3A_2 = arith.muli %add3A, %mul3A_1 : i32
    %mul3A_3 = arith.constant 128 : i32
    %mul3A_4 = arith.muli %mul3A_2, %mul3A_3 : i32
    "tpu.region"() ({
      %run_scoped3A = tpu.sem_alloc : memref<!tpu.dma_semaphore, #tpu.memory_space<semaphore_mem>>
      %dma_start3A = tpu.memref_slice %arg3[%mul3A_4] : memref<24576xi32, #tpu.memory_space<hbm>> -> memref<768xi32, #tpu.memory_space<hbm>>
      %dma_start3A_41 = tpu.memref_slice %arg3[%mul3A_4] : memref<24576xi32, #tpu.memory_space<hbm>> -> memref<768xi32, #tpu.memory_space<hbm>>
      tpu.enqueue_dma source(%dma_start3A_41 : memref<768xi32, #tpu.memory_space<hbm>>) target(%arg5 : memref<768xi32, #tpu.memory_space<vmem>>) target_semaphore(%run_scoped3A : memref<!tpu.dma_semaphore, #tpu.memory_space<semaphore_mem>>)
      %dma_wait3A = tpu.memref_slice %arg3[%mul3A_4] : memref<24576xi32, #tpu.memory_space<hbm>> -> memref<768xi32, #tpu.memory_space<hbm>>
      %dma_wait3A_42 = tpu.memref_slice %arg3[%mul3A_4] : memref<24576xi32, #tpu.memory_space<hbm>> -> memref<768xi32, #tpu.memory_space<hbm>>
      tpu.wait_dma2 semaphore(%run_scoped3A : memref<!tpu.dma_semaphore, #tpu.memory_space<semaphore_mem>>) src(%dma_wait3A_42 : memref<768xi32, #tpu.memory_space<hbm>>) dst(%arg5 : memref<768xi32, #tpu.memory_space<vmem>>)
      tpu.yield
    }) : () -> ()
    "tpu.region"() ({
      %run_scoped3A = tpu.sem_alloc : memref<!tpu.dma_semaphore, #tpu.memory_space<semaphore_mem>>
      %dma_start3A = arith.constant 0 : i32
      %dma_start3A_41 = tpu.memref_slice %arg5[%dma_start3A] : memref<768xi32, #tpu.memory_space<vmem>> -> memref<128xi32, #tpu.memory_space<vmem>>
      %dma_start3A_42 = arith.constant 0 : i32
      %dma_start3A_43 = arith.constant 0 : i32
      %dma_start3A_44 = tpu.memref_slice %arg2[%dma_start3A_42, %dma_start3A_43] : memref<20224x128xf32, #tpu.memory_space<hbm>> -> memref<20224x128xf32, #tpu.memory_space<hbm>>
      tpu.enqueue_indirect_dma source(%dma_start3A_44 : memref<20224x128xf32, #tpu.memory_space<hbm>>) target(%arg6 : memref<128x128xf32, #tpu.memory_space<vmem>>) offsets(%dma_start3A_41 : memref<128xi32, #tpu.memory_space<vmem>>) semaphore(%run_scoped3A : memref<!tpu.dma_semaphore, #tpu.memory_space<semaphore_mem>>)
      %dma_wait3A = arith.constant 0 : i32
      %dma_wait3A_45 = tpu.memref_slice %arg5[%dma_wait3A] : memref<768xi32, #tpu.memory_space<vmem>> -> memref<128xi32, #tpu.memory_space<vmem>>
      %dma_wait3A_46 = arith.constant 0 : i32
      %dma_wait3A_47 = arith.constant 0 : i32
      %dma_wait3A_48 = tpu.memref_slice %arg2[%dma_wait3A_46, %dma_wait3A_47] : memref<20224x128xf32, #tpu.memory_space<hbm>> -> memref<20224x128xf32, #tpu.memory_space<hbm>>
      tpu.wait_indirect_dma semaphore(%run_scoped3A : memref<!tpu.dma_semaphore, #tpu.memory_space<semaphore_mem>>) src(%dma_wait3A_48 : memref<20224x128xf32, #tpu.memory_space<hbm>>) dst(%arg6 : memref<128x128xf32, #tpu.memory_space<vmem>>)
      tpu.yield
    }) : () -> ()
    %mul3A_5 = arith.constant 6 : i32
    %mul3A_6 = arith.muli %add3A, %mul3A_5 : i32
    %add3A_7 = arith.constant 0 : i32
    %add3A_8 = arith.addi %mul3A_6, %add3A_7 : i32
    %mul3A_9 = arith.constant 128 : i32
    %mul3A_10 = arith.muli %add3A_8, %mul3A_9 : i32
    "tpu.region"() ({
      %run_scoped3A = tpu.sem_alloc : memref<!tpu.dma_semaphore, #tpu.memory_space<semaphore_mem>>
      %dma_start3A = arith.constant 0 : i32
      %dma_start3A_41 = tpu.memref_slice %arg4[%mul3A_10, %dma_start3A] : memref<24576x128xf32, #tpu.memory_space<hbm>> -> memref<128x128xf32, #tpu.memory_space<hbm>>
      %dma_start3A_42 = arith.constant 0 : i32
      %dma_start3A_43 = tpu.memref_slice %arg4[%mul3A_10, %dma_start3A_42] : memref<24576x128xf32, #tpu.memory_space<hbm>> -> memref<128x128xf32, #tpu.memory_space<hbm>>
      tpu.enqueue_dma source(%arg6 : memref<128x128xf32, #tpu.memory_space<vmem>>) target(%dma_start3A_43 : memref<128x128xf32, #tpu.memory_space<hbm>>) target_semaphore(%run_scoped3A : memref<!tpu.dma_semaphore, #tpu.memory_space<semaphore_mem>>)
      %dma_wait3A = arith.constant 0 : i32
      %dma_wait3A_44 = tpu.memref_slice %arg4[%mul3A_10, %dma_wait3A] : memref<24576x128xf32, #tpu.memory_space<hbm>> -> memref<128x128xf32, #tpu.memory_space<hbm>>
      %dma_wait3A_45 = arith.constant 0 : i32
      %dma_wait3A_46 = tpu.memref_slice %arg4[%mul3A_10, %dma_wait3A_45] : memref<24576x128xf32, #tpu.memory_space<hbm>> -> memref<128x128xf32, #tpu.memory_space<hbm>>
      tpu.wait_dma2 semaphore(%run_scoped3A : memref<!tpu.dma_semaphore, #tpu.memory_space<semaphore_mem>>) src(%arg6 : memref<128x128xf32, #tpu.memory_space<vmem>>) dst(%dma_wait3A_46 : memref<128x128xf32, #tpu.memory_space<hbm>>)
      tpu.yield
    }) : () -> ()
    "tpu.region"() ({
      %run_scoped3A = tpu.sem_alloc : memref<!tpu.dma_semaphore, #tpu.memory_space<semaphore_mem>>
      %dma_start3A = arith.constant 128 : i32
      %dma_start3A_41 = tpu.memref_slice %arg5[%dma_start3A] : memref<768xi32, #tpu.memory_space<vmem>> -> memref<128xi32, #tpu.memory_space<vmem>>
      %dma_start3A_42 = arith.constant 0 : i32
      %dma_start3A_43 = arith.constant 0 : i32
      %dma_start3A_44 = tpu.memref_slice %arg2[%dma_start3A_42, %dma_start3A_43] : memref<20224x128xf32, #tpu.memory_space<hbm>> -> memref<20224x128xf32, #tpu.memory_space<hbm>>
      tpu.enqueue_indirect_dma source(%dma_start3A_44 : memref<20224x128xf32, #tpu.memory_space<hbm>>) target(%arg6 : memref<128x128xf32, #tpu.memory_space<vmem>>) offsets(%dma_start3A_41 : memref<128xi32, #tpu.memory_space<vmem>>) semaphore(%run_scoped3A : memref<!tpu.dma_semaphore, #tpu.memory_space<semaphore_mem>>)
      %dma_wait3A = arith.constant 128 : i32
      %dma_wait3A_45 = tpu.memref_slice %arg5[%dma_wait3A] : memref<768xi32, #tpu.memory_space<vmem>> -> memref<128xi32, #tpu.memory_space<vmem>>
      %dma_wait3A_46 = arith.constant 0 : i32
      %dma_wait3A_47 = arith.constant 0 : i32
      %dma_wait3A_48 = tpu.memref_slice %arg2[%dma_wait3A_46, %dma_wait3A_47] : memref<20224x128xf32, #tpu.memory_space<hbm>> -> memref<20224x128xf32, #tpu.memory_space<hbm>>
      tpu.wait_indirect_dma semaphore(%run_scoped3A : memref<!tpu.dma_semaphore, #tpu.memory_space<semaphore_mem>>) src(%dma_wait3A_48 : memref<20224x128xf32, #tpu.memory_space<hbm>>) dst(%arg6 : memref<128x128xf32, #tpu.memory_space<vmem>>)
      tpu.yield
    }) : () -> ()
    %mul3A_11 = arith.constant 6 : i32
    %mul3A_12 = arith.muli %add3A, %mul3A_11 : i32
    %add3A_13 = arith.constant 1 : i32
    %add3A_14 = arith.addi %mul3A_12, %add3A_13 : i32
    %mul3A_15 = arith.constant 128 : i32
    %mul3A_16 = arith.muli %add3A_14, %mul3A_15 : i32
    "tpu.region"() ({
      %run_scoped3A = tpu.sem_alloc : memref<!tpu.dma_semaphore, #tpu.memory_space<semaphore_mem>>
      %dma_start3A = arith.constant 0 : i32
      %dma_start3A_41 = tpu.memref_slice %arg4[%mul3A_16, %dma_start3A] : memref<24576x128xf32, #tpu.memory_space<hbm>> -> memref<128x128xf32, #tpu.memory_space<hbm>>
      %dma_start3A_42 = arith.constant 0 : i32
      %dma_start3A_43 = tpu.memref_slice %arg4[%mul3A_16, %dma_start3A_42] : memref<24576x128xf32, #tpu.memory_space<hbm>> -> memref<128x128xf32, #tpu.memory_space<hbm>>
      tpu.enqueue_dma source(%arg6 : memref<128x128xf32, #tpu.memory_space<vmem>>) target(%dma_start3A_43 : memref<128x128xf32, #tpu.memory_space<hbm>>) target_semaphore(%run_scoped3A : memref<!tpu.dma_semaphore, #tpu.memory_space<semaphore_mem>>)
      %dma_wait3A = arith.constant 0 : i32
      %dma_wait3A_44 = tpu.memref_slice %arg4[%mul3A_16, %dma_wait3A] : memref<24576x128xf32, #tpu.memory_space<hbm>> -> memref<128x128xf32, #tpu.memory_space<hbm>>
      %dma_wait3A_45 = arith.constant 0 : i32
      %dma_wait3A_46 = tpu.memref_slice %arg4[%mul3A_16, %dma_wait3A_45] : memref<24576x128xf32, #tpu.memory_space<hbm>> -> memref<128x128xf32, #tpu.memory_space<hbm>>
      tpu.wait_dma2 semaphore(%run_scoped3A : memref<!tpu.dma_semaphore, #tpu.memory_space<semaphore_mem>>) src(%arg6 : memref<128x128xf32, #tpu.memory_space<vmem>>) dst(%dma_wait3A_46 : memref<128x128xf32, #tpu.memory_space<hbm>>)
      tpu.yield
    }) : () -> ()
    "tpu.region"() ({
      %run_scoped3A = tpu.sem_alloc : memref<!tpu.dma_semaphore, #tpu.memory_space<semaphore_mem>>
      %dma_start3A = arith.constant 256 : i32
      %dma_start3A_41 = tpu.memref_slice %arg5[%dma_start3A] : memref<768xi32, #tpu.memory_space<vmem>> -> memref<128xi32, #tpu.memory_space<vmem>>
      %dma_start3A_42 = arith.constant 0 : i32
      %dma_start3A_43 = arith.constant 0 : i32
      %dma_start3A_44 = tpu.memref_slice %arg2[%dma_start3A_42, %dma_start3A_43] : memref<20224x128xf32, #tpu.memory_space<hbm>> -> memref<20224x128xf32, #tpu.memory_space<hbm>>
      tpu.enqueue_indirect_dma source(%dma_start3A_44 : memref<20224x128xf32, #tpu.memory_space<hbm>>) target(%arg6 : memref<128x128xf32, #tpu.memory_space<vmem>>) offsets(%dma_start3A_41 : memref<128xi32, #tpu.memory_space<vmem>>) semaphore(%run_scoped3A : memref<!tpu.dma_semaphore, #tpu.memory_space<semaphore_mem>>)
      %dma_wait3A = arith.constant 256 : i32
      %dma_wait3A_45 = tpu.memref_slice %arg5[%dma_wait3A] : memref<768xi32, #tpu.memory_space<vmem>> -> memref<128xi32, #tpu.memory_space<vmem>>
      %dma_wait3A_46 = arith.constant 0 : i32
      %dma_wait3A_47 = arith.constant 0 : i32
      %dma_wait3A_48 = tpu.memref_slice %arg2[%dma_wait3A_46, %dma_wait3A_47] : memref<20224x128xf32, #tpu.memory_space<hbm>> -> memref<20224x128xf32, #tpu.memory_space<hbm>>
      tpu.wait_indirect_dma semaphore(%run_scoped3A : memref<!tpu.dma_semaphore, #tpu.memory_space<semaphore_mem>>) src(%dma_wait3A_48 : memref<20224x128xf32, #tpu.memory_space<hbm>>) dst(%arg6 : memref<128x128xf32, #tpu.memory_space<vmem>>)
      tpu.yield
    }) : () -> ()
    %mul3A_17 = arith.constant 6 : i32
    %mul3A_18 = arith.muli %add3A, %mul3A_17 : i32
    %add3A_19 = arith.constant 2 : i32
    %add3A_20 = arith.addi %mul3A_18, %add3A_19 : i32
    %mul3A_21 = arith.constant 128 : i32
    %mul3A_22 = arith.muli %add3A_20, %mul3A_21 : i32
    "tpu.region"() ({
      %run_scoped3A = tpu.sem_alloc : memref<!tpu.dma_semaphore, #tpu.memory_space<semaphore_mem>>
      %dma_start3A = arith.constant 0 : i32
      %dma_start3A_41 = tpu.memref_slice %arg4[%mul3A_22, %dma_start3A] : memref<24576x128xf32, #tpu.memory_space<hbm>> -> memref<128x128xf32, #tpu.memory_space<hbm>>
      %dma_start3A_42 = arith.constant 0 : i32
      %dma_start3A_43 = tpu.memref_slice %arg4[%mul3A_22, %dma_start3A_42] : memref<24576x128xf32, #tpu.memory_space<hbm>> -> memref<128x128xf32, #tpu.memory_space<hbm>>
      tpu.enqueue_dma source(%arg6 : memref<128x128xf32, #tpu.memory_space<vmem>>) target(%dma_start3A_43 : memref<128x128xf32, #tpu.memory_space<hbm>>) target_semaphore(%run_scoped3A : memref<!tpu.dma_semaphore, #tpu.memory_space<semaphore_mem>>)
      %dma_wait3A = arith.constant 0 : i32
      %dma_wait3A_44 = tpu.memref_slice %arg4[%mul3A_22, %dma_wait3A] : memref<24576x128xf32, #tpu.memory_space<hbm>> -> memref<128x128xf32, #tpu.memory_space<hbm>>
      %dma_wait3A_45 = arith.constant 0 : i32
      %dma_wait3A_46 = tpu.memref_slice %arg4[%mul3A_22, %dma_wait3A_45] : memref<24576x128xf32, #tpu.memory_space<hbm>> -> memref<128x128xf32, #tpu.memory_space<hbm>>
      tpu.wait_dma2 semaphore(%run_scoped3A : memref<!tpu.dma_semaphore, #tpu.memory_space<semaphore_mem>>) src(%arg6 : memref<128x128xf32, #tpu.memory_space<vmem>>) dst(%dma_wait3A_46 : memref<128x128xf32, #tpu.memory_space<hbm>>)
      tpu.yield
    }) : () -> ()
    "tpu.region"() ({
      %run_scoped3A = tpu.sem_alloc : memref<!tpu.dma_semaphore, #tpu.memory_space<semaphore_mem>>
      %dma_start3A = arith.constant 384 : i32
      %dma_start3A_41 = tpu.memref_slice %arg5[%dma_start3A] : memref<768xi32, #tpu.memory_space<vmem>> -> memref<128xi32, #tpu.memory_space<vmem>>
      %dma_start3A_42 = arith.constant 0 : i32
      %dma_start3A_43 = arith.constant 0 : i32
      %dma_start3A_44 = tpu.memref_slice %arg2[%dma_start3A_42, %dma_start3A_43] : memref<20224x128xf32, #tpu.memory_space<hbm>> -> memref<20224x128xf32, #tpu.memory_space<hbm>>
      tpu.enqueue_indirect_dma source(%dma_start3A_44 : memref<20224x128xf32, #tpu.memory_space<hbm>>) target(%arg6 : memref<128x128xf32, #tpu.memory_space<vmem>>) offsets(%dma_start3A_41 : memref<128xi32, #tpu.memory_space<vmem>>) semaphore(%run_scoped3A : memref<!tpu.dma_semaphore, #tpu.memory_space<semaphore_mem>>)
      %dma_wait3A = arith.constant 384 : i32
      %dma_wait3A_45 = tpu.memref_slice %arg5[%dma_wait3A] : memref<768xi32, #tpu.memory_space<vmem>> -> memref<128xi32, #tpu.memory_space<vmem>>
      %dma_wait3A_46 = arith.constant 0 : i32
      %dma_wait3A_47 = arith.constant 0 : i32
      %dma_wait3A_48 = tpu.memref_slice %arg2[%dma_wait3A_46, %dma_wait3A_47] : memref<20224x128xf32, #tpu.memory_space<hbm>> -> memref<20224x128xf32, #tpu.memory_space<hbm>>
      tpu.wait_indirect_dma semaphore(%run_scoped3A : memref<!tpu.dma_semaphore, #tpu.memory_space<semaphore_mem>>) src(%dma_wait3A_48 : memref<20224x128xf32, #tpu.memory_space<hbm>>) dst(%arg6 : memref<128x128xf32, #tpu.memory_space<vmem>>)
      tpu.yield
    }) : () -> ()
    %mul3A_23 = arith.constant 6 : i32
    %mul3A_24 = arith.muli %add3A, %mul3A_23 : i32
    %add3A_25 = arith.constant 3 : i32
    %add3A_26 = arith.addi %mul3A_24, %add3A_25 : i32
    %mul3A_27 = arith.constant 128 : i32
    %mul3A_28 = arith.muli %add3A_26, %mul3A_27 : i32
    "tpu.region"() ({
      %run_scoped3A = tpu.sem_alloc : memref<!tpu.dma_semaphore, #tpu.memory_space<semaphore_mem>>
      %dma_start3A = arith.constant 0 : i32
      %dma_start3A_41 = tpu.memref_slice %arg4[%mul3A_28, %dma_start3A] : memref<24576x128xf32, #tpu.memory_space<hbm>> -> memref<128x128xf32, #tpu.memory_space<hbm>>
      %dma_start3A_42 = arith.constant 0 : i32
      %dma_start3A_43 = tpu.memref_slice %arg4[%mul3A_28, %dma_start3A_42] : memref<24576x128xf32, #tpu.memory_space<hbm>> -> memref<128x128xf32, #tpu.memory_space<hbm>>
      tpu.enqueue_dma source(%arg6 : memref<128x128xf32, #tpu.memory_space<vmem>>) target(%dma_start3A_43 : memref<128x128xf32, #tpu.memory_space<hbm>>) target_semaphore(%run_scoped3A : memref<!tpu.dma_semaphore, #tpu.memory_space<semaphore_mem>>)
      %dma_wait3A = arith.constant 0 : i32
      %dma_wait3A_44 = tpu.memref_slice %arg4[%mul3A_28, %dma_wait3A] : memref<24576x128xf32, #tpu.memory_space<hbm>> -> memref<128x128xf32, #tpu.memory_space<hbm>>
      %dma_wait3A_45 = arith.constant 0 : i32
      %dma_wait3A_46 = tpu.memref_slice %arg4[%mul3A_28, %dma_wait3A_45] : memref<24576x128xf32, #tpu.memory_space<hbm>> -> memref<128x128xf32, #tpu.memory_space<hbm>>
      tpu.wait_dma2 semaphore(%run_scoped3A : memref<!tpu.dma_semaphore, #tpu.memory_space<semaphore_mem>>) src(%arg6 : memref<128x128xf32, #tpu.memory_space<vmem>>) dst(%dma_wait3A_46 : memref<128x128xf32, #tpu.memory_space<hbm>>)
      tpu.yield
    }) : () -> ()
    "tpu.region"() ({
      %run_scoped3A = tpu.sem_alloc : memref<!tpu.dma_semaphore, #tpu.memory_space<semaphore_mem>>
      %dma_start3A = arith.constant 512 : i32
      %dma_start3A_41 = tpu.memref_slice %arg5[%dma_start3A] : memref<768xi32, #tpu.memory_space<vmem>> -> memref<128xi32, #tpu.memory_space<vmem>>
      %dma_start3A_42 = arith.constant 0 : i32
      %dma_start3A_43 = arith.constant 0 : i32
      %dma_start3A_44 = tpu.memref_slice %arg2[%dma_start3A_42, %dma_start3A_43] : memref<20224x128xf32, #tpu.memory_space<hbm>> -> memref<20224x128xf32, #tpu.memory_space<hbm>>
      tpu.enqueue_indirect_dma source(%dma_start3A_44 : memref<20224x128xf32, #tpu.memory_space<hbm>>) target(%arg6 : memref<128x128xf32, #tpu.memory_space<vmem>>) offsets(%dma_start3A_41 : memref<128xi32, #tpu.memory_space<vmem>>) semaphore(%run_scoped3A : memref<!tpu.dma_semaphore, #tpu.memory_space<semaphore_mem>>)
      %dma_wait3A = arith.constant 512 : i32
      %dma_wait3A_45 = tpu.memref_slice %arg5[%dma_wait3A] : memref<768xi32, #tpu.memory_space<vmem>> -> memref<128xi32, #tpu.memory_space<vmem>>
      %dma_wait3A_46 = arith.constant 0 : i32
      %dma_wait3A_47 = arith.constant 0 : i32
      %dma_wait3A_48 = tpu.memref_slice %arg2[%dma_wait3A_46, %dma_wait3A_47] : memref<20224x128xf32, #tpu.memory_space<hbm>> -> memref<20224x128xf32, #tpu.memory_space<hbm>>
      tpu.wait_indirect_dma semaphore(%run_scoped3A : memref<!tpu.dma_semaphore, #tpu.memory_space<semaphore_mem>>) src(%dma_wait3A_48 : memref<20224x128xf32, #tpu.memory_space<hbm>>) dst(%arg6 : memref<128x128xf32, #tpu.memory_space<vmem>>)
      tpu.yield
    }) : () -> ()
    %mul3A_29 = arith.constant 6 : i32
    %mul3A_30 = arith.muli %add3A, %mul3A_29 : i32
    %add3A_31 = arith.constant 4 : i32
    %add3A_32 = arith.addi %mul3A_30, %add3A_31 : i32
    %mul3A_33 = arith.constant 128 : i32
    %mul3A_34 = arith.muli %add3A_32, %mul3A_33 : i32
    "tpu.region"() ({
      %run_scoped3A = tpu.sem_alloc : memref<!tpu.dma_semaphore, #tpu.memory_space<semaphore_mem>>
      %dma_start3A = arith.constant 0 : i32
      %dma_start3A_41 = tpu.memref_slice %arg4[%mul3A_34, %dma_start3A] : memref<24576x128xf32, #tpu.memory_space<hbm>> -> memref<128x128xf32, #tpu.memory_space<hbm>>
      %dma_start3A_42 = arith.constant 0 : i32
      %dma_start3A_43 = tpu.memref_slice %arg4[%mul3A_34, %dma_start3A_42] : memref<24576x128xf32, #tpu.memory_space<hbm>> -> memref<128x128xf32, #tpu.memory_space<hbm>>
      tpu.enqueue_dma source(%arg6 : memref<128x128xf32, #tpu.memory_space<vmem>>) target(%dma_start3A_43 : memref<128x128xf32, #tpu.memory_space<hbm>>) target_semaphore(%run_scoped3A : memref<!tpu.dma_semaphore, #tpu.memory_space<semaphore_mem>>)
      %dma_wait3A = arith.constant 0 : i32
      %dma_wait3A_44 = tpu.memref_slice %arg4[%mul3A_34, %dma_wait3A] : memref<24576x128xf32, #tpu.memory_space<hbm>> -> memref<128x128xf32, #tpu.memory_space<hbm>>
      %dma_wait3A_45 = arith.constant 0 : i32
      %dma_wait3A_46 = tpu.memref_slice %arg4[%mul3A_34, %dma_wait3A_45] : memref<24576x128xf32, #tpu.memory_space<hbm>> -> memref<128x128xf32, #tpu.memory_space<hbm>>
      tpu.wait_dma2 semaphore(%run_scoped3A : memref<!tpu.dma_semaphore, #tpu.memory_space<semaphore_mem>>) src(%arg6 : memref<128x128xf32, #tpu.memory_space<vmem>>) dst(%dma_wait3A_46 : memref<128x128xf32, #tpu.memory_space<hbm>>)
      tpu.yield
    }) : () -> ()
    "tpu.region"() ({
      %run_scoped3A = tpu.sem_alloc : memref<!tpu.dma_semaphore, #tpu.memory_space<semaphore_mem>>
      %dma_start3A = arith.constant 640 : i32
      %dma_start3A_41 = tpu.memref_slice %arg5[%dma_start3A] : memref<768xi32, #tpu.memory_space<vmem>> -> memref<128xi32, #tpu.memory_space<vmem>>
      %dma_start3A_42 = arith.constant 0 : i32
      %dma_start3A_43 = arith.constant 0 : i32
      %dma_start3A_44 = tpu.memref_slice %arg2[%dma_start3A_42, %dma_start3A_43] : memref<20224x128xf32, #tpu.memory_space<hbm>> -> memref<20224x128xf32, #tpu.memory_space<hbm>>
      tpu.enqueue_indirect_dma source(%dma_start3A_44 : memref<20224x128xf32, #tpu.memory_space<hbm>>) target(%arg6 : memref<128x128xf32, #tpu.memory_space<vmem>>) offsets(%dma_start3A_41 : memref<128xi32, #tpu.memory_space<vmem>>) semaphore(%run_scoped3A : memref<!tpu.dma_semaphore, #tpu.memory_space<semaphore_mem>>)
      %dma_wait3A = arith.constant 640 : i32
      %dma_wait3A_45 = tpu.memref_slice %arg5[%dma_wait3A] : memref<768xi32, #tpu.memory_space<vmem>> -> memref<128xi32, #tpu.memory_space<vmem>>
      %dma_wait3A_46 = arith.constant 0 : i32
      %dma_wait3A_47 = arith.constant 0 : i32
      %dma_wait3A_48 = tpu.memref_slice %arg2[%dma_wait3A_46, %dma_wait3A_47] : memref<20224x128xf32, #tpu.memory_space<hbm>> -> memref<20224x128xf32, #tpu.memory_space<hbm>>
      tpu.wait_indirect_dma semaphore(%run_scoped3A : memref<!tpu.dma_semaphore, #tpu.memory_space<semaphore_mem>>) src(%dma_wait3A_48 : memref<20224x128xf32, #tpu.memory_space<hbm>>) dst(%arg6 : memref<128x128xf32, #tpu.memory_space<vmem>>)
      tpu.yield
    }) : () -> ()
    %mul3A_35 = arith.constant 6 : i32
    %mul3A_36 = arith.muli %add3A, %mul3A_35 : i32
    %add3A_37 = arith.constant 5 : i32
    %add3A_38 = arith.addi %mul3A_36, %add3A_37 : i32
    %mul3A_39 = arith.constant 128 : i32
    %mul3A_40 = arith.muli %add3A_38, %mul3A_39 : i32
    "tpu.region"() ({
      %run_scoped3A = tpu.sem_alloc : memref<!tpu.dma_semaphore, #tpu.memory_space<semaphore_mem>>
      %dma_start3A = arith.constant 0 : i32
      %dma_start3A_41 = tpu.memref_slice %arg4[%mul3A_40, %dma_start3A] : memref<24576x128xf32, #tpu.memory_space<hbm>> -> memref<128x128xf32, #tpu.memory_space<hbm>>
      %dma_start3A_42 = arith.constant 0 : i32
      %dma_start3A_43 = tpu.memref_slice %arg4[%mul3A_40, %dma_start3A_42] : memref<24576x128xf32, #tpu.memory_space<hbm>> -> memref<128x128xf32, #tpu.memory_space<hbm>>
      tpu.enqueue_dma source(%arg6 : memref<128x128xf32, #tpu.memory_space<vmem>>) target(%dma_start3A_43 : memref<128x128xf32, #tpu.memory_space<hbm>>) target_semaphore(%run_scoped3A : memref<!tpu.dma_semaphore, #tpu.memory_space<semaphore_mem>>)
      %dma_wait3A = arith.constant 0 : i32
      %dma_wait3A_44 = tpu.memref_slice %arg4[%mul3A_40, %dma_wait3A] : memref<24576x128xf32, #tpu.memory_space<hbm>> -> memref<128x128xf32, #tpu.memory_space<hbm>>
      %dma_wait3A_45 = arith.constant 0 : i32
      %dma_wait3A_46 = tpu.memref_slice %arg4[%mul3A_40, %dma_wait3A_45] : memref<24576x128xf32, #tpu.memory_space<hbm>> -> memref<128x128xf32, #tpu.memory_space<hbm>>
      tpu.wait_dma2 semaphore(%run_scoped3A : memref<!tpu.dma_semaphore, #tpu.memory_space<semaphore_mem>>) src(%arg6 : memref<128x128xf32, #tpu.memory_space<vmem>>) dst(%dma_wait3A_46 : memref<128x128xf32, #tpu.memory_space<hbm>>)
      tpu.yield
    }) : () -> ()
    return
  }
}

#map = affine_map<(d0, d1) -> (0, 0)>
#map1 = affine_map<(d0, d1) -> (0, 0, 0)>
module attributes {stable_mosaic.version = 14 : i64} {
  func.func @_scatter_body(%arg0: i32, %arg1: i32, %arg2: memref<10000x128xf32, #tpu.memory_space<hbm>>, %arg3: memref<2560x128xi32, #tpu.memory_space<hbm>>, %arg4: memref<2560x128xi32, #tpu.memory_space<hbm>>, %arg5: memref<10112x128xf32, #tpu.memory_space<hbm>>, %arg6: memref<2x10112x128xf32, #tpu.memory_space<hbm>>, %arg7: memref<40x128xi32, #tpu.memory_space<vmem>>, %arg8: memref<40x128xi32, #tpu.memory_space<vmem>>, %arg9: memref<2x128x128xf32, #tpu.memory_space<vmem>>, %arg10: memref<10112x128xf32, #tpu.memory_space<vmem_shared>>, %arg11: memref<2x!tpu.dma_semaphore, #tpu.memory_space<semaphore_mem>>, %arg12: memref<2x!tpu.dma_semaphore, #tpu.memory_space<semaphore_mem>>) attributes {dimension_semantics = [#tpu.dimension_semantics<core_parallel>, #tpu.dimension_semantics<subcore_parallel>], iteration_bounds = array<i64: 2, 16>, scalar_prefetch = 0 : i64, scratch_operands = 6 : i64, tpu.core_type = #tpu.core_type<sc_vector_subcore>, window_params = [{transform_indices = #map}, {transform_indices = #map}, {transform_indices = #map}, {transform_indices = #map}, {transform_indices = #map1}]} {
    %mul3A = arith.constant 16 : i32
    %mul3A_0 = arith.muli %arg0, %mul3A : i32
    %add3A = arith.addi %mul3A_0, %arg1 : i32
    %mul3A_1 = arith.constant 632 : i32
    %mul3A_2 = arith.muli %arg1, %mul3A_1 : i32
    %mul3A_3 = arith.constant 632 : i32
    %mul3A_4 = arith.muli %arg1, %mul3A_3 : i32
    "tpu.region"() ({
      %run_scoped3A = tpu.sem_alloc : memref<!tpu.dma_semaphore, #tpu.memory_space<semaphore_mem>>
      %dma_start3A_275 = arith.constant 0 : i32
      %dma_start3A_276 = tpu.memref_slice %arg10[%mul3A_4, %dma_start3A_275] : memref<10112x128xf32, #tpu.memory_space<vmem_shared>> -> memref<632x128xf32, #tpu.memory_space<vmem_shared>>
      %dma_start3A_277 = arith.constant 0 : i32
      %dma_start3A_278 = tpu.memref_slice %arg5[%mul3A_2, %dma_start3A_277] : memref<10112x128xf32, #tpu.memory_space<hbm>> -> memref<632x128xf32, #tpu.memory_space<hbm>>
      tpu.enqueue_dma source(%dma_start3A_278 : memref<632x128xf32, #tpu.memory_space<hbm>>) target(%dma_start3A_276 : memref<632x128xf32, #tpu.memory_space<vmem_shared>>) target_semaphore(%run_scoped3A : memref<!tpu.dma_semaphore, #tpu.memory_space<semaphore_mem>>)
      %dma_wait3A_279 = arith.constant 0 : i32
      %dma_wait3A_280 = tpu.memref_slice %arg10[%mul3A_4, %dma_wait3A_279] : memref<10112x128xf32, #tpu.memory_space<vmem_shared>> -> memref<632x128xf32, #tpu.memory_space<vmem_shared>>
      %dma_wait3A_281 = arith.constant 0 : i32
      %dma_wait3A_282 = tpu.memref_slice %arg5[%mul3A_2, %dma_wait3A_281] : memref<10112x128xf32, #tpu.memory_space<hbm>> -> memref<632x128xf32, #tpu.memory_space<hbm>>
      tpu.wait_dma2 semaphore(%run_scoped3A : memref<!tpu.dma_semaphore, #tpu.memory_space<semaphore_mem>>) src(%dma_wait3A_282 : memref<632x128xf32, #tpu.memory_space<hbm>>) dst(%dma_wait3A_280 : memref<632x128xf32, #tpu.memory_space<vmem_shared>>)
      tpu.yield
    }) : () -> ()
    %barrier3A = arith.constant 0 : index
    tpu.barrier barrier_id(%barrier3A)
    %mul3A_5 = arith.constant 80 : i32
    %mul3A_6 = arith.muli %add3A, %mul3A_5 : i32
    %add3A_7 = arith.constant 0 : i32
    %add3A_8 = arith.addi %mul3A_6, %add3A_7 : i32
    "tpu.region"() ({
      %run_scoped3A = tpu.sem_alloc : memref<!tpu.dma_semaphore, #tpu.memory_space<semaphore_mem>>
      %dma_start3A_275 = arith.constant 0 : i32
      %dma_start3A_276 = tpu.memref_slice %arg3[%add3A_8, %dma_start3A_275] : memref<2560x128xi32, #tpu.memory_space<hbm>> -> memref<40x128xi32, #tpu.memory_space<hbm>>
      %dma_start3A_277 = arith.constant 0 : i32
      %dma_start3A_278 = tpu.memref_slice %arg3[%add3A_8, %dma_start3A_277] : memref<2560x128xi32, #tpu.memory_space<hbm>> -> memref<40x128xi32, #tpu.memory_space<hbm>>
      tpu.enqueue_dma source(%dma_start3A_278 : memref<40x128xi32, #tpu.memory_space<hbm>>) target(%arg7 : memref<40x128xi32, #tpu.memory_space<vmem>>) target_semaphore(%run_scoped3A : memref<!tpu.dma_semaphore, #tpu.memory_space<semaphore_mem>>)
      %dma_wait3A_279 = arith.constant 0 : i32
      %dma_wait3A_280 = tpu.memref_slice %arg3[%add3A_8, %dma_wait3A_279] : memref<2560x128xi32, #tpu.memory_space<hbm>> -> memref<40x128xi32, #tpu.memory_space<hbm>>
      %dma_wait3A_281 = arith.constant 0 : i32
      %dma_wait3A_282 = tpu.memref_slice %arg3[%add3A_8, %dma_wait3A_281] : memref<2560x128xi32, #tpu.memory_space<hbm>> -> memref<40x128xi32, #tpu.memory_space<hbm>>
      tpu.wait_dma2 semaphore(%run_scoped3A : memref<!tpu.dma_semaphore, #tpu.memory_space<semaphore_mem>>) src(%dma_wait3A_282 : memref<40x128xi32, #tpu.memory_space<hbm>>) dst(%arg7 : memref<40x128xi32, #tpu.memory_space<vmem>>)
      tpu.yield
    }) : () -> ()
    %mul3A_9 = arith.constant 80 : i32
    %mul3A_10 = arith.muli %add3A, %mul3A_9 : i32
    %add3A_11 = arith.constant 0 : i32
    %add3A_12 = arith.addi %mul3A_10, %add3A_11 : i32
    "tpu.region"() ({
      %run_scoped3A = tpu.sem_alloc : memref<!tpu.dma_semaphore, #tpu.memory_space<semaphore_mem>>
      %dma_start3A_275 = arith.constant 0 : i32
      %dma_start3A_276 = tpu.memref_slice %arg4[%add3A_12, %dma_start3A_275] : memref<2560x128xi32, #tpu.memory_space<hbm>> -> memref<40x128xi32, #tpu.memory_space<hbm>>
      %dma_start3A_277 = arith.constant 0 : i32
      %dma_start3A_278 = tpu.memref_slice %arg4[%add3A_12, %dma_start3A_277] : memref<2560x128xi32, #tpu.memory_space<hbm>> -> memref<40x128xi32, #tpu.memory_space<hbm>>
      tpu.enqueue_dma source(%dma_start3A_278 : memref<40x128xi32, #tpu.memory_space<hbm>>) target(%arg8 : memref<40x128xi32, #tpu.memory_space<vmem>>) target_semaphore(%run_scoped3A : memref<!tpu.dma_semaphore, #tpu.memory_space<semaphore_mem>>)
      %dma_wait3A_279 = arith.constant 0 : i32
      %dma_wait3A_280 = tpu.memref_slice %arg4[%add3A_12, %dma_wait3A_279] : memref<2560x128xi32, #tpu.memory_space<hbm>> -> memref<40x128xi32, #tpu.memory_space<hbm>>
      %dma_wait3A_281 = arith.constant 0 : i32
      %dma_wait3A_282 = tpu.memref_slice %arg4[%add3A_12, %dma_wait3A_281] : memref<2560x128xi32, #tpu.memory_space<hbm>> -> memref<40x128xi32, #tpu.memory_space<hbm>>
      tpu.wait_dma2 semaphore(%run_scoped3A : memref<!tpu.dma_semaphore, #tpu.memory_space<semaphore_mem>>) src(%dma_wait3A_282 : memref<40x128xi32, #tpu.memory_space<hbm>>) dst(%arg8 : memref<40x128xi32, #tpu.memory_space<vmem>>)
      tpu.yield
    }) : () -> ()
    %dma_start3A = arith.constant 0 : i32
    %dma_start3A_13 = arith.constant 0 : i32
    %dma_start3A_14 = arith.constant 0 : i32
    %dma_start3A_15 = arith.constant 0 : i32
    %dma_start3A_16 = arith.constant 0 : i32
    %dma_start3A_17 = tpu.memref_slice %arg9[%dma_start3A_13, %dma_start3A_15, %dma_start3A_16] : memref<2x128x128xf32, #tpu.memory_space<vmem>> -> memref<1x128x128xf32, #tpu.memory_space<vmem>>
    %dma_start3A_18 = tpu.memref_squeeze %dma_start3A_17 : memref<1x128x128xf32, #tpu.memory_space<vmem>> -> memref<128x128xf32, #tpu.memory_space<vmem>>
    %dma_start3A_19 = arith.constant 0 : i32
    %dma_start3A_20 = tpu.memref_slice %arg7[%dma_start3A, %dma_start3A_19] : memref<40x128xi32, #tpu.memory_space<vmem>> -> memref<1x128xi32, #tpu.memory_space<vmem>>
    %dma_start3A_21 = tpu.memref_squeeze %dma_start3A_20 : memref<1x128xi32, #tpu.memory_space<vmem>> -> memref<128xi32, #tpu.memory_space<vmem>>
    %dma_start3A_22 = arith.constant 0 : i32
    %dma_start3A_23 = arith.constant 0 : i32
    %dma_start3A_24 = tpu.memref_slice %arg2[%dma_start3A_22, %dma_start3A_23] : memref<10000x128xf32, #tpu.memory_space<hbm>> -> memref<10000x128xf32, #tpu.memory_space<hbm>>
    %dma_start3A_25 = tpu.memref_slice %arg11[%dma_start3A_14] : memref<2x!tpu.dma_semaphore, #tpu.memory_space<semaphore_mem>> -> memref<1x!tpu.dma_semaphore, #tpu.memory_space<semaphore_mem>>
    %dma_start3A_26 = tpu.memref_squeeze %dma_start3A_25 : memref<1x!tpu.dma_semaphore, #tpu.memory_space<semaphore_mem>> -> memref<!tpu.dma_semaphore, #tpu.memory_space<semaphore_mem>>
    tpu.enqueue_indirect_dma source(%dma_start3A_24 : memref<10000x128xf32, #tpu.memory_space<hbm>>) target(%dma_start3A_18 : memref<128x128xf32, #tpu.memory_space<vmem>>) offsets(%dma_start3A_21 : memref<128xi32, #tpu.memory_space<vmem>>) semaphore(%dma_start3A_26 : memref<!tpu.dma_semaphore, #tpu.memory_space<semaphore_mem>>)
    %dma_start3A_27 = arith.constant 1 : i32
    %dma_start3A_28 = arith.constant 1 : i32
    %dma_start3A_29 = arith.constant 1 : i32
    %dma_start3A_30 = arith.constant 0 : i32
    %dma_start3A_31 = arith.constant 0 : i32
    %dma_start3A_32 = tpu.memref_slice %arg9[%dma_start3A_28, %dma_start3A_30, %dma_start3A_31] : memref<2x128x128xf32, #tpu.memory_space<vmem>> -> memref<1x128x128xf32, #tpu.memory_space<vmem>>
    %dma_start3A_33 = tpu.memref_squeeze %dma_start3A_32 : memref<1x128x128xf32, #tpu.memory_space<vmem>> -> memref<128x128xf32, #tpu.memory_space<vmem>>
    %dma_start3A_34 = arith.constant 0 : i32
    %dma_start3A_35 = tpu.memref_slice %arg7[%dma_start3A_27, %dma_start3A_34] : memref<40x128xi32, #tpu.memory_space<vmem>> -> memref<1x128xi32, #tpu.memory_space<vmem>>
    %dma_start3A_36 = tpu.memref_squeeze %dma_start3A_35 : memref<1x128xi32, #tpu.memory_space<vmem>> -> memref<128xi32, #tpu.memory_space<vmem>>
    %dma_start3A_37 = arith.constant 0 : i32
    %dma_start3A_38 = arith.constant 0 : i32
    %dma_start3A_39 = tpu.memref_slice %arg2[%dma_start3A_37, %dma_start3A_38] : memref<10000x128xf32, #tpu.memory_space<hbm>> -> memref<10000x128xf32, #tpu.memory_space<hbm>>
    %dma_start3A_40 = tpu.memref_slice %arg11[%dma_start3A_29] : memref<2x!tpu.dma_semaphore, #tpu.memory_space<semaphore_mem>> -> memref<1x!tpu.dma_semaphore, #tpu.memory_space<semaphore_mem>>
    %dma_start3A_41 = tpu.memref_squeeze %dma_start3A_40 : memref<1x!tpu.dma_semaphore, #tpu.memory_space<semaphore_mem>> -> memref<!tpu.dma_semaphore, #tpu.memory_space<semaphore_mem>>
    tpu.enqueue_indirect_dma source(%dma_start3A_39 : memref<10000x128xf32, #tpu.memory_space<hbm>>) target(%dma_start3A_33 : memref<128x128xf32, #tpu.memory_space<vmem>>) offsets(%dma_start3A_36 : memref<128xi32, #tpu.memory_space<vmem>>) semaphore(%dma_start3A_41 : memref<!tpu.dma_semaphore, #tpu.memory_space<semaphore_mem>>)
    %scan3A = arith.constant 0 : i32
    %scan3A_42 = arith.constant 0 : i32
    %scan3A_43 = arith.constant 19 : i32
    %scan3A_44 = arith.addi %scan3A_42, %scan3A_43 : i32
    %scan3A_45 = arith.constant 1 : i32
    scf.for %scan3A_275 = %scan3A_42 to %scan3A_44 step %scan3A_45  : i32 {
      %mul3A_276 = arith.constant 2 : i32
      %mul3A_277 = arith.muli %mul3A_276, %scan3A_275 : i32
      %add3A_278 = arith.constant 0 : i32
      %add3A_279 = arith.addi %mul3A_277, %add3A_278 : i32
      %dma_wait3A_280 = arith.constant 0 : i32
      %dma_wait3A_281 = arith.constant 0 : i32
      %dma_wait3A_282 = arith.constant 0 : i32
      %dma_wait3A_283 = arith.constant 0 : i32
      %dma_wait3A_284 = tpu.memref_slice %arg9[%dma_wait3A_280, %dma_wait3A_282, %dma_wait3A_283] : memref<2x128x128xf32, #tpu.memory_space<vmem>> -> memref<1x128x128xf32, #tpu.memory_space<vmem>>
      %dma_wait3A_285 = tpu.memref_squeeze %dma_wait3A_284 : memref<1x128x128xf32, #tpu.memory_space<vmem>> -> memref<128x128xf32, #tpu.memory_space<vmem>>
      %dma_wait3A_286 = arith.constant 0 : i32
      %dma_wait3A_287 = tpu.memref_slice %arg7[%add3A_279, %dma_wait3A_286] : memref<40x128xi32, #tpu.memory_space<vmem>> -> memref<1x128xi32, #tpu.memory_space<vmem>>
      %dma_wait3A_288 = tpu.memref_squeeze %dma_wait3A_287 : memref<1x128xi32, #tpu.memory_space<vmem>> -> memref<128xi32, #tpu.memory_space<vmem>>
      %dma_wait3A_289 = arith.constant 0 : i32
      %dma_wait3A_290 = arith.constant 0 : i32
      %dma_wait3A_291 = tpu.memref_slice %arg2[%dma_wait3A_289, %dma_wait3A_290] : memref<10000x128xf32, #tpu.memory_space<hbm>> -> memref<10000x128xf32, #tpu.memory_space<hbm>>
      %dma_wait3A_292 = tpu.memref_slice %arg11[%dma_wait3A_281] : memref<2x!tpu.dma_semaphore, #tpu.memory_space<semaphore_mem>> -> memref<1x!tpu.dma_semaphore, #tpu.memory_space<semaphore_mem>>
      %dma_wait3A_293 = tpu.memref_squeeze %dma_wait3A_292 : memref<1x!tpu.dma_semaphore, #tpu.memory_space<semaphore_mem>> -> memref<!tpu.dma_semaphore, #tpu.memory_space<semaphore_mem>>
      tpu.wait_indirect_dma semaphore(%dma_wait3A_293 : memref<!tpu.dma_semaphore, #tpu.memory_space<semaphore_mem>>) src(%dma_wait3A_291 : memref<10000x128xf32, #tpu.memory_space<hbm>>) dst(%dma_wait3A_285 : memref<128x128xf32, #tpu.memory_space<vmem>>)
      %dma_start3A_294 = arith.constant 0 : i32
      %dma_start3A_295 = arith.constant 0 : i32
      %dma_start3A_296 = arith.constant 0 : i32
      %dma_start3A_297 = arith.constant 0 : i32
      %dma_start3A_298 = tpu.memref_slice %arg9[%dma_start3A_294, %dma_start3A_296, %dma_start3A_297] : memref<2x128x128xf32, #tpu.memory_space<vmem>> -> memref<1x128x128xf32, #tpu.memory_space<vmem>>
      %dma_start3A_299 = tpu.memref_squeeze %dma_start3A_298 : memref<1x128x128xf32, #tpu.memory_space<vmem>> -> memref<128x128xf32, #tpu.memory_space<vmem>>
      %dma_start3A_300 = arith.constant 0 : i32
      %dma_start3A_301 = tpu.memref_slice %arg8[%add3A_279, %dma_start3A_300] : memref<40x128xi32, #tpu.memory_space<vmem>> -> memref<1x128xi32, #tpu.memory_space<vmem>>
      %dma_start3A_302 = tpu.memref_squeeze %dma_start3A_301 : memref<1x128xi32, #tpu.memory_space<vmem>> -> memref<128xi32, #tpu.memory_space<vmem>>
      %dma_start3A_303 = arith.constant 0 : i32
      %dma_start3A_304 = arith.constant 0 : i32
      %dma_start3A_305 = tpu.memref_slice %arg10[%dma_start3A_303, %dma_start3A_304] : memref<10112x128xf32, #tpu.memory_space<vmem_shared>> -> memref<10112x128xf32, #tpu.memory_space<vmem_shared>>
      %dma_start3A_306 = tpu.memref_slice %arg12[%dma_start3A_295] : memref<2x!tpu.dma_semaphore, #tpu.memory_space<semaphore_mem>> -> memref<1x!tpu.dma_semaphore, #tpu.memory_space<semaphore_mem>>
      %dma_start3A_307 = tpu.memref_squeeze %dma_start3A_306 : memref<1x!tpu.dma_semaphore, #tpu.memory_space<semaphore_mem>> -> memref<!tpu.dma_semaphore, #tpu.memory_space<semaphore_mem>>
      tpu.enqueue_indirect_dma source(%dma_start3A_299 : memref<128x128xf32, #tpu.memory_space<vmem>>) target(%dma_start3A_305 : memref<10112x128xf32, #tpu.memory_space<vmem_shared>>) offsets(%dma_start3A_302 : memref<128xi32, #tpu.memory_space<vmem>>) semaphore(%dma_start3A_307 : memref<!tpu.dma_semaphore, #tpu.memory_space<semaphore_mem>>) {add = true}
      %dma_wait3A_308 = arith.constant 0 : i32
      %dma_wait3A_309 = arith.constant 0 : i32
      %dma_wait3A_310 = arith.constant 0 : i32
      %dma_wait3A_311 = arith.constant 0 : i32
      %dma_wait3A_312 = tpu.memref_slice %arg9[%dma_wait3A_308, %dma_wait3A_310, %dma_wait3A_311] : memref<2x128x128xf32, #tpu.memory_space<vmem>> -> memref<1x128x128xf32, #tpu.memory_space<vmem>>
      %dma_wait3A_313 = tpu.memref_squeeze %dma_wait3A_312 : memref<1x128x128xf32, #tpu.memory_space<vmem>> -> memref<128x128xf32, #tpu.memory_space<vmem>>
      %dma_wait3A_314 = arith.constant 0 : i32
      %dma_wait3A_315 = tpu.memref_slice %arg8[%add3A_279, %dma_wait3A_314] : memref<40x128xi32, #tpu.memory_space<vmem>> -> memref<1x128xi32, #tpu.memory_space<vmem>>
      %dma_wait3A_316 = tpu.memref_squeeze %dma_wait3A_315 : memref<1x128xi32, #tpu.memory_space<vmem>> -> memref<128xi32, #tpu.memory_space<vmem>>
      %dma_wait3A_317 = arith.constant 0 : i32
      %dma_wait3A_318 = arith.constant 0 : i32
      %dma_wait3A_319 = tpu.memref_slice %arg10[%dma_wait3A_317, %dma_wait3A_318] : memref<10112x128xf32, #tpu.memory_space<vmem_shared>> -> memref<10112x128xf32, #tpu.memory_space<vmem_shared>>
      %dma_wait3A_320 = tpu.memref_slice %arg12[%dma_wait3A_309] : memref<2x!tpu.dma_semaphore, #tpu.memory_space<semaphore_mem>> -> memref<1x!tpu.dma_semaphore, #tpu.memory_space<semaphore_mem>>
      %dma_wait3A_321 = tpu.memref_squeeze %dma_wait3A_320 : memref<1x!tpu.dma_semaphore, #tpu.memory_space<semaphore_mem>> -> memref<!tpu.dma_semaphore, #tpu.memory_space<semaphore_mem>>
      tpu.wait_indirect_dma semaphore(%dma_wait3A_321 : memref<!tpu.dma_semaphore, #tpu.memory_space<semaphore_mem>>) src(%dma_wait3A_313 : memref<128x128xf32, #tpu.memory_space<vmem>>) dst(%dma_wait3A_319 : memref<10112x128xf32, #tpu.memory_space<vmem_shared>>)
      %add3A_322 = arith.constant 2 : i32
      %add3A_323 = arith.addi %add3A_279, %add3A_322 : i32
      %dma_start3A_324 = arith.constant 0 : i32
      %dma_start3A_325 = arith.constant 0 : i32
      %dma_start3A_326 = arith.constant 0 : i32
      %dma_start3A_327 = arith.constant 0 : i32
      %dma_start3A_328 = tpu.memref_slice %arg9[%dma_start3A_324, %dma_start3A_326, %dma_start3A_327] : memref<2x128x128xf32, #tpu.memory_space<vmem>> -> memref<1x128x128xf32, #tpu.memory_space<vmem>>
      %dma_start3A_329 = tpu.memref_squeeze %dma_start3A_328 : memref<1x128x128xf32, #tpu.memory_space<vmem>> -> memref<128x128xf32, #tpu.memory_space<vmem>>
      %dma_start3A_330 = arith.constant 0 : i32
      %dma_start3A_331 = tpu.memref_slice %arg7[%add3A_323, %dma_start3A_330] : memref<40x128xi32, #tpu.memory_space<vmem>> -> memref<1x128xi32, #tpu.memory_space<vmem>>
      %dma_start3A_332 = tpu.memref_squeeze %dma_start3A_331 : memref<1x128xi32, #tpu.memory_space<vmem>> -> memref<128xi32, #tpu.memory_space<vmem>>
      %dma_start3A_333 = arith.constant 0 : i32
      %dma_start3A_334 = arith.constant 0 : i32
      %dma_start3A_335 = tpu.memref_slice %arg2[%dma_start3A_333, %dma_start3A_334] : memref<10000x128xf32, #tpu.memory_space<hbm>> -> memref<10000x128xf32, #tpu.memory_space<hbm>>
      %dma_start3A_336 = tpu.memref_slice %arg11[%dma_start3A_325] : memref<2x!tpu.dma_semaphore, #tpu.memory_space<semaphore_mem>> -> memref<1x!tpu.dma_semaphore, #tpu.memory_space<semaphore_mem>>
      %dma_start3A_337 = tpu.memref_squeeze %dma_start3A_336 : memref<1x!tpu.dma_semaphore, #tpu.memory_space<semaphore_mem>> -> memref<!tpu.dma_semaphore, #tpu.memory_space<semaphore_mem>>
      tpu.enqueue_indirect_dma source(%dma_start3A_335 : memref<10000x128xf32, #tpu.memory_space<hbm>>) target(%dma_start3A_329 : memref<128x128xf32, #tpu.memory_space<vmem>>) offsets(%dma_start3A_332 : memref<128xi32, #tpu.memory_space<vmem>>) semaphore(%dma_start3A_337 : memref<!tpu.dma_semaphore, #tpu.memory_space<semaphore_mem>>)
      %mul3A_338 = arith.constant 2 : i32
      %mul3A_339 = arith.muli %mul3A_338, %scan3A_275 : i32
      %add3A_340 = arith.constant 1 : i32
      %add3A_341 = arith.addi %mul3A_339, %add3A_340 : i32
      %dma_wait3A_342 = arith.constant 1 : i32
      %dma_wait3A_343 = arith.constant 1 : i32
      %dma_wait3A_344 = arith.constant 0 : i32
      %dma_wait3A_345 = arith.constant 0 : i32
      %dma_wait3A_346 = tpu.memref_slice %arg9[%dma_wait3A_342, %dma_wait3A_344, %dma_wait3A_345] : memref<2x128x128xf32, #tpu.memory_space<vmem>> -> memref<1x128x128xf32, #tpu.memory_space<vmem>>
      %dma_wait3A_347 = tpu.memref_squeeze %dma_wait3A_346 : memref<1x128x128xf32, #tpu.memory_space<vmem>> -> memref<128x128xf32, #tpu.memory_space<vmem>>
      %dma_wait3A_348 = arith.constant 0 : i32
      %dma_wait3A_349 = tpu.memref_slice %arg7[%add3A_341, %dma_wait3A_348] : memref<40x128xi32, #tpu.memory_space<vmem>> -> memref<1x128xi32, #tpu.memory_space<vmem>>
      %dma_wait3A_350 = tpu.memref_squeeze %dma_wait3A_349 : memref<1x128xi32, #tpu.memory_space<vmem>> -> memref<128xi32, #tpu.memory_space<vmem>>
      %dma_wait3A_351 = arith.constant 0 : i32
      %dma_wait3A_352 = arith.constant 0 : i32
      %dma_wait3A_353 = tpu.memref_slice %arg2[%dma_wait3A_351, %dma_wait3A_352] : memref<10000x128xf32, #tpu.memory_space<hbm>> -> memref<10000x128xf32, #tpu.memory_space<hbm>>
      %dma_wait3A_354 = tpu.memref_slice %arg11[%dma_wait3A_343] : memref<2x!tpu.dma_semaphore, #tpu.memory_space<semaphore_mem>> -> memref<1x!tpu.dma_semaphore, #tpu.memory_space<semaphore_mem>>
      %dma_wait3A_355 = tpu.memref_squeeze %dma_wait3A_354 : memref<1x!tpu.dma_semaphore, #tpu.memory_space<semaphore_mem>> -> memref<!tpu.dma_semaphore, #tpu.memory_space<semaphore_mem>>
      tpu.wait_indirect_dma semaphore(%dma_wait3A_355 : memref<!tpu.dma_semaphore, #tpu.memory_space<semaphore_mem>>) src(%dma_wait3A_353 : memref<10000x128xf32, #tpu.memory_space<hbm>>) dst(%dma_wait3A_347 : memref<128x128xf32, #tpu.memory_space<vmem>>)
      %dma_start3A_356 = arith.constant 1 : i32
      %dma_start3A_357 = arith.constant 1 : i32
      %dma_start3A_358 = arith.constant 0 : i32
      %dma_start3A_359 = arith.constant 0 : i32
      %dma_start3A_360 = tpu.memref_slice %arg9[%dma_start3A_356, %dma_start3A_358, %dma_start3A_359] : memref<2x128x128xf32, #tpu.memory_space<vmem>> -> memref<1x128x128xf32, #tpu.memory_space<vmem>>
      %dma_start3A_361 = tpu.memref_squeeze %dma_start3A_360 : memref<1x128x128xf32, #tpu.memory_space<vmem>> -> memref<128x128xf32, #tpu.memory_space<vmem>>
      %dma_start3A_362 = arith.constant 0 : i32
      %dma_start3A_363 = tpu.memref_slice %arg8[%add3A_341, %dma_start3A_362] : memref<40x128xi32, #tpu.memory_space<vmem>> -> memref<1x128xi32, #tpu.memory_space<vmem>>
      %dma_start3A_364 = tpu.memref_squeeze %dma_start3A_363 : memref<1x128xi32, #tpu.memory_space<vmem>> -> memref<128xi32, #tpu.memory_space<vmem>>
      %dma_start3A_365 = arith.constant 0 : i32
      %dma_start3A_366 = arith.constant 0 : i32
      %dma_start3A_367 = tpu.memref_slice %arg10[%dma_start3A_365, %dma_start3A_366] : memref<10112x128xf32, #tpu.memory_space<vmem_shared>> -> memref<10112x128xf32, #tpu.memory_space<vmem_shared>>
      %dma_start3A_368 = tpu.memref_slice %arg12[%dma_start3A_357] : memref<2x!tpu.dma_semaphore, #tpu.memory_space<semaphore_mem>> -> memref<1x!tpu.dma_semaphore, #tpu.memory_space<semaphore_mem>>
      %dma_start3A_369 = tpu.memref_squeeze %dma_start3A_368 : memref<1x!tpu.dma_semaphore, #tpu.memory_space<semaphore_mem>> -> memref<!tpu.dma_semaphore, #tpu.memory_space<semaphore_mem>>
      tpu.enqueue_indirect_dma source(%dma_start3A_361 : memref<128x128xf32, #tpu.memory_space<vmem>>) target(%dma_start3A_367 : memref<10112x128xf32, #tpu.memory_space<vmem_shared>>) offsets(%dma_start3A_364 : memref<128xi32, #tpu.memory_space<vmem>>) semaphore(%dma_start3A_369 : memref<!tpu.dma_semaphore, #tpu.memory_space<semaphore_mem>>) {add = true}
      %dma_wait3A_370 = arith.constant 1 : i32
      %dma_wait3A_371 = arith.constant 1 : i32
      %dma_wait3A_372 = arith.constant 0 : i32
      %dma_wait3A_373 = arith.constant 0 : i32
      %dma_wait3A_374 = tpu.memref_slice %arg9[%dma_wait3A_370, %dma_wait3A_372, %dma_wait3A_373] : memref<2x128x128xf32, #tpu.memory_space<vmem>> -> memref<1x128x128xf32, #tpu.memory_space<vmem>>
      %dma_wait3A_375 = tpu.memref_squeeze %dma_wait3A_374 : memref<1x128x128xf32, #tpu.memory_space<vmem>> -> memref<128x128xf32, #tpu.memory_space<vmem>>
      %dma_wait3A_376 = arith.constant 0 : i32
      %dma_wait3A_377 = tpu.memref_slice %arg8[%add3A_341, %dma_wait3A_376] : memref<40x128xi32, #tpu.memory_space<vmem>> -> memref<1x128xi32, #tpu.memory_space<vmem>>
      %dma_wait3A_378 = tpu.memref_squeeze %dma_wait3A_377 : memref<1x128xi32, #tpu.memory_space<vmem>> -> memref<128xi32, #tpu.memory_space<vmem>>
      %dma_wait3A_379 = arith.constant 0 : i32
      %dma_wait3A_380 = arith.constant 0 : i32
      %dma_wait3A_381 = tpu.memref_slice %arg10[%dma_wait3A_379, %dma_wait3A_380] : memref<10112x128xf32, #tpu.memory_space<vmem_shared>> -> memref<10112x128xf32, #tpu.memory_space<vmem_shared>>
      %dma_wait3A_382 = tpu.memref_slice %arg12[%dma_wait3A_371] : memref<2x!tpu.dma_semaphore, #tpu.memory_space<semaphore_mem>> -> memref<1x!tpu.dma_semaphore, #tpu.memory_space<semaphore_mem>>
      %dma_wait3A_383 = tpu.memref_squeeze %dma_wait3A_382 : memref<1x!tpu.dma_semaphore, #tpu.memory_space<semaphore_mem>> -> memref<!tpu.dma_semaphore, #tpu.memory_space<semaphore_mem>>
      tpu.wait_indirect_dma semaphore(%dma_wait3A_383 : memref<!tpu.dma_semaphore, #tpu.memory_space<semaphore_mem>>) src(%dma_wait3A_375 : memref<128x128xf32, #tpu.memory_space<vmem>>) dst(%dma_wait3A_381 : memref<10112x128xf32, #tpu.memory_space<vmem_shared>>)
      %add3A_384 = arith.constant 2 : i32
      %add3A_385 = arith.addi %add3A_341, %add3A_384 : i32
      %dma_start3A_386 = arith.constant 1 : i32
      %dma_start3A_387 = arith.constant 1 : i32
      %dma_start3A_388 = arith.constant 0 : i32
      %dma_start3A_389 = arith.constant 0 : i32
      %dma_start3A_390 = tpu.memref_slice %arg9[%dma_start3A_386, %dma_start3A_388, %dma_start3A_389] : memref<2x128x128xf32, #tpu.memory_space<vmem>> -> memref<1x128x128xf32, #tpu.memory_space<vmem>>
      %dma_start3A_391 = tpu.memref_squeeze %dma_start3A_390 : memref<1x128x128xf32, #tpu.memory_space<vmem>> -> memref<128x128xf32, #tpu.memory_space<vmem>>
      %dma_start3A_392 = arith.constant 0 : i32
      %dma_start3A_393 = tpu.memref_slice %arg7[%add3A_385, %dma_start3A_392] : memref<40x128xi32, #tpu.memory_space<vmem>> -> memref<1x128xi32, #tpu.memory_space<vmem>>
      %dma_start3A_394 = tpu.memref_squeeze %dma_start3A_393 : memref<1x128xi32, #tpu.memory_space<vmem>> -> memref<128xi32, #tpu.memory_space<vmem>>
      %dma_start3A_395 = arith.constant 0 : i32
      %dma_start3A_396 = arith.constant 0 : i32
      %dma_start3A_397 = tpu.memref_slice %arg2[%dma_start3A_395, %dma_start3A_396] : memref<10000x128xf32, #tpu.memory_space<hbm>> -> memref<10000x128xf32, #tpu.memory_space<hbm>>
      %dma_start3A_398 = tpu.memref_slice %arg11[%dma_start3A_387] : memref<2x!tpu.dma_semaphore, #tpu.memory_space<semaphore_mem>> -> memref<1x!tpu.dma_semaphore, #tpu.memory_space<semaphore_mem>>
      %dma_start3A_399 = tpu.memref_squeeze %dma_start3A_398 : memref<1x!tpu.dma_semaphore, #tpu.memory_space<semaphore_mem>> -> memref<!tpu.dma_semaphore, #tpu.memory_space<semaphore_mem>>
      tpu.enqueue_indirect_dma source(%dma_start3A_397 : memref<10000x128xf32, #tpu.memory_space<hbm>>) target(%dma_start3A_391 : memref<128x128xf32, #tpu.memory_space<vmem>>) offsets(%dma_start3A_394 : memref<128xi32, #tpu.memory_space<vmem>>) semaphore(%dma_start3A_399 : memref<!tpu.dma_semaphore, #tpu.memory_space<semaphore_mem>>)
    }
    %scan3A_46 = arith.constant 19 : i32
    %dma_wait3A = arith.constant 38 : i32
    %dma_wait3A_47 = arith.constant 0 : i32
    %dma_wait3A_48 = arith.constant 0 : i32
    %dma_wait3A_49 = arith.constant 0 : i32
    %dma_wait3A_50 = arith.constant 0 : i32
    %dma_wait3A_51 = tpu.memref_slice %arg9[%dma_wait3A_47, %dma_wait3A_49, %dma_wait3A_50] : memref<2x128x128xf32, #tpu.memory_space<vmem>> -> memref<1x128x128xf32, #tpu.memory_space<vmem>>
    %dma_wait3A_52 = tpu.memref_squeeze %dma_wait3A_51 : memref<1x128x128xf32, #tpu.memory_space<vmem>> -> memref<128x128xf32, #tpu.memory_space<vmem>>
    %dma_wait3A_53 = arith.constant 0 : i32
    %dma_wait3A_54 = tpu.memref_slice %arg7[%dma_wait3A, %dma_wait3A_53] : memref<40x128xi32, #tpu.memory_space<vmem>> -> memref<1x128xi32, #tpu.memory_space<vmem>>
    %dma_wait3A_55 = tpu.memref_squeeze %dma_wait3A_54 : memref<1x128xi32, #tpu.memory_space<vmem>> -> memref<128xi32, #tpu.memory_space<vmem>>
    %dma_wait3A_56 = arith.constant 0 : i32
    %dma_wait3A_57 = arith.constant 0 : i32
    %dma_wait3A_58 = tpu.memref_slice %arg2[%dma_wait3A_56, %dma_wait3A_57] : memref<10000x128xf32, #tpu.memory_space<hbm>> -> memref<10000x128xf32, #tpu.memory_space<hbm>>
    %dma_wait3A_59 = tpu.memref_slice %arg11[%dma_wait3A_48] : memref<2x!tpu.dma_semaphore, #tpu.memory_space<semaphore_mem>> -> memref<1x!tpu.dma_semaphore, #tpu.memory_space<semaphore_mem>>
    %dma_wait3A_60 = tpu.memref_squeeze %dma_wait3A_59 : memref<1x!tpu.dma_semaphore, #tpu.memory_space<semaphore_mem>> -> memref<!tpu.dma_semaphore, #tpu.memory_space<semaphore_mem>>
    tpu.wait_indirect_dma semaphore(%dma_wait3A_60 : memref<!tpu.dma_semaphore, #tpu.memory_space<semaphore_mem>>) src(%dma_wait3A_58 : memref<10000x128xf32, #tpu.memory_space<hbm>>) dst(%dma_wait3A_52 : memref<128x128xf32, #tpu.memory_space<vmem>>)
    %dma_start3A_61 = arith.constant 0 : i32
    %dma_start3A_62 = arith.constant 38 : i32
    %dma_start3A_63 = arith.constant 0 : i32
    %dma_start3A_64 = arith.constant 0 : i32
    %dma_start3A_65 = arith.constant 0 : i32
    %dma_start3A_66 = tpu.memref_slice %arg9[%dma_start3A_61, %dma_start3A_64, %dma_start3A_65] : memref<2x128x128xf32, #tpu.memory_space<vmem>> -> memref<1x128x128xf32, #tpu.memory_space<vmem>>
    %dma_start3A_67 = tpu.memref_squeeze %dma_start3A_66 : memref<1x128x128xf32, #tpu.memory_space<vmem>> -> memref<128x128xf32, #tpu.memory_space<vmem>>
    %dma_start3A_68 = arith.constant 0 : i32
    %dma_start3A_69 = tpu.memref_slice %arg8[%dma_start3A_62, %dma_start3A_68] : memref<40x128xi32, #tpu.memory_space<vmem>> -> memref<1x128xi32, #tpu.memory_space<vmem>>
    %dma_start3A_70 = tpu.memref_squeeze %dma_start3A_69 : memref<1x128xi32, #tpu.memory_space<vmem>> -> memref<128xi32, #tpu.memory_space<vmem>>
    %dma_start3A_71 = arith.constant 0 : i32
    %dma_start3A_72 = arith.constant 0 : i32
    %dma_start3A_73 = tpu.memref_slice %arg10[%dma_start3A_71, %dma_start3A_72] : memref<10112x128xf32, #tpu.memory_space<vmem_shared>> -> memref<10112x128xf32, #tpu.memory_space<vmem_shared>>
    %dma_start3A_74 = tpu.memref_slice %arg12[%dma_start3A_63] : memref<2x!tpu.dma_semaphore, #tpu.memory_space<semaphore_mem>> -> memref<1x!tpu.dma_semaphore, #tpu.memory_space<semaphore_mem>>
    %dma_start3A_75 = tpu.memref_squeeze %dma_start3A_74 : memref<1x!tpu.dma_semaphore, #tpu.memory_space<semaphore_mem>> -> memref<!tpu.dma_semaphore, #tpu.memory_space<semaphore_mem>>
    tpu.enqueue_indirect_dma source(%dma_start3A_67 : memref<128x128xf32, #tpu.memory_space<vmem>>) target(%dma_start3A_73 : memref<10112x128xf32, #tpu.memory_space<vmem_shared>>) offsets(%dma_start3A_70 : memref<128xi32, #tpu.memory_space<vmem>>) semaphore(%dma_start3A_75 : memref<!tpu.dma_semaphore, #tpu.memory_space<semaphore_mem>>) {add = true}
    %dma_wait3A_76 = arith.constant 39 : i32
    %dma_wait3A_77 = arith.constant 1 : i32
    %dma_wait3A_78 = arith.constant 1 : i32
    %dma_wait3A_79 = arith.constant 0 : i32
    %dma_wait3A_80 = arith.constant 0 : i32
    %dma_wait3A_81 = tpu.memref_slice %arg9[%dma_wait3A_77, %dma_wait3A_79, %dma_wait3A_80] : memref<2x128x128xf32, #tpu.memory_space<vmem>> -> memref<1x128x128xf32, #tpu.memory_space<vmem>>
    %dma_wait3A_82 = tpu.memref_squeeze %dma_wait3A_81 : memref<1x128x128xf32, #tpu.memory_space<vmem>> -> memref<128x128xf32, #tpu.memory_space<vmem>>
    %dma_wait3A_83 = arith.constant 0 : i32
    %dma_wait3A_84 = tpu.memref_slice %arg7[%dma_wait3A_76, %dma_wait3A_83] : memref<40x128xi32, #tpu.memory_space<vmem>> -> memref<1x128xi32, #tpu.memory_space<vmem>>
    %dma_wait3A_85 = tpu.memref_squeeze %dma_wait3A_84 : memref<1x128xi32, #tpu.memory_space<vmem>> -> memref<128xi32, #tpu.memory_space<vmem>>
    %dma_wait3A_86 = arith.constant 0 : i32
    %dma_wait3A_87 = arith.constant 0 : i32
    %dma_wait3A_88 = tpu.memref_slice %arg2[%dma_wait3A_86, %dma_wait3A_87] : memref<10000x128xf32, #tpu.memory_space<hbm>> -> memref<10000x128xf32, #tpu.memory_space<hbm>>
    %dma_wait3A_89 = tpu.memref_slice %arg11[%dma_wait3A_78] : memref<2x!tpu.dma_semaphore, #tpu.memory_space<semaphore_mem>> -> memref<1x!tpu.dma_semaphore, #tpu.memory_space<semaphore_mem>>
    %dma_wait3A_90 = tpu.memref_squeeze %dma_wait3A_89 : memref<1x!tpu.dma_semaphore, #tpu.memory_space<semaphore_mem>> -> memref<!tpu.dma_semaphore, #tpu.memory_space<semaphore_mem>>
    tpu.wait_indirect_dma semaphore(%dma_wait3A_90 : memref<!tpu.dma_semaphore, #tpu.memory_space<semaphore_mem>>) src(%dma_wait3A_88 : memref<10000x128xf32, #tpu.memory_space<hbm>>) dst(%dma_wait3A_82 : memref<128x128xf32, #tpu.memory_space<vmem>>)
    %dma_start3A_91 = arith.constant 1 : i32
    %dma_start3A_92 = arith.constant 39 : i32
    %dma_start3A_93 = arith.constant 1 : i32
    %dma_start3A_94 = arith.constant 0 : i32
    %dma_start3A_95 = arith.constant 0 : i32
    %dma_start3A_96 = tpu.memref_slice %arg9[%dma_start3A_91, %dma_start3A_94, %dma_start3A_95] : memref<2x128x128xf32, #tpu.memory_space<vmem>> -> memref<1x128x128xf32, #tpu.memory_space<vmem>>
    %dma_start3A_97 = tpu.memref_squeeze %dma_start3A_96 : memref<1x128x128xf32, #tpu.memory_space<vmem>> -> memref<128x128xf32, #tpu.memory_space<vmem>>
    %dma_start3A_98 = arith.constant 0 : i32
    %dma_start3A_99 = tpu.memref_slice %arg8[%dma_start3A_92, %dma_start3A_98] : memref<40x128xi32, #tpu.memory_space<vmem>> -> memref<1x128xi32, #tpu.memory_space<vmem>>
    %dma_start3A_100 = tpu.memref_squeeze %dma_start3A_99 : memref<1x128xi32, #tpu.memory_space<vmem>> -> memref<128xi32, #tpu.memory_space<vmem>>
    %dma_start3A_101 = arith.constant 0 : i32
    %dma_start3A_102 = arith.constant 0 : i32
    %dma_start3A_103 = tpu.memref_slice %arg10[%dma_start3A_101, %dma_start3A_102] : memref<10112x128xf32, #tpu.memory_space<vmem_shared>> -> memref<10112x128xf32, #tpu.memory_space<vmem_shared>>
    %dma_start3A_104 = tpu.memref_slice %arg12[%dma_start3A_93] : memref<2x!tpu.dma_semaphore, #tpu.memory_space<semaphore_mem>> -> memref<1x!tpu.dma_semaphore, #tpu.memory_space<semaphore_mem>>
    %dma_start3A_105 = tpu.memref_squeeze %dma_start3A_104 : memref<1x!tpu.dma_semaphore, #tpu.memory_space<semaphore_mem>> -> memref<!tpu.dma_semaphore, #tpu.memory_space<semaphore_mem>>
    tpu.enqueue_indirect_dma source(%dma_start3A_97 : memref<128x128xf32, #tpu.memory_space<vmem>>) target(%dma_start3A_103 : memref<10112x128xf32, #tpu.memory_space<vmem_shared>>) offsets(%dma_start3A_100 : memref<128xi32, #tpu.memory_space<vmem>>) semaphore(%dma_start3A_105 : memref<!tpu.dma_semaphore, #tpu.memory_space<semaphore_mem>>) {add = true}
    %dma_wait3A_106 = arith.constant 0 : i32
    %dma_wait3A_107 = arith.constant 38 : i32
    %dma_wait3A_108 = arith.constant 0 : i32
    %dma_wait3A_109 = arith.constant 0 : i32
    %dma_wait3A_110 = arith.constant 0 : i32
    %dma_wait3A_111 = tpu.memref_slice %arg9[%dma_wait3A_106, %dma_wait3A_109, %dma_wait3A_110] : memref<2x128x128xf32, #tpu.memory_space<vmem>> -> memref<1x128x128xf32, #tpu.memory_space<vmem>>
    %dma_wait3A_112 = tpu.memref_squeeze %dma_wait3A_111 : memref<1x128x128xf32, #tpu.memory_space<vmem>> -> memref<128x128xf32, #tpu.memory_space<vmem>>
    %dma_wait3A_113 = arith.constant 0 : i32
    %dma_wait3A_114 = tpu.memref_slice %arg8[%dma_wait3A_107, %dma_wait3A_113] : memref<40x128xi32, #tpu.memory_space<vmem>> -> memref<1x128xi32, #tpu.memory_space<vmem>>
    %dma_wait3A_115 = tpu.memref_squeeze %dma_wait3A_114 : memref<1x128xi32, #tpu.memory_space<vmem>> -> memref<128xi32, #tpu.memory_space<vmem>>
    %dma_wait3A_116 = arith.constant 0 : i32
    %dma_wait3A_117 = arith.constant 0 : i32
    %dma_wait3A_118 = tpu.memref_slice %arg10[%dma_wait3A_116, %dma_wait3A_117] : memref<10112x128xf32, #tpu.memory_space<vmem_shared>> -> memref<10112x128xf32, #tpu.memory_space<vmem_shared>>
    %dma_wait3A_119 = tpu.memref_slice %arg12[%dma_wait3A_108] : memref<2x!tpu.dma_semaphore, #tpu.memory_space<semaphore_mem>> -> memref<1x!tpu.dma_semaphore, #tpu.memory_space<semaphore_mem>>
    %dma_wait3A_120 = tpu.memref_squeeze %dma_wait3A_119 : memref<1x!tpu.dma_semaphore, #tpu.memory_space<semaphore_mem>> -> memref<!tpu.dma_semaphore, #tpu.memory_space<semaphore_mem>>
    tpu.wait_indirect_dma semaphore(%dma_wait3A_120 : memref<!tpu.dma_semaphore, #tpu.memory_space<semaphore_mem>>) src(%dma_wait3A_112 : memref<128x128xf32, #tpu.memory_space<vmem>>) dst(%dma_wait3A_118 : memref<10112x128xf32, #tpu.memory_space<vmem_shared>>)
    %dma_wait3A_121 = arith.constant 1 : i32
    %dma_wait3A_122 = arith.constant 39 : i32
    %dma_wait3A_123 = arith.constant 1 : i32
    %dma_wait3A_124 = arith.constant 0 : i32
    %dma_wait3A_125 = arith.constant 0 : i32
    %dma_wait3A_126 = tpu.memref_slice %arg9[%dma_wait3A_121, %dma_wait3A_124, %dma_wait3A_125] : memref<2x128x128xf32, #tpu.memory_space<vmem>> -> memref<1x128x128xf32, #tpu.memory_space<vmem>>
    %dma_wait3A_127 = tpu.memref_squeeze %dma_wait3A_126 : memref<1x128x128xf32, #tpu.memory_space<vmem>> -> memref<128x128xf32, #tpu.memory_space<vmem>>
    %dma_wait3A_128 = arith.constant 0 : i32
    %dma_wait3A_129 = tpu.memref_slice %arg8[%dma_wait3A_122, %dma_wait3A_128] : memref<40x128xi32, #tpu.memory_space<vmem>> -> memref<1x128xi32, #tpu.memory_space<vmem>>
    %dma_wait3A_130 = tpu.memref_squeeze %dma_wait3A_129 : memref<1x128xi32, #tpu.memory_space<vmem>> -> memref<128xi32, #tpu.memory_space<vmem>>
    %dma_wait3A_131 = arith.constant 0 : i32
    %dma_wait3A_132 = arith.constant 0 : i32
    %dma_wait3A_133 = tpu.memref_slice %arg10[%dma_wait3A_131, %dma_wait3A_132] : memref<10112x128xf32, #tpu.memory_space<vmem_shared>> -> memref<10112x128xf32, #tpu.memory_space<vmem_shared>>
    %dma_wait3A_134 = tpu.memref_slice %arg12[%dma_wait3A_123] : memref<2x!tpu.dma_semaphore, #tpu.memory_space<semaphore_mem>> -> memref<1x!tpu.dma_semaphore, #tpu.memory_space<semaphore_mem>>
    %dma_wait3A_135 = tpu.memref_squeeze %dma_wait3A_134 : memref<1x!tpu.dma_semaphore, #tpu.memory_space<semaphore_mem>> -> memref<!tpu.dma_semaphore, #tpu.memory_space<semaphore_mem>>
    tpu.wait_indirect_dma semaphore(%dma_wait3A_135 : memref<!tpu.dma_semaphore, #tpu.memory_space<semaphore_mem>>) src(%dma_wait3A_127 : memref<128x128xf32, #tpu.memory_space<vmem>>) dst(%dma_wait3A_133 : memref<10112x128xf32, #tpu.memory_space<vmem_shared>>)
    %mul3A_136 = arith.constant 80 : i32
    %mul3A_137 = arith.muli %add3A, %mul3A_136 : i32
    %add3A_138 = arith.constant 40 : i32
    %add3A_139 = arith.addi %mul3A_137, %add3A_138 : i32
    "tpu.region"() ({
      %run_scoped3A = tpu.sem_alloc : memref<!tpu.dma_semaphore, #tpu.memory_space<semaphore_mem>>
      %dma_start3A_275 = arith.constant 0 : i32
      %dma_start3A_276 = tpu.memref_slice %arg3[%add3A_139, %dma_start3A_275] : memref<2560x128xi32, #tpu.memory_space<hbm>> -> memref<40x128xi32, #tpu.memory_space<hbm>>
      %dma_start3A_277 = arith.constant 0 : i32
      %dma_start3A_278 = tpu.memref_slice %arg3[%add3A_139, %dma_start3A_277] : memref<2560x128xi32, #tpu.memory_space<hbm>> -> memref<40x128xi32, #tpu.memory_space<hbm>>
      tpu.enqueue_dma source(%dma_start3A_278 : memref<40x128xi32, #tpu.memory_space<hbm>>) target(%arg7 : memref<40x128xi32, #tpu.memory_space<vmem>>) target_semaphore(%run_scoped3A : memref<!tpu.dma_semaphore, #tpu.memory_space<semaphore_mem>>)
      %dma_wait3A_279 = arith.constant 0 : i32
      %dma_wait3A_280 = tpu.memref_slice %arg3[%add3A_139, %dma_wait3A_279] : memref<2560x128xi32, #tpu.memory_space<hbm>> -> memref<40x128xi32, #tpu.memory_space<hbm>>
      %dma_wait3A_281 = arith.constant 0 : i32
      %dma_wait3A_282 = tpu.memref_slice %arg3[%add3A_139, %dma_wait3A_281] : memref<2560x128xi32, #tpu.memory_space<hbm>> -> memref<40x128xi32, #tpu.memory_space<hbm>>
      tpu.wait_dma2 semaphore(%run_scoped3A : memref<!tpu.dma_semaphore, #tpu.memory_space<semaphore_mem>>) src(%dma_wait3A_282 : memref<40x128xi32, #tpu.memory_space<hbm>>) dst(%arg7 : memref<40x128xi32, #tpu.memory_space<vmem>>)
      tpu.yield
    }) : () -> ()
    %mul3A_140 = arith.constant 80 : i32
    %mul3A_141 = arith.muli %add3A, %mul3A_140 : i32
    %add3A_142 = arith.constant 40 : i32
    %add3A_143 = arith.addi %mul3A_141, %add3A_142 : i32
    "tpu.region"() ({
      %run_scoped3A = tpu.sem_alloc : memref<!tpu.dma_semaphore, #tpu.memory_space<semaphore_mem>>
      %dma_start3A_275 = arith.constant 0 : i32
      %dma_start3A_276 = tpu.memref_slice %arg4[%add3A_143, %dma_start3A_275] : memref<2560x128xi32, #tpu.memory_space<hbm>> -> memref<40x128xi32, #tpu.memory_space<hbm>>
      %dma_start3A_277 = arith.constant 0 : i32
      %dma_start3A_278 = tpu.memref_slice %arg4[%add3A_143, %dma_start3A_277] : memref<2560x128xi32, #tpu.memory_space<hbm>> -> memref<40x128xi32, #tpu.memory_space<hbm>>
      tpu.enqueue_dma source(%dma_start3A_278 : memref<40x128xi32, #tpu.memory_space<hbm>>) target(%arg8 : memref<40x128xi32, #tpu.memory_space<vmem>>) target_semaphore(%run_scoped3A : memref<!tpu.dma_semaphore, #tpu.memory_space<semaphore_mem>>)
      %dma_wait3A_279 = arith.constant 0 : i32
      %dma_wait3A_280 = tpu.memref_slice %arg4[%add3A_143, %dma_wait3A_279] : memref<2560x128xi32, #tpu.memory_space<hbm>> -> memref<40x128xi32, #tpu.memory_space<hbm>>
      %dma_wait3A_281 = arith.constant 0 : i32
      %dma_wait3A_282 = tpu.memref_slice %arg4[%add3A_143, %dma_wait3A_281] : memref<2560x128xi32, #tpu.memory_space<hbm>> -> memref<40x128xi32, #tpu.memory_space<hbm>>
      tpu.wait_dma2 semaphore(%run_scoped3A : memref<!tpu.dma_semaphore, #tpu.memory_space<semaphore_mem>>) src(%dma_wait3A_282 : memref<40x128xi32, #tpu.memory_space<hbm>>) dst(%arg8 : memref<40x128xi32, #tpu.memory_space<vmem>>)
      tpu.yield
    }) : () -> ()
    %dma_start3A_144 = arith.constant 0 : i32
    %dma_start3A_145 = arith.constant 0 : i32
    %dma_start3A_146 = arith.constant 0 : i32
    %dma_start3A_147 = arith.constant 0 : i32
    %dma_start3A_148 = arith.constant 0 : i32
    %dma_start3A_149 = tpu.memref_slice %arg9[%dma_start3A_145, %dma_start3A_147, %dma_start3A_148] : memref<2x128x128xf32, #tpu.memory_space<vmem>> -> memref<1x128x128xf32, #tpu.memory_space<vmem>>
    %dma_start3A_150 = tpu.memref_squeeze %dma_start3A_149 : memref<1x128x128xf32, #tpu.memory_space<vmem>> -> memref<128x128xf32, #tpu.memory_space<vmem>>
    %dma_start3A_151 = arith.constant 0 : i32
    %dma_start3A_152 = tpu.memref_slice %arg7[%dma_start3A_144, %dma_start3A_151] : memref<40x128xi32, #tpu.memory_space<vmem>> -> memref<1x128xi32, #tpu.memory_space<vmem>>
    %dma_start3A_153 = tpu.memref_squeeze %dma_start3A_152 : memref<1x128xi32, #tpu.memory_space<vmem>> -> memref<128xi32, #tpu.memory_space<vmem>>
    %dma_start3A_154 = arith.constant 0 : i32
    %dma_start3A_155 = arith.constant 0 : i32
    %dma_start3A_156 = tpu.memref_slice %arg2[%dma_start3A_154, %dma_start3A_155] : memref<10000x128xf32, #tpu.memory_space<hbm>> -> memref<10000x128xf32, #tpu.memory_space<hbm>>
    %dma_start3A_157 = tpu.memref_slice %arg11[%dma_start3A_146] : memref<2x!tpu.dma_semaphore, #tpu.memory_space<semaphore_mem>> -> memref<1x!tpu.dma_semaphore, #tpu.memory_space<semaphore_mem>>
    %dma_start3A_158 = tpu.memref_squeeze %dma_start3A_157 : memref<1x!tpu.dma_semaphore, #tpu.memory_space<semaphore_mem>> -> memref<!tpu.dma_semaphore, #tpu.memory_space<semaphore_mem>>
    tpu.enqueue_indirect_dma source(%dma_start3A_156 : memref<10000x128xf32, #tpu.memory_space<hbm>>) target(%dma_start3A_150 : memref<128x128xf32, #tpu.memory_space<vmem>>) offsets(%dma_start3A_153 : memref<128xi32, #tpu.memory_space<vmem>>) semaphore(%dma_start3A_158 : memref<!tpu.dma_semaphore, #tpu.memory_space<semaphore_mem>>)
    %dma_start3A_159 = arith.constant 1 : i32
    %dma_start3A_160 = arith.constant 1 : i32
    %dma_start3A_161 = arith.constant 1 : i32
    %dma_start3A_162 = arith.constant 0 : i32
    %dma_start3A_163 = arith.constant 0 : i32
    %dma_start3A_164 = tpu.memref_slice %arg9[%dma_start3A_160, %dma_start3A_162, %dma_start3A_163] : memref<2x128x128xf32, #tpu.memory_space<vmem>> -> memref<1x128x128xf32, #tpu.memory_space<vmem>>
    %dma_start3A_165 = tpu.memref_squeeze %dma_start3A_164 : memref<1x128x128xf32, #tpu.memory_space<vmem>> -> memref<128x128xf32, #tpu.memory_space<vmem>>
    %dma_start3A_166 = arith.constant 0 : i32
    %dma_start3A_167 = tpu.memref_slice %arg7[%dma_start3A_159, %dma_start3A_166] : memref<40x128xi32, #tpu.memory_space<vmem>> -> memref<1x128xi32, #tpu.memory_space<vmem>>
    %dma_start3A_168 = tpu.memref_squeeze %dma_start3A_167 : memref<1x128xi32, #tpu.memory_space<vmem>> -> memref<128xi32, #tpu.memory_space<vmem>>
    %dma_start3A_169 = arith.constant 0 : i32
    %dma_start3A_170 = arith.constant 0 : i32
    %dma_start3A_171 = tpu.memref_slice %arg2[%dma_start3A_169, %dma_start3A_170] : memref<10000x128xf32, #tpu.memory_space<hbm>> -> memref<10000x128xf32, #tpu.memory_space<hbm>>
    %dma_start3A_172 = tpu.memref_slice %arg11[%dma_start3A_161] : memref<2x!tpu.dma_semaphore, #tpu.memory_space<semaphore_mem>> -> memref<1x!tpu.dma_semaphore, #tpu.memory_space<semaphore_mem>>
    %dma_start3A_173 = tpu.memref_squeeze %dma_start3A_172 : memref<1x!tpu.dma_semaphore, #tpu.memory_space<semaphore_mem>> -> memref<!tpu.dma_semaphore, #tpu.memory_space<semaphore_mem>>
    tpu.enqueue_indirect_dma source(%dma_start3A_171 : memref<10000x128xf32, #tpu.memory_space<hbm>>) target(%dma_start3A_165 : memref<128x128xf32, #tpu.memory_space<vmem>>) offsets(%dma_start3A_168 : memref<128xi32, #tpu.memory_space<vmem>>) semaphore(%dma_start3A_173 : memref<!tpu.dma_semaphore, #tpu.memory_space<semaphore_mem>>)
    %scan3A_174 = arith.constant 0 : i32
    %scan3A_175 = arith.constant 0 : i32
    %scan3A_176 = arith.constant 19 : i32
    %scan3A_177 = arith.addi %scan3A_175, %scan3A_176 : i32
    %scan3A_178 = arith.constant 1 : i32
    scf.for %scan3A_275 = %scan3A_175 to %scan3A_177 step %scan3A_178  : i32 {
      %mul3A_276 = arith.constant 2 : i32
      %mul3A_277 = arith.muli %mul3A_276, %scan3A_275 : i32
      %add3A_278 = arith.constant 0 : i32
      %add3A_279 = arith.addi %mul3A_277, %add3A_278 : i32
      %dma_wait3A_280 = arith.constant 0 : i32
      %dma_wait3A_281 = arith.constant 0 : i32
      %dma_wait3A_282 = arith.constant 0 : i32
      %dma_wait3A_283 = arith.constant 0 : i32
      %dma_wait3A_284 = tpu.memref_slice %arg9[%dma_wait3A_280, %dma_wait3A_282, %dma_wait3A_283] : memref<2x128x128xf32, #tpu.memory_space<vmem>> -> memref<1x128x128xf32, #tpu.memory_space<vmem>>
      %dma_wait3A_285 = tpu.memref_squeeze %dma_wait3A_284 : memref<1x128x128xf32, #tpu.memory_space<vmem>> -> memref<128x128xf32, #tpu.memory_space<vmem>>
      %dma_wait3A_286 = arith.constant 0 : i32
      %dma_wait3A_287 = tpu.memref_slice %arg7[%add3A_279, %dma_wait3A_286] : memref<40x128xi32, #tpu.memory_space<vmem>> -> memref<1x128xi32, #tpu.memory_space<vmem>>
      %dma_wait3A_288 = tpu.memref_squeeze %dma_wait3A_287 : memref<1x128xi32, #tpu.memory_space<vmem>> -> memref<128xi32, #tpu.memory_space<vmem>>
      %dma_wait3A_289 = arith.constant 0 : i32
      %dma_wait3A_290 = arith.constant 0 : i32
      %dma_wait3A_291 = tpu.memref_slice %arg2[%dma_wait3A_289, %dma_wait3A_290] : memref<10000x128xf32, #tpu.memory_space<hbm>> -> memref<10000x128xf32, #tpu.memory_space<hbm>>
      %dma_wait3A_292 = tpu.memref_slice %arg11[%dma_wait3A_281] : memref<2x!tpu.dma_semaphore, #tpu.memory_space<semaphore_mem>> -> memref<1x!tpu.dma_semaphore, #tpu.memory_space<semaphore_mem>>
      %dma_wait3A_293 = tpu.memref_squeeze %dma_wait3A_292 : memref<1x!tpu.dma_semaphore, #tpu.memory_space<semaphore_mem>> -> memref<!tpu.dma_semaphore, #tpu.memory_space<semaphore_mem>>
      tpu.wait_indirect_dma semaphore(%dma_wait3A_293 : memref<!tpu.dma_semaphore, #tpu.memory_space<semaphore_mem>>) src(%dma_wait3A_291 : memref<10000x128xf32, #tpu.memory_space<hbm>>) dst(%dma_wait3A_285 : memref<128x128xf32, #tpu.memory_space<vmem>>)
      %dma_start3A_294 = arith.constant 0 : i32
      %dma_start3A_295 = arith.constant 0 : i32
      %dma_start3A_296 = arith.constant 0 : i32
      %dma_start3A_297 = arith.constant 0 : i32
      %dma_start3A_298 = tpu.memref_slice %arg9[%dma_start3A_294, %dma_start3A_296, %dma_start3A_297] : memref<2x128x128xf32, #tpu.memory_space<vmem>> -> memref<1x128x128xf32, #tpu.memory_space<vmem>>
      %dma_start3A_299 = tpu.memref_squeeze %dma_start3A_298 : memref<1x128x128xf32, #tpu.memory_space<vmem>> -> memref<128x128xf32, #tpu.memory_space<vmem>>
      %dma_start3A_300 = arith.constant 0 : i32
      %dma_start3A_301 = tpu.memref_slice %arg8[%add3A_279, %dma_start3A_300] : memref<40x128xi32, #tpu.memory_space<vmem>> -> memref<1x128xi32, #tpu.memory_space<vmem>>
      %dma_start3A_302 = tpu.memref_squeeze %dma_start3A_301 : memref<1x128xi32, #tpu.memory_space<vmem>> -> memref<128xi32, #tpu.memory_space<vmem>>
      %dma_start3A_303 = arith.constant 0 : i32
      %dma_start3A_304 = arith.constant 0 : i32
      %dma_start3A_305 = tpu.memref_slice %arg10[%dma_start3A_303, %dma_start3A_304] : memref<10112x128xf32, #tpu.memory_space<vmem_shared>> -> memref<10112x128xf32, #tpu.memory_space<vmem_shared>>
      %dma_start3A_306 = tpu.memref_slice %arg12[%dma_start3A_295] : memref<2x!tpu.dma_semaphore, #tpu.memory_space<semaphore_mem>> -> memref<1x!tpu.dma_semaphore, #tpu.memory_space<semaphore_mem>>
      %dma_start3A_307 = tpu.memref_squeeze %dma_start3A_306 : memref<1x!tpu.dma_semaphore, #tpu.memory_space<semaphore_mem>> -> memref<!tpu.dma_semaphore, #tpu.memory_space<semaphore_mem>>
      tpu.enqueue_indirect_dma source(%dma_start3A_299 : memref<128x128xf32, #tpu.memory_space<vmem>>) target(%dma_start3A_305 : memref<10112x128xf32, #tpu.memory_space<vmem_shared>>) offsets(%dma_start3A_302 : memref<128xi32, #tpu.memory_space<vmem>>) semaphore(%dma_start3A_307 : memref<!tpu.dma_semaphore, #tpu.memory_space<semaphore_mem>>) {add = true}
      %dma_wait3A_308 = arith.constant 0 : i32
      %dma_wait3A_309 = arith.constant 0 : i32
      %dma_wait3A_310 = arith.constant 0 : i32
      %dma_wait3A_311 = arith.constant 0 : i32
      %dma_wait3A_312 = tpu.memref_slice %arg9[%dma_wait3A_308, %dma_wait3A_310, %dma_wait3A_311] : memref<2x128x128xf32, #tpu.memory_space<vmem>> -> memref<1x128x128xf32, #tpu.memory_space<vmem>>
      %dma_wait3A_313 = tpu.memref_squeeze %dma_wait3A_312 : memref<1x128x128xf32, #tpu.memory_space<vmem>> -> memref<128x128xf32, #tpu.memory_space<vmem>>
      %dma_wait3A_314 = arith.constant 0 : i32
      %dma_wait3A_315 = tpu.memref_slice %arg8[%add3A_279, %dma_wait3A_314] : memref<40x128xi32, #tpu.memory_space<vmem>> -> memref<1x128xi32, #tpu.memory_space<vmem>>
      %dma_wait3A_316 = tpu.memref_squeeze %dma_wait3A_315 : memref<1x128xi32, #tpu.memory_space<vmem>> -> memref<128xi32, #tpu.memory_space<vmem>>
      %dma_wait3A_317 = arith.constant 0 : i32
      %dma_wait3A_318 = arith.constant 0 : i32
      %dma_wait3A_319 = tpu.memref_slice %arg10[%dma_wait3A_317, %dma_wait3A_318] : memref<10112x128xf32, #tpu.memory_space<vmem_shared>> -> memref<10112x128xf32, #tpu.memory_space<vmem_shared>>
      %dma_wait3A_320 = tpu.memref_slice %arg12[%dma_wait3A_309] : memref<2x!tpu.dma_semaphore, #tpu.memory_space<semaphore_mem>> -> memref<1x!tpu.dma_semaphore, #tpu.memory_space<semaphore_mem>>
      %dma_wait3A_321 = tpu.memref_squeeze %dma_wait3A_320 : memref<1x!tpu.dma_semaphore, #tpu.memory_space<semaphore_mem>> -> memref<!tpu.dma_semaphore, #tpu.memory_space<semaphore_mem>>
      tpu.wait_indirect_dma semaphore(%dma_wait3A_321 : memref<!tpu.dma_semaphore, #tpu.memory_space<semaphore_mem>>) src(%dma_wait3A_313 : memref<128x128xf32, #tpu.memory_space<vmem>>) dst(%dma_wait3A_319 : memref<10112x128xf32, #tpu.memory_space<vmem_shared>>)
      %add3A_322 = arith.constant 2 : i32
      %add3A_323 = arith.addi %add3A_279, %add3A_322 : i32
      %dma_start3A_324 = arith.constant 0 : i32
      %dma_start3A_325 = arith.constant 0 : i32
      %dma_start3A_326 = arith.constant 0 : i32
      %dma_start3A_327 = arith.constant 0 : i32
      %dma_start3A_328 = tpu.memref_slice %arg9[%dma_start3A_324, %dma_start3A_326, %dma_start3A_327] : memref<2x128x128xf32, #tpu.memory_space<vmem>> -> memref<1x128x128xf32, #tpu.memory_space<vmem>>
      %dma_start3A_329 = tpu.memref_squeeze %dma_start3A_328 : memref<1x128x128xf32, #tpu.memory_space<vmem>> -> memref<128x128xf32, #tpu.memory_space<vmem>>
      %dma_start3A_330 = arith.constant 0 : i32
      %dma_start3A_331 = tpu.memref_slice %arg7[%add3A_323, %dma_start3A_330] : memref<40x128xi32, #tpu.memory_space<vmem>> -> memref<1x128xi32, #tpu.memory_space<vmem>>
      %dma_start3A_332 = tpu.memref_squeeze %dma_start3A_331 : memref<1x128xi32, #tpu.memory_space<vmem>> -> memref<128xi32, #tpu.memory_space<vmem>>
      %dma_start3A_333 = arith.constant 0 : i32
      %dma_start3A_334 = arith.constant 0 : i32
      %dma_start3A_335 = tpu.memref_slice %arg2[%dma_start3A_333, %dma_start3A_334] : memref<10000x128xf32, #tpu.memory_space<hbm>> -> memref<10000x128xf32, #tpu.memory_space<hbm>>
      %dma_start3A_336 = tpu.memref_slice %arg11[%dma_start3A_325] : memref<2x!tpu.dma_semaphore, #tpu.memory_space<semaphore_mem>> -> memref<1x!tpu.dma_semaphore, #tpu.memory_space<semaphore_mem>>
      %dma_start3A_337 = tpu.memref_squeeze %dma_start3A_336 : memref<1x!tpu.dma_semaphore, #tpu.memory_space<semaphore_mem>> -> memref<!tpu.dma_semaphore, #tpu.memory_space<semaphore_mem>>
      tpu.enqueue_indirect_dma source(%dma_start3A_335 : memref<10000x128xf32, #tpu.memory_space<hbm>>) target(%dma_start3A_329 : memref<128x128xf32, #tpu.memory_space<vmem>>) offsets(%dma_start3A_332 : memref<128xi32, #tpu.memory_space<vmem>>) semaphore(%dma_start3A_337 : memref<!tpu.dma_semaphore, #tpu.memory_space<semaphore_mem>>)
      %mul3A_338 = arith.constant 2 : i32
      %mul3A_339 = arith.muli %mul3A_338, %scan3A_275 : i32
      %add3A_340 = arith.constant 1 : i32
      %add3A_341 = arith.addi %mul3A_339, %add3A_340 : i32
      %dma_wait3A_342 = arith.constant 1 : i32
      %dma_wait3A_343 = arith.constant 1 : i32
      %dma_wait3A_344 = arith.constant 0 : i32
      %dma_wait3A_345 = arith.constant 0 : i32
      %dma_wait3A_346 = tpu.memref_slice %arg9[%dma_wait3A_342, %dma_wait3A_344, %dma_wait3A_345] : memref<2x128x128xf32, #tpu.memory_space<vmem>> -> memref<1x128x128xf32, #tpu.memory_space<vmem>>
      %dma_wait3A_347 = tpu.memref_squeeze %dma_wait3A_346 : memref<1x128x128xf32, #tpu.memory_space<vmem>> -> memref<128x128xf32, #tpu.memory_space<vmem>>
      %dma_wait3A_348 = arith.constant 0 : i32
      %dma_wait3A_349 = tpu.memref_slice %arg7[%add3A_341, %dma_wait3A_348] : memref<40x128xi32, #tpu.memory_space<vmem>> -> memref<1x128xi32, #tpu.memory_space<vmem>>
      %dma_wait3A_350 = tpu.memref_squeeze %dma_wait3A_349 : memref<1x128xi32, #tpu.memory_space<vmem>> -> memref<128xi32, #tpu.memory_space<vmem>>
      %dma_wait3A_351 = arith.constant 0 : i32
      %dma_wait3A_352 = arith.constant 0 : i32
      %dma_wait3A_353 = tpu.memref_slice %arg2[%dma_wait3A_351, %dma_wait3A_352] : memref<10000x128xf32, #tpu.memory_space<hbm>> -> memref<10000x128xf32, #tpu.memory_space<hbm>>
      %dma_wait3A_354 = tpu.memref_slice %arg11[%dma_wait3A_343] : memref<2x!tpu.dma_semaphore, #tpu.memory_space<semaphore_mem>> -> memref<1x!tpu.dma_semaphore, #tpu.memory_space<semaphore_mem>>
      %dma_wait3A_355 = tpu.memref_squeeze %dma_wait3A_354 : memref<1x!tpu.dma_semaphore, #tpu.memory_space<semaphore_mem>> -> memref<!tpu.dma_semaphore, #tpu.memory_space<semaphore_mem>>
      tpu.wait_indirect_dma semaphore(%dma_wait3A_355 : memref<!tpu.dma_semaphore, #tpu.memory_space<semaphore_mem>>) src(%dma_wait3A_353 : memref<10000x128xf32, #tpu.memory_space<hbm>>) dst(%dma_wait3A_347 : memref<128x128xf32, #tpu.memory_space<vmem>>)
      %dma_start3A_356 = arith.constant 1 : i32
      %dma_start3A_357 = arith.constant 1 : i32
      %dma_start3A_358 = arith.constant 0 : i32
      %dma_start3A_359 = arith.constant 0 : i32
      %dma_start3A_360 = tpu.memref_slice %arg9[%dma_start3A_356, %dma_start3A_358, %dma_start3A_359] : memref<2x128x128xf32, #tpu.memory_space<vmem>> -> memref<1x128x128xf32, #tpu.memory_space<vmem>>
      %dma_start3A_361 = tpu.memref_squeeze %dma_start3A_360 : memref<1x128x128xf32, #tpu.memory_space<vmem>> -> memref<128x128xf32, #tpu.memory_space<vmem>>
      %dma_start3A_362 = arith.constant 0 : i32
      %dma_start3A_363 = tpu.memref_slice %arg8[%add3A_341, %dma_start3A_362] : memref<40x128xi32, #tpu.memory_space<vmem>> -> memref<1x128xi32, #tpu.memory_space<vmem>>
      %dma_start3A_364 = tpu.memref_squeeze %dma_start3A_363 : memref<1x128xi32, #tpu.memory_space<vmem>> -> memref<128xi32, #tpu.memory_space<vmem>>
      %dma_start3A_365 = arith.constant 0 : i32
      %dma_start3A_366 = arith.constant 0 : i32
      %dma_start3A_367 = tpu.memref_slice %arg10[%dma_start3A_365, %dma_start3A_366] : memref<10112x128xf32, #tpu.memory_space<vmem_shared>> -> memref<10112x128xf32, #tpu.memory_space<vmem_shared>>
      %dma_start3A_368 = tpu.memref_slice %arg12[%dma_start3A_357] : memref<2x!tpu.dma_semaphore, #tpu.memory_space<semaphore_mem>> -> memref<1x!tpu.dma_semaphore, #tpu.memory_space<semaphore_mem>>
      %dma_start3A_369 = tpu.memref_squeeze %dma_start3A_368 : memref<1x!tpu.dma_semaphore, #tpu.memory_space<semaphore_mem>> -> memref<!tpu.dma_semaphore, #tpu.memory_space<semaphore_mem>>
      tpu.enqueue_indirect_dma source(%dma_start3A_361 : memref<128x128xf32, #tpu.memory_space<vmem>>) target(%dma_start3A_367 : memref<10112x128xf32, #tpu.memory_space<vmem_shared>>) offsets(%dma_start3A_364 : memref<128xi32, #tpu.memory_space<vmem>>) semaphore(%dma_start3A_369 : memref<!tpu.dma_semaphore, #tpu.memory_space<semaphore_mem>>) {add = true}
      %dma_wait3A_370 = arith.constant 1 : i32
      %dma_wait3A_371 = arith.constant 1 : i32
      %dma_wait3A_372 = arith.constant 0 : i32
      %dma_wait3A_373 = arith.constant 0 : i32
      %dma_wait3A_374 = tpu.memref_slice %arg9[%dma_wait3A_370, %dma_wait3A_372, %dma_wait3A_373] : memref<2x128x128xf32, #tpu.memory_space<vmem>> -> memref<1x128x128xf32, #tpu.memory_space<vmem>>
      %dma_wait3A_375 = tpu.memref_squeeze %dma_wait3A_374 : memref<1x128x128xf32, #tpu.memory_space<vmem>> -> memref<128x128xf32, #tpu.memory_space<vmem>>
      %dma_wait3A_376 = arith.constant 0 : i32
      %dma_wait3A_377 = tpu.memref_slice %arg8[%add3A_341, %dma_wait3A_376] : memref<40x128xi32, #tpu.memory_space<vmem>> -> memref<1x128xi32, #tpu.memory_space<vmem>>
      %dma_wait3A_378 = tpu.memref_squeeze %dma_wait3A_377 : memref<1x128xi32, #tpu.memory_space<vmem>> -> memref<128xi32, #tpu.memory_space<vmem>>
      %dma_wait3A_379 = arith.constant 0 : i32
      %dma_wait3A_380 = arith.constant 0 : i32
      %dma_wait3A_381 = tpu.memref_slice %arg10[%dma_wait3A_379, %dma_wait3A_380] : memref<10112x128xf32, #tpu.memory_space<vmem_shared>> -> memref<10112x128xf32, #tpu.memory_space<vmem_shared>>
      %dma_wait3A_382 = tpu.memref_slice %arg12[%dma_wait3A_371] : memref<2x!tpu.dma_semaphore, #tpu.memory_space<semaphore_mem>> -> memref<1x!tpu.dma_semaphore, #tpu.memory_space<semaphore_mem>>
      %dma_wait3A_383 = tpu.memref_squeeze %dma_wait3A_382 : memref<1x!tpu.dma_semaphore, #tpu.memory_space<semaphore_mem>> -> memref<!tpu.dma_semaphore, #tpu.memory_space<semaphore_mem>>
      tpu.wait_indirect_dma semaphore(%dma_wait3A_383 : memref<!tpu.dma_semaphore, #tpu.memory_space<semaphore_mem>>) src(%dma_wait3A_375 : memref<128x128xf32, #tpu.memory_space<vmem>>) dst(%dma_wait3A_381 : memref<10112x128xf32, #tpu.memory_space<vmem_shared>>)
      %add3A_384 = arith.constant 2 : i32
      %add3A_385 = arith.addi %add3A_341, %add3A_384 : i32
      %dma_start3A_386 = arith.constant 1 : i32
      %dma_start3A_387 = arith.constant 1 : i32
      %dma_start3A_388 = arith.constant 0 : i32
      %dma_start3A_389 = arith.constant 0 : i32
      %dma_start3A_390 = tpu.memref_slice %arg9[%dma_start3A_386, %dma_start3A_388, %dma_start3A_389] : memref<2x128x128xf32, #tpu.memory_space<vmem>> -> memref<1x128x128xf32, #tpu.memory_space<vmem>>
      %dma_start3A_391 = tpu.memref_squeeze %dma_start3A_390 : memref<1x128x128xf32, #tpu.memory_space<vmem>> -> memref<128x128xf32, #tpu.memory_space<vmem>>
      %dma_start3A_392 = arith.constant 0 : i32
      %dma_start3A_393 = tpu.memref_slice %arg7[%add3A_385, %dma_start3A_392] : memref<40x128xi32, #tpu.memory_space<vmem>> -> memref<1x128xi32, #tpu.memory_space<vmem>>
      %dma_start3A_394 = tpu.memref_squeeze %dma_start3A_393 : memref<1x128xi32, #tpu.memory_space<vmem>> -> memref<128xi32, #tpu.memory_space<vmem>>
      %dma_start3A_395 = arith.constant 0 : i32
      %dma_start3A_396 = arith.constant 0 : i32
      %dma_start3A_397 = tpu.memref_slice %arg2[%dma_start3A_395, %dma_start3A_396] : memref<10000x128xf32, #tpu.memory_space<hbm>> -> memref<10000x128xf32, #tpu.memory_space<hbm>>
      %dma_start3A_398 = tpu.memref_slice %arg11[%dma_start3A_387] : memref<2x!tpu.dma_semaphore, #tpu.memory_space<semaphore_mem>> -> memref<1x!tpu.dma_semaphore, #tpu.memory_space<semaphore_mem>>
      %dma_start3A_399 = tpu.memref_squeeze %dma_start3A_398 : memref<1x!tpu.dma_semaphore, #tpu.memory_space<semaphore_mem>> -> memref<!tpu.dma_semaphore, #tpu.memory_space<semaphore_mem>>
      tpu.enqueue_indirect_dma source(%dma_start3A_397 : memref<10000x128xf32, #tpu.memory_space<hbm>>) target(%dma_start3A_391 : memref<128x128xf32, #tpu.memory_space<vmem>>) offsets(%dma_start3A_394 : memref<128xi32, #tpu.memory_space<vmem>>) semaphore(%dma_start3A_399 : memref<!tpu.dma_semaphore, #tpu.memory_space<semaphore_mem>>)
    }
    %scan3A_179 = arith.constant 19 : i32
    %dma_wait3A_180 = arith.constant 38 : i32
    %dma_wait3A_181 = arith.constant 0 : i32
    %dma_wait3A_182 = arith.constant 0 : i32
    %dma_wait3A_183 = arith.constant 0 : i32
    %dma_wait3A_184 = arith.constant 0 : i32
    %dma_wait3A_185 = tpu.memref_slice %arg9[%dma_wait3A_181, %dma_wait3A_183, %dma_wait3A_184] : memref<2x128x128xf32, #tpu.memory_space<vmem>> -> memref<1x128x128xf32, #tpu.memory_space<vmem>>
    %dma_wait3A_186 = tpu.memref_squeeze %dma_wait3A_185 : memref<1x128x128xf32, #tpu.memory_space<vmem>> -> memref<128x128xf32, #tpu.memory_space<vmem>>
    %dma_wait3A_187 = arith.constant 0 : i32
    %dma_wait3A_188 = tpu.memref_slice %arg7[%dma_wait3A_180, %dma_wait3A_187] : memref<40x128xi32, #tpu.memory_space<vmem>> -> memref<1x128xi32, #tpu.memory_space<vmem>>
    %dma_wait3A_189 = tpu.memref_squeeze %dma_wait3A_188 : memref<1x128xi32, #tpu.memory_space<vmem>> -> memref<128xi32, #tpu.memory_space<vmem>>
    %dma_wait3A_190 = arith.constant 0 : i32
    %dma_wait3A_191 = arith.constant 0 : i32
    %dma_wait3A_192 = tpu.memref_slice %arg2[%dma_wait3A_190, %dma_wait3A_191] : memref<10000x128xf32, #tpu.memory_space<hbm>> -> memref<10000x128xf32, #tpu.memory_space<hbm>>
    %dma_wait3A_193 = tpu.memref_slice %arg11[%dma_wait3A_182] : memref<2x!tpu.dma_semaphore, #tpu.memory_space<semaphore_mem>> -> memref<1x!tpu.dma_semaphore, #tpu.memory_space<semaphore_mem>>
    %dma_wait3A_194 = tpu.memref_squeeze %dma_wait3A_193 : memref<1x!tpu.dma_semaphore, #tpu.memory_space<semaphore_mem>> -> memref<!tpu.dma_semaphore, #tpu.memory_space<semaphore_mem>>
    tpu.wait_indirect_dma semaphore(%dma_wait3A_194 : memref<!tpu.dma_semaphore, #tpu.memory_space<semaphore_mem>>) src(%dma_wait3A_192 : memref<10000x128xf32, #tpu.memory_space<hbm>>) dst(%dma_wait3A_186 : memref<128x128xf32, #tpu.memory_space<vmem>>)
    %dma_start3A_195 = arith.constant 0 : i32
    %dma_start3A_196 = arith.constant 38 : i32
    %dma_start3A_197 = arith.constant 0 : i32
    %dma_start3A_198 = arith.constant 0 : i32
    %dma_start3A_199 = arith.constant 0 : i32
    %dma_start3A_200 = tpu.memref_slice %arg9[%dma_start3A_195, %dma_start3A_198, %dma_start3A_199] : memref<2x128x128xf32, #tpu.memory_space<vmem>> -> memref<1x128x128xf32, #tpu.memory_space<vmem>>
    %dma_start3A_201 = tpu.memref_squeeze %dma_start3A_200 : memref<1x128x128xf32, #tpu.memory_space<vmem>> -> memref<128x128xf32, #tpu.memory_space<vmem>>
    %dma_start3A_202 = arith.constant 0 : i32
    %dma_start3A_203 = tpu.memref_slice %arg8[%dma_start3A_196, %dma_start3A_202] : memref<40x128xi32, #tpu.memory_space<vmem>> -> memref<1x128xi32, #tpu.memory_space<vmem>>
    %dma_start3A_204 = tpu.memref_squeeze %dma_start3A_203 : memref<1x128xi32, #tpu.memory_space<vmem>> -> memref<128xi32, #tpu.memory_space<vmem>>
    %dma_start3A_205 = arith.constant 0 : i32
    %dma_start3A_206 = arith.constant 0 : i32
    %dma_start3A_207 = tpu.memref_slice %arg10[%dma_start3A_205, %dma_start3A_206] : memref<10112x128xf32, #tpu.memory_space<vmem_shared>> -> memref<10112x128xf32, #tpu.memory_space<vmem_shared>>
    %dma_start3A_208 = tpu.memref_slice %arg12[%dma_start3A_197] : memref<2x!tpu.dma_semaphore, #tpu.memory_space<semaphore_mem>> -> memref<1x!tpu.dma_semaphore, #tpu.memory_space<semaphore_mem>>
    %dma_start3A_209 = tpu.memref_squeeze %dma_start3A_208 : memref<1x!tpu.dma_semaphore, #tpu.memory_space<semaphore_mem>> -> memref<!tpu.dma_semaphore, #tpu.memory_space<semaphore_mem>>
    tpu.enqueue_indirect_dma source(%dma_start3A_201 : memref<128x128xf32, #tpu.memory_space<vmem>>) target(%dma_start3A_207 : memref<10112x128xf32, #tpu.memory_space<vmem_shared>>) offsets(%dma_start3A_204 : memref<128xi32, #tpu.memory_space<vmem>>) semaphore(%dma_start3A_209 : memref<!tpu.dma_semaphore, #tpu.memory_space<semaphore_mem>>) {add = true}
    %dma_wait3A_210 = arith.constant 39 : i32
    %dma_wait3A_211 = arith.constant 1 : i32
    %dma_wait3A_212 = arith.constant 1 : i32
    %dma_wait3A_213 = arith.constant 0 : i32
    %dma_wait3A_214 = arith.constant 0 : i32
    %dma_wait3A_215 = tpu.memref_slice %arg9[%dma_wait3A_211, %dma_wait3A_213, %dma_wait3A_214] : memref<2x128x128xf32, #tpu.memory_space<vmem>> -> memref<1x128x128xf32, #tpu.memory_space<vmem>>
    %dma_wait3A_216 = tpu.memref_squeeze %dma_wait3A_215 : memref<1x128x128xf32, #tpu.memory_space<vmem>> -> memref<128x128xf32, #tpu.memory_space<vmem>>
    %dma_wait3A_217 = arith.constant 0 : i32
    %dma_wait3A_218 = tpu.memref_slice %arg7[%dma_wait3A_210, %dma_wait3A_217] : memref<40x128xi32, #tpu.memory_space<vmem>> -> memref<1x128xi32, #tpu.memory_space<vmem>>
    %dma_wait3A_219 = tpu.memref_squeeze %dma_wait3A_218 : memref<1x128xi32, #tpu.memory_space<vmem>> -> memref<128xi32, #tpu.memory_space<vmem>>
    %dma_wait3A_220 = arith.constant 0 : i32
    %dma_wait3A_221 = arith.constant 0 : i32
    %dma_wait3A_222 = tpu.memref_slice %arg2[%dma_wait3A_220, %dma_wait3A_221] : memref<10000x128xf32, #tpu.memory_space<hbm>> -> memref<10000x128xf32, #tpu.memory_space<hbm>>
    %dma_wait3A_223 = tpu.memref_slice %arg11[%dma_wait3A_212] : memref<2x!tpu.dma_semaphore, #tpu.memory_space<semaphore_mem>> -> memref<1x!tpu.dma_semaphore, #tpu.memory_space<semaphore_mem>>
    %dma_wait3A_224 = tpu.memref_squeeze %dma_wait3A_223 : memref<1x!tpu.dma_semaphore, #tpu.memory_space<semaphore_mem>> -> memref<!tpu.dma_semaphore, #tpu.memory_space<semaphore_mem>>
    tpu.wait_indirect_dma semaphore(%dma_wait3A_224 : memref<!tpu.dma_semaphore, #tpu.memory_space<semaphore_mem>>) src(%dma_wait3A_222 : memref<10000x128xf32, #tpu.memory_space<hbm>>) dst(%dma_wait3A_216 : memref<128x128xf32, #tpu.memory_space<vmem>>)
    %dma_start3A_225 = arith.constant 1 : i32
    %dma_start3A_226 = arith.constant 39 : i32
    %dma_start3A_227 = arith.constant 1 : i32
    %dma_start3A_228 = arith.constant 0 : i32
    %dma_start3A_229 = arith.constant 0 : i32
    %dma_start3A_230 = tpu.memref_slice %arg9[%dma_start3A_225, %dma_start3A_228, %dma_start3A_229] : memref<2x128x128xf32, #tpu.memory_space<vmem>> -> memref<1x128x128xf32, #tpu.memory_space<vmem>>
    %dma_start3A_231 = tpu.memref_squeeze %dma_start3A_230 : memref<1x128x128xf32, #tpu.memory_space<vmem>> -> memref<128x128xf32, #tpu.memory_space<vmem>>
    %dma_start3A_232 = arith.constant 0 : i32
    %dma_start3A_233 = tpu.memref_slice %arg8[%dma_start3A_226, %dma_start3A_232] : memref<40x128xi32, #tpu.memory_space<vmem>> -> memref<1x128xi32, #tpu.memory_space<vmem>>
    %dma_start3A_234 = tpu.memref_squeeze %dma_start3A_233 : memref<1x128xi32, #tpu.memory_space<vmem>> -> memref<128xi32, #tpu.memory_space<vmem>>
    %dma_start3A_235 = arith.constant 0 : i32
    %dma_start3A_236 = arith.constant 0 : i32
    %dma_start3A_237 = tpu.memref_slice %arg10[%dma_start3A_235, %dma_start3A_236] : memref<10112x128xf32, #tpu.memory_space<vmem_shared>> -> memref<10112x128xf32, #tpu.memory_space<vmem_shared>>
    %dma_start3A_238 = tpu.memref_slice %arg12[%dma_start3A_227] : memref<2x!tpu.dma_semaphore, #tpu.memory_space<semaphore_mem>> -> memref<1x!tpu.dma_semaphore, #tpu.memory_space<semaphore_mem>>
    %dma_start3A_239 = tpu.memref_squeeze %dma_start3A_238 : memref<1x!tpu.dma_semaphore, #tpu.memory_space<semaphore_mem>> -> memref<!tpu.dma_semaphore, #tpu.memory_space<semaphore_mem>>
    tpu.enqueue_indirect_dma source(%dma_start3A_231 : memref<128x128xf32, #tpu.memory_space<vmem>>) target(%dma_start3A_237 : memref<10112x128xf32, #tpu.memory_space<vmem_shared>>) offsets(%dma_start3A_234 : memref<128xi32, #tpu.memory_space<vmem>>) semaphore(%dma_start3A_239 : memref<!tpu.dma_semaphore, #tpu.memory_space<semaphore_mem>>) {add = true}
    %dma_wait3A_240 = arith.constant 0 : i32
    %dma_wait3A_241 = arith.constant 38 : i32
    %dma_wait3A_242 = arith.constant 0 : i32
    %dma_wait3A_243 = arith.constant 0 : i32
    %dma_wait3A_244 = arith.constant 0 : i32
    %dma_wait3A_245 = tpu.memref_slice %arg9[%dma_wait3A_240, %dma_wait3A_243, %dma_wait3A_244] : memref<2x128x128xf32, #tpu.memory_space<vmem>> -> memref<1x128x128xf32, #tpu.memory_space<vmem>>
    %dma_wait3A_246 = tpu.memref_squeeze %dma_wait3A_245 : memref<1x128x128xf32, #tpu.memory_space<vmem>> -> memref<128x128xf32, #tpu.memory_space<vmem>>
    %dma_wait3A_247 = arith.constant 0 : i32
    %dma_wait3A_248 = tpu.memref_slice %arg8[%dma_wait3A_241, %dma_wait3A_247] : memref<40x128xi32, #tpu.memory_space<vmem>> -> memref<1x128xi32, #tpu.memory_space<vmem>>
    %dma_wait3A_249 = tpu.memref_squeeze %dma_wait3A_248 : memref<1x128xi32, #tpu.memory_space<vmem>> -> memref<128xi32, #tpu.memory_space<vmem>>
    %dma_wait3A_250 = arith.constant 0 : i32
    %dma_wait3A_251 = arith.constant 0 : i32
    %dma_wait3A_252 = tpu.memref_slice %arg10[%dma_wait3A_250, %dma_wait3A_251] : memref<10112x128xf32, #tpu.memory_space<vmem_shared>> -> memref<10112x128xf32, #tpu.memory_space<vmem_shared>>
    %dma_wait3A_253 = tpu.memref_slice %arg12[%dma_wait3A_242] : memref<2x!tpu.dma_semaphore, #tpu.memory_space<semaphore_mem>> -> memref<1x!tpu.dma_semaphore, #tpu.memory_space<semaphore_mem>>
    %dma_wait3A_254 = tpu.memref_squeeze %dma_wait3A_253 : memref<1x!tpu.dma_semaphore, #tpu.memory_space<semaphore_mem>> -> memref<!tpu.dma_semaphore, #tpu.memory_space<semaphore_mem>>
    tpu.wait_indirect_dma semaphore(%dma_wait3A_254 : memref<!tpu.dma_semaphore, #tpu.memory_space<semaphore_mem>>) src(%dma_wait3A_246 : memref<128x128xf32, #tpu.memory_space<vmem>>) dst(%dma_wait3A_252 : memref<10112x128xf32, #tpu.memory_space<vmem_shared>>)
    %dma_wait3A_255 = arith.constant 1 : i32
    %dma_wait3A_256 = arith.constant 39 : i32
    %dma_wait3A_257 = arith.constant 1 : i32
    %dma_wait3A_258 = arith.constant 0 : i32
    %dma_wait3A_259 = arith.constant 0 : i32
    %dma_wait3A_260 = tpu.memref_slice %arg9[%dma_wait3A_255, %dma_wait3A_258, %dma_wait3A_259] : memref<2x128x128xf32, #tpu.memory_space<vmem>> -> memref<1x128x128xf32, #tpu.memory_space<vmem>>
    %dma_wait3A_261 = tpu.memref_squeeze %dma_wait3A_260 : memref<1x128x128xf32, #tpu.memory_space<vmem>> -> memref<128x128xf32, #tpu.memory_space<vmem>>
    %dma_wait3A_262 = arith.constant 0 : i32
    %dma_wait3A_263 = tpu.memref_slice %arg8[%dma_wait3A_256, %dma_wait3A_262] : memref<40x128xi32, #tpu.memory_space<vmem>> -> memref<1x128xi32, #tpu.memory_space<vmem>>
    %dma_wait3A_264 = tpu.memref_squeeze %dma_wait3A_263 : memref<1x128xi32, #tpu.memory_space<vmem>> -> memref<128xi32, #tpu.memory_space<vmem>>
    %dma_wait3A_265 = arith.constant 0 : i32
    %dma_wait3A_266 = arith.constant 0 : i32
    %dma_wait3A_267 = tpu.memref_slice %arg10[%dma_wait3A_265, %dma_wait3A_266] : memref<10112x128xf32, #tpu.memory_space<vmem_shared>> -> memref<10112x128xf32, #tpu.memory_space<vmem_shared>>
    %dma_wait3A_268 = tpu.memref_slice %arg12[%dma_wait3A_257] : memref<2x!tpu.dma_semaphore, #tpu.memory_space<semaphore_mem>> -> memref<1x!tpu.dma_semaphore, #tpu.memory_space<semaphore_mem>>
    %dma_wait3A_269 = tpu.memref_squeeze %dma_wait3A_268 : memref<1x!tpu.dma_semaphore, #tpu.memory_space<semaphore_mem>> -> memref<!tpu.dma_semaphore, #tpu.memory_space<semaphore_mem>>
    tpu.wait_indirect_dma semaphore(%dma_wait3A_269 : memref<!tpu.dma_semaphore, #tpu.memory_space<semaphore_mem>>) src(%dma_wait3A_261 : memref<128x128xf32, #tpu.memory_space<vmem>>) dst(%dma_wait3A_267 : memref<10112x128xf32, #tpu.memory_space<vmem_shared>>)
    %barrier3A_270 = arith.constant 0 : index
    tpu.barrier barrier_id(%barrier3A_270)
    %mul3A_271 = arith.constant 632 : i32
    %mul3A_272 = arith.muli %arg1, %mul3A_271 : i32
    %mul3A_273 = arith.constant 632 : i32
    %mul3A_274 = arith.muli %arg1, %mul3A_273 : i32
    "tpu.region"() ({
      %run_scoped3A = tpu.sem_alloc : memref<!tpu.dma_semaphore, #tpu.memory_space<semaphore_mem>>
      %dma_start3A_275 = arith.constant 0 : i32
      %dma_start3A_276 = tpu.memref_slice %arg6[%arg0, %mul3A_274, %dma_start3A_275] : memref<2x10112x128xf32, #tpu.memory_space<hbm>> -> memref<1x632x128xf32, #tpu.memory_space<hbm>>
      %dma_start3A_277 = tpu.memref_squeeze %dma_start3A_276 : memref<1x632x128xf32, #tpu.memory_space<hbm>> -> memref<632x128xf32, #tpu.memory_space<hbm>>
      %dma_start3A_278 = arith.constant 0 : i32
      %dma_start3A_279 = tpu.memref_slice %arg10[%mul3A_272, %dma_start3A_278] : memref<10112x128xf32, #tpu.memory_space<vmem_shared>> -> memref<632x128xf32, #tpu.memory_space<vmem_shared>>
      tpu.enqueue_dma source(%dma_start3A_279 : memref<632x128xf32, #tpu.memory_space<vmem_shared>>) target(%dma_start3A_277 : memref<632x128xf32, #tpu.memory_space<hbm>>) target_semaphore(%run_scoped3A : memref<!tpu.dma_semaphore, #tpu.memory_space<semaphore_mem>>)
      %dma_wait3A_280 = arith.constant 0 : i32
      %dma_wait3A_281 = tpu.memref_slice %arg6[%arg0, %mul3A_274, %dma_wait3A_280] : memref<2x10112x128xf32, #tpu.memory_space<hbm>> -> memref<1x632x128xf32, #tpu.memory_space<hbm>>
      %dma_wait3A_282 = tpu.memref_squeeze %dma_wait3A_281 : memref<1x632x128xf32, #tpu.memory_space<hbm>> -> memref<632x128xf32, #tpu.memory_space<hbm>>
      %dma_wait3A_283 = arith.constant 0 : i32
      %dma_wait3A_284 = tpu.memref_slice %arg10[%mul3A_272, %dma_wait3A_283] : memref<10112x128xf32, #tpu.memory_space<vmem_shared>> -> memref<632x128xf32, #tpu.memory_space<vmem_shared>>
      tpu.wait_dma2 semaphore(%run_scoped3A : memref<!tpu.dma_semaphore, #tpu.memory_space<semaphore_mem>>) src(%dma_wait3A_284 : memref<632x128xf32, #tpu.memory_space<vmem_shared>>) dst(%dma_wait3A_282 : memref<632x128xf32, #tpu.memory_space<hbm>>)
      tpu.yield
    }) : () -> ()
    return
  }
}

module attributes {stable_mosaic.version = 14 : i64} {
  func.func @_mm1_body(%arg0: i32, %arg1: memref<1000x128xf32, #tpu.memory_space<vmem>>, %arg2: memref<128x128xf32, #tpu.memory_space<vmem>>, %arg3: memref<1000x128xf32, #tpu.memory_space<vmem>>) attributes {dimension_semantics = [#tpu.dimension_semantics<arbitrary>], iteration_bounds = array<i64: 10>, scalar_prefetch = 0 : i64, scratch_operands = 0 : i64, tpu.core_type = #tpu.core_type<tc>, window_params = [{transform_indices = @transform_0, window_bounds = array<i64: 1000, 128>}, {pipeline_mode = #tpu.pipeline_mode<synchronous>, transform_indices = @transform_1, window_bounds = array<i64: 128, 128>}, {transform_indices = @transform_2, window_bounds = array<i64: 1000, 128>}]} {
    %get3A = arith.constant 0 : index
    %get3A_0 = arith.constant 0 : index
    %get3A_1 = vector.load %arg1[%get3A, %get3A_0] : memref<1000x128xf32, #tpu.memory_space<vmem>>, vector<1000x128xf32>
    %get3A_2 = arith.constant 0 : index
    %get3A_3 = arith.constant 0 : index
    %get3A_4 = vector.load %arg2[%get3A_2, %get3A_3] : memref<128x128xf32, #tpu.memory_space<vmem>>, vector<128x128xf32>
    %dot_general3A = arith.constant dense<0.000000e+00> : vector<1000x128xf32>
    %dot_general3A_5 = tpu.matmul %get3A_1, %get3A_4, %dot_general3A {dimension_numbers = #tpu.dot_dimension_numbers<[1], [0], [0], [1], [0, 0, 1, 1], [], []>, transpose_lhs_hint = false} : vector<1000x128xf32>, vector<128x128xf32>, vector<1000x128xf32> -> vector<1000x128xf32>
    %swap3A = arith.constant 0 : index
    %swap3A_6 = arith.constant 0 : index
    %swap3A_7 = vector.load %arg3[%swap3A, %swap3A_6] : memref<1000x128xf32, #tpu.memory_space<vmem>>, vector<1000x128xf32>
    tpu.vector_store %arg3[%swap3A, %swap3A_6], %dot_general3A_5 {strides = array<i32>} : memref<1000x128xf32, #tpu.memory_space<vmem>>, vector<1000x128xf32>,
    return
  }
  func.func @transform_0(%arg0: i32) -> (i32, i32) {
    %c0_i32 = arith.constant 0 : i32
    %c0_i32_0 = arith.constant 0 : i32
    return %arg0, %c0_i32 : i32, i32
  }
  func.func @transform_1(%arg0: i32) -> (i32, i32) {
    %c0_i32 = arith.constant 0 : i32
    %c0_i32_0 = arith.constant 0 : i32
    %c0_i32_1 = arith.constant 0 : i32
    return %c0_i32, %c0_i32_0 : i32, i32
  }
  func.func @transform_2(%arg0: i32) -> (i32, i32) {
    %c0_i32 = arith.constant 0 : i32
    %c0_i32_0 = arith.constant 0 : i32
    return %arg0, %c0_i32 : i32, i32
  }
}

module attributes {stable_mosaic.version = 14 : i64} {
  func.func @_mm2_body(%arg0: i32, %arg1: memref<2x1000x128xf32, #tpu.memory_space<vmem>>, %arg2: memref<1x128xf32, #tpu.memory_space<vmem>>, %arg3: memref<128x128xf32, #tpu.memory_space<vmem>>, %arg4: memref<1000x128xf32, #tpu.memory_space<vmem>>) attributes {dimension_semantics = [#tpu.dimension_semantics<arbitrary>], iteration_bounds = array<i64: 10>, scalar_prefetch = 0 : i64, scratch_operands = 0 : i64, tpu.core_type = #tpu.core_type<tc>, window_params = [{transform_indices = @transform_0, window_bounds = array<i64: 2, 1000, 128>}, {pipeline_mode = #tpu.pipeline_mode<synchronous>, transform_indices = @transform_1, window_bounds = array<i64: 1, 128>}, {pipeline_mode = #tpu.pipeline_mode<synchronous>, transform_indices = @transform_2, window_bounds = array<i64: 128, 128>}, {transform_indices = @transform_3, window_bounds = array<i64: 1000, 128>}]} {
    %get3A = arith.constant 0 : index
    %get3A_0 = arith.constant 0 : index
    %get3A_1 = arith.constant 0 : index
    %get3A_2 = vector.load %arg1[%get3A, %get3A_0, %get3A_1] : memref<2x1000x128xf32, #tpu.memory_space<vmem>>, vector<1x1000x128xf32>
    %get3A_3 = vector.shape_cast %get3A_2 : vector<1x1000x128xf32> to vector<1000x128xf32>
    %get3A_4 = arith.constant 1 : index
    %get3A_5 = arith.constant 0 : index
    %get3A_6 = arith.constant 0 : index
    %get3A_7 = vector.load %arg1[%get3A_4, %get3A_5, %get3A_6] : memref<2x1000x128xf32, #tpu.memory_space<vmem>>, vector<1x1000x128xf32>
    %get3A_8 = vector.shape_cast %get3A_7 : vector<1x1000x128xf32> to vector<1000x128xf32>
    %add3A = arith.addf %get3A_3, %get3A_8 : vector<1000x128xf32>
    %get3A_9 = arith.constant 0 : index
    %get3A_10 = arith.constant 0 : index
    %get3A_11 = vector.load %arg2[%get3A_9, %get3A_10] : memref<1x128xf32, #tpu.memory_space<vmem>>, vector<1x128xf32>
    %add3A_12 = vector.broadcast %get3A_11 : vector<1x128xf32> to vector<1000x128xf32>
    %add3A_13 = arith.addf %add3A, %add3A_12 : vector<1000x128xf32>
    %max3A = arith.constant 0.000000e+00 : f32
    %max3A_14 = vector.broadcast %max3A : f32 to vector<1000x128xf32>
    %max3A_15 = arith.maximumf %add3A_13, %max3A_14 : vector<1000x128xf32>
    %get3A_16 = arith.constant 0 : index
    %get3A_17 = arith.constant 0 : index
    %get3A_18 = vector.load %arg3[%get3A_16, %get3A_17] : memref<128x128xf32, #tpu.memory_space<vmem>>, vector<128x128xf32>
    %dot_general3A = arith.constant dense<0.000000e+00> : vector<1000x128xf32>
    %dot_general3A_19 = tpu.matmul %max3A_15, %get3A_18, %dot_general3A {dimension_numbers = #tpu.dot_dimension_numbers<[1], [0], [0], [1], [0, 0, 1, 1], [], []>, transpose_lhs_hint = false} : vector<1000x128xf32>, vector<128x128xf32>, vector<1000x128xf32> -> vector<1000x128xf32>
    %swap3A = arith.constant 0 : index
    %swap3A_20 = arith.constant 0 : index
    %swap3A_21 = vector.load %arg4[%swap3A, %swap3A_20] : memref<1000x128xf32, #tpu.memory_space<vmem>>, vector<1000x128xf32>
    tpu.vector_store %arg4[%swap3A, %swap3A_20], %dot_general3A_19 {strides = array<i32>} : memref<1000x128xf32, #tpu.memory_space<vmem>>, vector<1000x128xf32>,
    return
  }
  func.func @transform_0(%arg0: i32) -> (i32, i32, i32) {
    %c0_i32 = arith.constant 0 : i32
    %c0_i32_0 = arith.constant 0 : i32
    %c0_i32_1 = arith.constant 0 : i32
    return %c0_i32, %arg0, %c0_i32_0 : i32, i32, i32
  }
  func.func @transform_1(%arg0: i32) -> (i32, i32) {
    %c0_i32 = arith.constant 0 : i32
    %c0_i32_0 = arith.constant 0 : i32
    %c0_i32_1 = arith.constant 0 : i32
    return %c0_i32, %c0_i32_0 : i32, i32
  }
  func.func @transform_2(%arg0: i32) -> (i32, i32) {
    %c0_i32 = arith.constant 0 : i32
    %c0_i32_0 = arith.constant 0 : i32
    %c0_i32_1 = arith.constant 0 : i32
    return %c0_i32, %c0_i32_0 : i32, i32
  }
  func.func @transform_3(%arg0: i32) -> (i32, i32) {
    %c0_i32 = arith.constant 0 : i32
    %c0_i32_0 = arith.constant 0 : i32
    return %arg0, %c0_i32 : i32, i32
  }
}

module attributes {stable_mosaic.version = 14 : i64} {
  func.func @_loss_body(%arg0: memref<24576x128xf32, #tpu.memory_space<vmem>>, %arg1: memref<1x128xf32, #tpu.memory_space<vmem>>, %arg2: memref<1x1xf32, #tpu.memory_space<vmem>>) attributes {dimension_semantics = [], scalar_prefetch = 0 : i64, scratch_operands = 0 : i64, tpu.core_type = #tpu.core_type<tc>} {
    %get3A = arith.constant 0 : index
    %get3A_0 = arith.constant 0 : index
    %get3A_1 = vector.load %arg0[%get3A, %get3A_0] : memref<24576x128xf32, #tpu.memory_space<vmem>>, vector<24576x128xf32>
    %get3A_2 = arith.constant 0 : index
    %get3A_3 = arith.constant 0 : index
    %get3A_4 = vector.load %arg1[%get3A_2, %get3A_3] : memref<1x128xf32, #tpu.memory_space<vmem>>, vector<1x128xf32>
    %slice3A = vector.extract_strided_slice %get3A_1 {offsets = [0, 0], sizes = [4096, 128], strides = [1, 1]} : vector<24576x128xf32> to vector<4096x128xf32>
    %slice3A_5 = vector.extract_strided_slice %get3A_1 {offsets = [12288, 0], sizes = [4096, 128], strides = [1, 1]} : vector<24576x128xf32> to vector<4096x128xf32>
    %add3A = arith.addf %slice3A, %slice3A_5 : vector<4096x128xf32>
    %add3A_6 = vector.broadcast %get3A_4 : vector<1x128xf32> to vector<4096x128xf32>
    %add3A_7 = arith.addf %add3A, %add3A_6 : vector<4096x128xf32>
    %slice3A_8 = vector.extract_strided_slice %get3A_1 {offsets = [4096, 0], sizes = [4096, 128], strides = [1, 1]} : vector<24576x128xf32> to vector<4096x128xf32>
    %slice3A_9 = vector.extract_strided_slice %get3A_1 {offsets = [16384, 0], sizes = [4096, 128], strides = [1, 1]} : vector<24576x128xf32> to vector<4096x128xf32>
    %add3A_10 = arith.addf %slice3A_8, %slice3A_9 : vector<4096x128xf32>
    %add3A_11 = vector.broadcast %get3A_4 : vector<1x128xf32> to vector<4096x128xf32>
    %add3A_12 = arith.addf %add3A_10, %add3A_11 : vector<4096x128xf32>
    %slice3A_13 = vector.extract_strided_slice %get3A_1 {offsets = [8192, 0], sizes = [4096, 128], strides = [1, 1]} : vector<24576x128xf32> to vector<4096x128xf32>
    %slice3A_14 = vector.extract_strided_slice %get3A_1 {offsets = [20480, 0], sizes = [4096, 128], strides = [1, 1]} : vector<24576x128xf32> to vector<4096x128xf32>
    %add3A_15 = arith.addf %slice3A_13, %slice3A_14 : vector<4096x128xf32>
    %add3A_16 = vector.broadcast %get3A_4 : vector<1x128xf32> to vector<4096x128xf32>
    %add3A_17 = arith.addf %add3A_15, %add3A_16 : vector<4096x128xf32>
    %mul3A = arith.mulf %add3A_7, %add3A_12 : vector<4096x128xf32>
    %reduce_sum3A = arith.constant dense<0.000000e+00> : vector<4096xf32>
    %reduce_sum3A_18 = vector.multi_reduction <add>, %mul3A, %reduce_sum3A [1] : vector<4096x128xf32> to vector<4096xf32>
    %mul3A_19 = arith.mulf %add3A_7, %add3A_17 : vector<4096x128xf32>
    %reduce_sum3A_20 = arith.constant dense<0.000000e+00> : vector<4096xf32>
    %reduce_sum3A_21 = vector.multi_reduction <add>, %mul3A_19, %reduce_sum3A_20 [1] : vector<4096x128xf32> to vector<4096xf32>
    %sub3A = arith.subf %reduce_sum3A_18, %reduce_sum3A_21 : vector<4096xf32>
    %neg3A = arith.constant 0.000000e+00 : f32
    %neg3A_22 = vector.broadcast %neg3A : f32 to vector<4096xf32>
    %neg3A_23 = arith.subf %neg3A_22, %sub3A : vector<4096xf32>
    %max3A = arith.constant 0.000000e+00 : f32
    %max3A_24 = vector.broadcast %max3A : f32 to vector<4096xf32>
    %max3A_25 = arith.maximumf %neg3A_23, %max3A_24 : vector<4096xf32>
    %abs3A = math.absf %sub3A : vector<4096xf32>
    %neg3A_26 = arith.constant 0.000000e+00 : f32
    %neg3A_27 = vector.broadcast %neg3A_26 : f32 to vector<4096xf32>
    %neg3A_28 = arith.subf %neg3A_27, %abs3A : vector<4096xf32>
    %exp3A = math.exp %neg3A_28 : vector<4096xf32>
    %log1p3A = math.log1p %exp3A : vector<4096xf32>
    %add3A_29 = arith.addf %max3A_25, %log1p3A : vector<4096xf32>
    %reduce_sum3A_30 = vector.shape_cast %add3A_29 : vector<4096xf32> to vector<1x4096xf32>
    %reduce_sum3A_31 = arith.constant dense<0.000000e+00> : vector<1xf32>
    %reduce_sum3A_32 = vector.multi_reduction <add>, %reduce_sum3A_30, %reduce_sum3A_31 [1] : vector<1x4096xf32> to vector<1xf32>
    %reduce_sum3A_33 = vector.shape_cast %reduce_sum3A_32 : vector<1xf32> to vector<1x1xf32>
    %reduce_sum3A_34 = vector.extract %reduce_sum3A_33[0, 0] : f32 from vector<1x1xf32>
    %div3A = arith.constant 4.096000e+03 : f32
    %div3A_35 = arith.divf %reduce_sum3A_34, %div3A : f32
    %reshape3A = vector.broadcast %div3A_35 : f32 to vector<1x1xf32>
    %swap3A = arith.constant 0 : index
    %swap3A_36 = arith.constant 0 : index
    %swap3A_37 = vector.load %arg2[%swap3A, %swap3A_36] : memref<1x1xf32, #tpu.memory_space<vmem>>, vector<1x1xf32>
    tpu.vector_store %arg2[%swap3A, %swap3A_36], %reshape3A {strides = array<i32>} : memref<1x1xf32, #tpu.memory_space<vmem>>, vector<1x1xf32>,
    return
  }
}

</mosaic_0001>

<sc_bundles>
// kernel: kernel.11.cloned.1.call-start
scs
__scs_entry_jumppad:
0x0: {  	(pc) =	sbr.rel $0x88, $3  }
0x1: {  	(tag) =	ssettag $0x0;
	lr =	simm.s32 $0x1  }
0x2: {  	[smem:$0x3F98] =	sst lr;
	_ =	strace $0xD0000000  }
0x3: {  	_ = 	snop  }
0x4: {  	_ = 	snop  }
0x5: {  	_ = 	snop  }
0x6: {  	_ = 	snop  }
0x7: {  	_ = 	snop  }
__scs_overlays_trampoline_lowered:
0x8: {  	[smem:$0x3FA7] =	sst s0  }
0x9: {  	[smem:$0x3FA8] =	sst s1  }
0xa: {  	[smem:$0x3FA9] =	sst s2  }
0xb: {  	[smem:$0x3FAA] =	sst s3  }
0xc: {  	[smem:$0x3FAB] =	sst s4  }
0xd: {  	[smem:$0x3FAC] =	sst s5  }
0xe: {  	[smem:$0x3FAD] =	sst s6  }
0xf: {  	[smem:$0x3FAE] =	sst s7  }
0x10: {  	[smem:$0x3FAF] =	sst s8  }
0x11: {  	[smem:$0x3FB0] =	sst s9;
	s0 =	simm.s32 @!p0 $0x0  }
0x12: {  	s1 =	sld [smem:$0x3F96];
	s0 =	simm.s32 @p0 $0x1  }
0x13: {  	[smem:$0x3FB1] =	sst s0;
	s0 =	simm.s32 @!p1 $0x0  }
0x14: {  	s2 =	sld [smem:$0x3F95];
	s0 =	simm.s32 @p1 $0x1  }
0x15: {  	[smem:$0x3FB2] =	sst s0;
	s0 =	simm.s32 @!p2 $0x0  }
0x16: {  	s3 =	sld [smem:$0x3FDB];
	s0 =	simm.s32 @p2 $0x1  }
0x17: {  	s4 =	simm.s32 $0x1BF5;
	[smem:$0x3FB4] =	sst s0  }
0x18: {  	s0 =	sld [smem:$0x3F97];
	_ =	swait.ge [sflag:s4], $0x0  }
0x19: {  	s7 =	sld [smem:$0x3F98]  }
0x1a: {  	s8 =	sadd.s32 $0xFFFFE003, lr  }
0x1b: {  	s9 =	sadd.s32 $0xFFFFFEF7, lr;
	s5 =	simm.s32 $0xFFFFFFFF;
	p2 =	slt.u32 s8, $0xFFFFF086  }
0x1c: {  	p1 =	slt.u32 s9, $0xF7A;
	s5 =	simm.s32 @!p2 $0x0  }
0x1d: {  	s5 =	simm.s32 @p1 $0x1;
	p0 =	seq.s32 s7, s2  }
0x1e: {  	s7 =	smul.u32 @!p0 $0xF7A, s2;
	p2 =	seq.s32 @!p0 s5, $0x0  }
0x1f: {  	s9 =	smul.u32 $0xF7A, s1;
	s8 =	simm.s32 @!p0 $0x1BF5;
	p2 =	por !p2, p0  }
0x20: {  	[sflag:s8] =	ssyncset.s32 @!p0 $0xFFFFF086;
	s6 =	sadd.s32 @!p0 s3, s7;
	s7 =	simm.s32 @!p0 $0x108  }
0x21: {  	s3 =	sadd.s32 s3, s9;
	s6 =	sadd.s32 @!p0 $0x88, s6;
	s7 =	simm.s32 @p2 $0x1082  }
0x22: {  	[simem:s7], [sflag:s8] =	dma.local @!p0 [hbm:s6], $0xF7A  }
0x23: {  	s9 =	sor.u32 $0xD0000000, s2;
	s6 =	simm.s32 $0x108;
	_ =	swait.ge @!p0 [sflag:s8], $0x0  }
0x24: {  	s3 =	sadd.s32 $0x88, s3;
	s6 =	simm.s32 @!p1 $0x1082;
	[sflag:s4] =	ssyncset.s32 $0xFFFFF086  }
0x25: {  	[simem:s6], [sflag:s4] =	dma.local [hbm:s3], $0xF7A  }
0x26: {  	[smem:$0x3F98] =	sst s1;
	(tag) =	ssettag s2;
	_ =	strace s9  }
0x27: {  	s1 =	sld [smem:$0x3FA8]  }
0x28: {  	s2 =	sld [smem:$0x3FA9]  }
0x29: {  	s4 =	sld [smem:$0x3FAB]  }
0x2a: {  	p0 =	seq.s32 s5, $0x0;
	s5 =	sld [smem:$0x3FAC]  }
0x2b: {  	s6 =	sld [smem:$0x3FAD]  }
0x2c: {  	s7 =	sld [smem:$0x3FAE]  }
0x2d: {  	s3 =	simm.s32 $0x108;
	s8 =	sld [smem:$0x3FAF]  }
0x2e: {  	s3 =	simm.s32 @!p0 $0x1082;
	s9 =	sld [smem:$0x3FB0]  }
0x2f: {  	lr =	sadd.s32 s0, s3;
	s0 =	sld [smem:$0x3FA7]  }
0x30: {  	s3 =	sld [smem:$0x3FAA]  }
0x31: {  	[smem:$0x3FB3] =	sst s10  }
0x32: {  	s10 =	sld [smem:$0x3FB1];
	_ =	sdelay $0x3  }
0x33: {  	p0 =	seq.s32 s10, $0x1;
	s10 =	sld [smem:$0x3FB3];
	_ =	sdelay $0x3  }
0x34: {  	[smem:$0x3FB3] =	sst s10  }
0x35: {  	s10 =	sld [smem:$0x3FB2];
	_ =	sdelay $0x3  }
0x36: {  	p1 =	seq.s32 s10, $0x1;
	s10 =	sld [smem:$0x3FB3];
	_ =	sdelay $0x3  }
0x37: {  	[smem:$0x3FB3] =	sst s10  }
0x38: {  	s10 =	sld [smem:$0x3FB4]  }
0x39: {  	_ = 	snop;
	(pc) =	sbr.ind lr, $3  }
0x3a: {  	_ = 	snop  }
0x3b: {  	_ = 	snop  }
0x3c: {  	p2 =	seq.s32 s10, $0x1;
	s10 =	sld [smem:$0x3FB3]  }
0x3d: {  	_ =	shalt  }
0x3e: {  	_ =	shalt  }
0x3f: {  	_ =	shalt  }
0x40: {  	_ =	shalt  }
0x41: {  	_ =	shalt  }
0x42: {  	_ =	shalt  }
0x43: {  	_ =	shalt  }
0x44: {  	_ =	shalt  }
0x45: {  	_ =	shalt  }
0x46: {  	_ =	shalt  }
0x47: {  	_ =	shalt  }
0x48: {  	_ =	shalt  }
0x49: {  	_ =	shalt  }
0x4a: {  	_ =	shalt  }
0x4b: {  	_ =	shalt  }
0x4c: {  	_ =	shalt  }
0x4d: {  	_ =	shalt  }
0x4e: {  	_ =	shalt  }
0x4f: {  	_ =	shalt  }
0x50: {  	_ =	shalt  }
0x51: {  	_ =	shalt  }
0x52: {  	_ =	shalt  }
0x53: {  	_ =	shalt  }
0x54: {  	_ =	shalt  }
0x55: {  	_ =	shalt  }
0x56: {  	_ =	shalt  }
0x57: {  	_ =	shalt  }
0x58: {  	_ =	shalt  }
0x59: {  	_ =	shalt  }
0x5a: {  	_ =	shalt  }
0x5b: {  	_ =	shalt  }
0x5c: {  	_ =	shalt  }
0x5d: {  	_ =	shalt  }
0x5e: {  	_ =	shalt  }
0x5f: {  	_ =	shalt  }
0x60: {  	_ =	shalt  }
0x61: {  	_ =	shalt  }
0x62: {  	_ =	shalt  }
0x63: {  	_ =	shalt  }
0x64: {  	_ =	shalt  }
0x65: {  	_ =	shalt  }
0x66: {  	_ =	shalt  }
0x67: {  	_ =	shalt  }
0x68: {  	_ =	shalt  }
0x69: {  	_ =	shalt  }
0x6a: {  	_ =	shalt  }
0x6b: {  	_ =	shalt  }
0x6c: {  	_ =	shalt  }
0x6d: {  	_ =	shalt  }
0x6e: {  	_ =	shalt  }
0x6f: {  	_ =	shalt  }
0x70: {  	_ =	shalt  }
0x71: {  	_ =	shalt  }
0x72: {  	_ =	shalt  }
0x73: {  	_ =	shalt  }
0x74: {  	_ =	shalt  }
0x75: {  	_ =	shalt  }
0x76: {  	_ =	shalt  }
0x77: {  	_ =	shalt  }
0x78: {  	_ =	shalt  }
0x79: {  	_ =	shalt  }
0x7a: {  	_ =	shalt  }
0x7b: {  	_ =	shalt  }
0x7c: {  	_ =	shalt  }
0x7d: {  	_ =	shalt  }
0x7e: {  	_ =	shalt  }
0x7f: {  	_ =	shalt  }
0x80: {  	_ =	shalt  }
0x81: {  	_ =	shalt  }
0x82: {  	_ =	shalt  }
0x83: {  	_ =	shalt  }
0x84: {  	_ =	shalt  }
0x85: {  	_ =	shalt  }
0x86: {  	_ =	shalt  }
0x87: {  	_ =	shalt  }
.Lfunc_end0:
.L_simem_size_0:
called_computation.1_lowered:
.L_overlay_start_0:
0x88: {  	s2 =	sld [smem:$0x3FD9]  }
0x89: {  	s3 =	sld [smem:$0x3FFE];
	_ =	sdelay $0x1  }
0x8a: {  	s1 =	srdreg.scid  }
0x8b: {  	s0 =	sand.u32 $0x1, s1  }
0x8c: {  	s16 =	sshll.u32 s0, $0xA;
	s2 =	sadd.s32 s3, s2  }
0x8d: {  	s2 =	sadd.s32 s2, s16  }
0x8e: {  	[smem:$0x3FBF] =	sst s2  }
0x8f: {  	_ = 	snop  }
0x90: {  	(tm) =	ssettm $0x1  }
0x91: {  	s17 =	sld [smem:$0x3FFB];
	_ =	sdelay $0x3  }
0x92: {  	_ =	strace s17  }
0x93: {  	s2 =	sld [smem:$0x3FFC];
	_ =	sdelay $0x3  }
0x94: {  	_ =	strace s2  }
0x95: {  	s2 =	sld [smem:$0x3FFD];
	_ =	sdelay $0x3  }
0x96: {  	_ =	strace s2  }
0x97: {  	_ =	strace $0x8FFFFFFF  }
0x98: {  	s18 =	sld [smem:$0x3FDB];
	_ =	sdelay $0x1  }
0x99: {  	s19 =	simm.s32 $_scs_section_size  }
0x9a: {  	s4 =	simm.s32 $_size__tile_overlayer_lowered;
	s5 =	simm.s32 $_tile_overlayer_lowered  }
0x9b: {  	s22 =	simm.s32 $0x1BFF;
	s21 =	sshll.u32 s5, $0x1;
	s2 =	sadd.s32 s19, s18  }
0x9c: {  	s6 =	simm.s32 $0x0;
	s20 =	sshll.u32 s4, $0x1;
	s4 =	sadd.s32 s21, s2  }
0x9d: {  	[timem:s6], [sflag:s22] =	dma.local [hbm:s4], s20  }
0x9e: {  	_ =	swait.ge [sflag:s22], s20  }
0x9f: {  	s3 =	ssub.s32 $0x0, s20;
	[sflag:s22] =	ssyncset.done $0x0  }
0xa0: {  	[sflag:s22] =	ssyncadd.s32 s3;
	_ =	sdelay $0x1  }
0xa1: {  	s23 =	simm.s32 $0x1B8B  }
0xa2: {  	_ =	swait.ge [sflag:s23], $0x1  }
0xa3: {  	[sflag:s23] =	ssyncset.done $0x0  }
0xa4: {  	s25 =	simm.s32 $0x1B8E;
	s24 =	sld [smem:$0x3FFE];
	[sflag:s23] =	ssyncadd.s32 $0xFFFFFFFF  }
0xa5: {  	s26 =	simm.s32 $execute0_lowered;
	[smem:$0x3FD2] =	sst s25  }
0xa6: {  	s4 =	sshll.u32 s26, $0x1;
	_ =	strace $0x80000049;
	[dreg:$0x1] =	wrdreg $0xFFFFFFFF  }
0xa7: {  	s28 =	simm.s32 $_size_execute0_lowered;
	s2 =	sadd.s32 s2, s4;
	[dreg:$0x0] =	wrdreg $0x0  }
0xa8: {  	s4 =	sshll.u32 s28, $0x1;
	[dreg:$0x2] =	wrdreg s2  }
0xa9: {  	[dreg:$0x3] =	wrdreg s4  }
0xaa: {  	[dreg:$0x4] =	wrdreg $0xC0  }
0xab: {  	_ =	task [dreg:s6], $0x5FFFF  }
0xac: {  	[dreg:$0x1] =	wrdreg $0xFFFFFFFF  }
0xad: {  	[dreg:$0x0] =	wrdreg $0x60  }
0xae: {  	[dreg:$0x2] =	wrdreg s24  }
0xaf: {  	[dreg:$0x3] =	wrdreg $0xA8000  }
0xb0: {  	[dreg:$0x4] =	wrdreg $0x9  }
0xb1: {  	_ =	task.clear_ibuf [dreg:s6], $0x5FFFF;
	_ =	strace $0x90000049  }
0xb2: {  	s29 =	simm.s32 $0x9;
	_ =	strace $0x8000004B  }
0xb3: {  	_ =	swait.ge [sflag:s29], $0x1  }
0xb4: {  	[sflag:s29] =	ssyncadd.s32 $0xFFFFFFFF  }
0xb5: {  	_ =	strace $0x9000004B  }
0xb6: {  	_ =	sfence  }
0xb7: {  	s30 =	sld [smem:$0x0];
	_ =	sdelay $0x2  }
0xb8: {  	s31 =	sshll.u32 s1, $0xD;
	s1 =	sshrl.u32 s1, $0x2  }
0xb9: {  	s3 =	sand.u32 $0x4000, s31;
	s1 =	sadd.s32 s1, s30  }
0xba: {  	s0 =	sor.u32 s3, s0;
	s1 =	sshll.u32 s1, $0x11  }
0xbb: {  	s0 =	sor.u32 s1, s0  }
0xbc: {  	s0 =	sadd.s32 $0x8F2B, s0  }
0xbd: {  	[sflag:s0] =	ssyncadd.remote.s32 $0x1  }
0xbe: {  	_ =	sfence.sel $0xFFFF  }
0xbf: {  	[dreg:$0x0] =	wrdreg $0xFFFFFFFF;
	(pc) =	sbr.abs _section_cstart, $3  }
0xc0: {  	[dreg:$0x1] =	wrdreg $0xFFFFFFFF  }
0xc1: {  	_ =	task.clear_ibuf [dreg:s6], $0x2FFFF;
	_ =	strace $0x9FFFFFFF  }
0xc2: {  	(tm) =	ssettm $0x7FFFFFFF  }
0xc3: {  	_ =	shalt  }
tec
execute0_lowered:
.L_overlay_start_1:
0x0: {  	(tag) =	ssettag $0x1  }
0x1: {  	s5 =	rddreg [dreg:$0x0]  }
0x2: {  	s2 =	rddreg [dreg:$0x1]  }
0x3: {  	s0 =	rddreg [dreg:$0x2];
	s3 =	simm.s32 $0x0;
	s1 =	stileid.u32  }
0x4: {  	s4 =	srdreg.scid;
	s16 =	simm.s32 $0x80;
	s17 =	simm.s32 $0x2800  }
0x5: {  	s18 =	simm.s32 $0x6800;
	s19 =	simm.s32 $0x1;
	s20 =	simm.s32 $0x3  }
0x6: {  	s21 =	simm.s32 $0x2;
	s22 =	simm.s32 $0x4;
	[smem:$0x7FF] =	sst s3  }
0x7: {  	s6 =	smul.u32 $0x13C00, s1;
	s7 =	sand.u32 $0x1, s4;
	s4 =	sadd.s32 $0x15E00, s5  }
0x8: {  	s9 =	sadd.s32 $0xBE00, s5;
	s11 =	sadd.s32 $0x1E00, s5;
	s12 =	smul.u32 $0x4F000, s1  }
0x9: {  	s30 =	sshll.u32 s1, $0x6;
	_ =	strace $0x8000004A;
	s8 =	smul.u32 $0x13C000, s7  }
0xa: {  	s23 =	sshll.u32 s7, $0x4;
	s24 =	ssub.s32 $0x2, s7;
	s10 =	sshrl.u32 s6, $0x3  }
0xb: {  	s25 =	sor.u32 s1, s23;
	s7 =	sshrl.u32 s24, $0x1;
	s26 =	sshrl.u32 s12, $0x2  }
0xc: {  	s23 =	simm.s32 $0x2700;
	s10 =	sadd.s32 s10, s5;
	s6 =	sadd.s32 s6, s8  }
0xd: {  	s28 =	smul.u32 $0x2800, s25;
	s14 =	ssub.s32 s24, s7;
	s15 =	sadd.s32 s26, s2  }
0xe: {  	s29 =	smul.u32 $0x500, s25;
	s24 =	simm.s32 $0x2780;
	s25 =	simm.s32 $0x0  }
0xf: {  	s6 =	sshrl.u32 s6, $0x3;
	s12 =	smax.u32 s14, $0x1;
	s14 =	simm.s32 $0x5  }
0x10: {  	s13 =	sadd.s32 s6, s5;
	s5 =	sadd.s32 $0x3D000, s10;
	s31 =	sshrl.u32 s28, $0x3  }
0x11: {  	s6 =	sor.u32 $0x1C05, s30;
	s7 =	sadd.s32 s9, s29;
	s10 =	sadd.s32 $0x280, s31  }
0x12: {  	s8 =	sadd.s32 s11, s29;
	s9 =	sadd.s32 s9, s10;
	s10 =	sadd.s32 s11, s10  }
0x13: {  	s11 =	sadd.s32 $0x64800, s13;
	s13 =	sshrl.u32 s15, $0x3;
	s15 =	simm.s32 $0x1400  }
.LBB2_1:
0x14: {  	[spmem:s13], [sflag:s6] =	dma.local [hbm:s5], $0x2780  }
0x15: {  	_ =	swait.ge [sflag:s14], $0x2780  }
0x16: {  	[sflag:s14] =	ssyncset.done $0x0  }
0x17: {  	[sflag:s14] =	ssyncadd.s32 $0xFFFFD880  }
0x18: {  	[bflag:$0x0] =	sbarrier.arrive $0xFFFF  }
0x19: {  	[tilespmem:s3], [sflag:$0x5] =	stream.linear.gather [hbm4b:s7+s3], $0x1400, $0x38;
	[tilespmem:$0x1E400] =	vst v63  }
0x1a: {  	_ =	swait.ge [sflag:s14], $0x1400  }
0x1b: {  	[sflag:s14] =	ssyncset.done $0x0  }
0x1c: {  	[sflag:s14] =	ssyncadd.s32 $0xFFFFEC00  }
0x1d: {  	[tilespmem:s15], [sflag:$0x5] =	stream.linear.gather [hbm4b:s8+s3], $0x1400, $0x38;
	[tilespmem:$0x1E400] =	vst v63  }
0x1e: {  	_ =	swait.ge [sflag:s14], $0x1400  }
0x1f: {  	[sflag:s14] =	ssyncset.done $0x0  }
0x20: {  	[sflag:s14] =	ssyncadd.s32 $0xFFFFEC00  }
0x21: {  	[tilespmem:s17], [sflag:$0x1] =	stream.indirect.gather [hbm4b:s4+s16], $0x80, s3, s16, $0xb8;
	[tilespmem:$0x1E400] =	vst v63  }
0x22: {  	_ = 	snop  }
0x23: {  	[tilespmem:s18], [sflag:$0x2] =	stream.indirect.gather [hbm4b:s4+s16], $0x80, s16, s16, $0xb8;
	[tilespmem:$0x1E400] =	vst v63  }
0x24: {  	_ =	swait.ge [sflag:s19], $0x4000  }
0x25: {  	[sflag:s19] =	ssyncset.done $0x0  }
0x26: {  	s26 =	simm.s32 $0x1400;
	[sflag:s19] =	ssyncadd.s32 $0xFFFFC000  }
0x27: {  	[spmem:s2] =	stream.indirect.scatter.add.f32 [tilespmem:s17], [sflag:$0x3], $0x80, s26, s16, $0xb8;
	[tilespmem:$0x1E400] =	vst v63  }
0x28: {  	_ =	swait.ge [sflag:s20], $0x4000  }
0x29: {  	[sflag:s20] =	ssyncset.done $0x0  }
0x2a: {  	s30 =	simm.s32 $0x100;
	[sflag:s20] =	ssyncadd.s32 $0xFFFFC000  }
0x2b: {  	[tilespmem:s17], [sflag:$0x1] =	stream.indirect.gather [hbm4b:s4+s16], $0x80, s30, s16, $0xb8;
	[tilespmem:$0x1E400] =	vst v63  }
0x2c: {  	_ =	swait.ge [sflag:s21], $0x4000  }
0x2d: {  	[sflag:s21] =	ssyncset.done $0x0  }
0x2e: {  	s31 =	simm.s32 $0x1480;
	[sflag:s21] =	ssyncadd.s32 $0xFFFFC000  }
0x2f: {  	[spmem:s2] =	stream.indirect.scatter.add.f32 [tilespmem:s18], [sflag:$0x4], $0x80, s31, s16, $0xb8;
	[tilespmem:$0x1E400] =	vst v63  }
0x30: {  	_ =	swait.ge [sflag:s22], $0x4000  }
0x31: {  	[sflag:s22] =	ssyncset.done $0x0  }
0x32: {  	s28 =	simm.s32 $0x180;
	s26 =	simm.s32 $0x400;
	[sflag:s22] =	ssyncadd.s32 $0xFFFFC000  }
.LBB2_2:
0x33: {  	[tilespmem:s18], [sflag:$0x2] =	stream.indirect.gather [hbm4b:s4+s16], $0x80, s28, s16, $0xb8;
	[tilespmem:$0x1E400] =	vst v63  }
0x34: {  	s28 =	smov.u32 s26  }
0x35: {  	p0 =	sne.s32 s26, $0x4800;
	s26 =	sadd.s32 $0x400, s26;
	_ =	swait.ge [sflag:s19], $0x4000  }
0x36: {  	s28 =	sshra.s32 s28, $0x2;
	[sflag:s19] =	ssyncset.done $0x0  }
0x37: {  	s29 =	sadd.s32 $0x1400, s28;
	[sflag:s19] =	ssyncadd.s32 $0xFFFFC000  }
0x38: {  	[spmem:s2] =	stream.indirect.scatter.add.f32 [tilespmem:s17], [sflag:$0x3], $0x80, s29, s16, $0xb8;
	[tilespmem:$0x1E400] =	vst v63  }
0x39: {  	_ =	swait.ge [sflag:s20], $0x4000  }
0x3a: {  	[sflag:s20] =	ssyncset.done $0x0  }
0x3b: {  	s29 =	sadd.s32 $0x100, s28;
	[sflag:s20] =	ssyncadd.s32 $0xFFFFC000  }
0x3c: {  	[tilespmem:s17], [sflag:$0x1] =	stream.indirect.gather [hbm4b:s4+s16], $0x80, s29, s16, $0xb8;
	[tilespmem:$0x1E400] =	vst v63  }
0x3d: {  	_ =	swait.ge [sflag:s21], $0x4000  }
0x3e: {  	[sflag:s21] =	ssyncset.done $0x0  }
.Ltmp0:
0x3f: {  	s29 =	sadd.s32 $0x1480, s28;
	[sflag:s21] =	ssyncadd.s32 $0xFFFFC000;
	(pc) =	sbr.rel @p0 .LBB2_2-.Ltmp0, $4  }
0x40: {  	[spmem:s2] =	stream.indirect.scatter.add.f32 [tilespmem:s18], [sflag:$0x4], $0x80, s29, s16, $0xb8;
	[tilespmem:$0x1E400] =	vst v63  }
0x41: {  	_ =	swait.ge [sflag:s22], $0x4000  }
0x42: {  	[sflag:s22] =	ssyncset.done $0x0  }
0x43: {  	s28 =	sadd.s32 $0x180, s28;
	[sflag:s22] =	ssyncadd.s32 $0xFFFFC000  }
0x44: {  	[tilespmem:s18], [sflag:$0x2] =	stream.indirect.gather [hbm4b:s4+s16], $0x80, s28, s16, $0xb8;
	[tilespmem:$0x1E400] =	vst v63  }
0x45: {  	_ =	swait.ge [sflag:s19], $0x4000  }
0x46: {  	[sflag:s19] =	ssyncset.done $0x0  }
0x47: {  	[sflag:s19] =	ssyncadd.s32 $0xFFFFC000  }
0x48: {  	[spmem:s2] =	stream.indirect.scatter.add.f32 [tilespmem:s17], [sflag:$0x3], $0x80, s23, s16, $0xb8;
	[tilespmem:$0x1E400] =	vst v63  }
0x49: {  	_ =	swait.ge [sflag:s21], $0x4000  }
0x4a: {  	[sflag:s21] =	ssyncset.done $0x0  }
0x4b: {  	[sflag:s21] =	ssyncadd.s32 $0xFFFFC000  }
0x4c: {  	[spmem:s2] =	stream.indirect.scatter.add.f32 [tilespmem:s18], [sflag:$0x4], $0x80, s24, s16, $0xb8;
	[tilespmem:$0x1E400] =	vst v63  }
0x4d: {  	_ =	swait.ge [sflag:s20], $0x4000  }
0x4e: {  	[sflag:s20] =	ssyncset.done $0x0  }
0x4f: {  	[sflag:s20] =	ssyncadd.s32 $0xFFFFC000  }
0x50: {  	_ =	swait.ge [sflag:s22], $0x4000  }
0x51: {  	[sflag:s22] =	ssyncset.done $0x0  }
0x52: {  	s26 =	simm.s32 $0x0;
	[sflag:s22] =	ssyncadd.s32 $0xFFFFC000  }
0x53: {  	[tilespmem:s26], [sflag:$0x5] =	stream.linear.gather [hbm4b:s9+s26], $0x1400, $0x38;
	[tilespmem:$0x1E400] =	vst v63  }
0x54: {  	_ =	swait.ge [sflag:s14], $0x1400  }
0x55: {  	[sflag:s14] =	ssyncset.done $0x0  }
0x56: {  	[sflag:s14] =	ssyncadd.s32 $0xFFFFEC00  }
0x57: {  	[tilespmem:s15], [sflag:$0x5] =	stream.linear.gather [hbm4b:s10+s26], $0x1400, $0x38;
	[tilespmem:$0x1E400] =	vst v63  }
0x58: {  	_ =	swait.ge [sflag:s14], $0x1400  }
0x59: {  	[sflag:s14] =	ssyncset.done $0x0  }
0x5a: {  	[sflag:s14] =	ssyncadd.s32 $0xFFFFEC00  }
0x5b: {  	[tilespmem:s17], [sflag:$0x1] =	stream.indirect.gather [hbm4b:s4+s16], $0x80, s26, s16, $0xb8;
	[tilespmem:$0x1E400] =	vst v63  }
0x5c: {  	_ = 	snop  }
0x5d: {  	[tilespmem:s18], [sflag:$0x2] =	stream.indirect.gather [hbm4b:s4+s16], $0x80, s16, s16, $0xb8;
	[tilespmem:$0x1E400] =	vst v63  }
0x5e: {  	_ =	swait.ge [sflag:s19], $0x4000  }
0x5f: {  	[sflag:s19] =	ssyncset.done $0x0  }
0x60: {  	s29 =	simm.s32 $0x1400;
	[sflag:s19] =	ssyncadd.s32 $0xFFFFC000  }
0x61: {  	[spmem:s2] =	stream.indirect.scatter.add.f32 [tilespmem:s17], [sflag:$0x3], $0x80, s29, s16, $0xb8;
	[tilespmem:$0x1E400] =	vst v63  }
0x62: {  	_ =	swait.ge [sflag:s20], $0x4000  }
0x63: {  	[sflag:s20] =	ssyncset.done $0x0  }
0x64: {  	s30 =	simm.s32 $0x100;
	[sflag:s20] =	ssyncadd.s32 $0xFFFFC000  }
0x65: {  	[tilespmem:s17], [sflag:$0x1] =	stream.indirect.gather [hbm4b:s4+s16], $0x80, s30, s16, $0xb8;
	[tilespmem:$0x1E400] =	vst v63  }
0x66: {  	_ =	swait.ge [sflag:s21], $0x4000  }
0x67: {  	[sflag:s21] =	ssyncset.done $0x0  }
0x68: {  	s31 =	simm.s32 $0x1480;
	[sflag:s21] =	ssyncadd.s32 $0xFFFFC000  }
0x69: {  	[spmem:s2] =	stream.indirect.scatter.add.f32 [tilespmem:s18], [sflag:$0x4], $0x80, s31, s16, $0xb8;
	[tilespmem:$0x1E400] =	vst v63  }
0x6a: {  	_ =	swait.ge [sflag:s22], $0x4000  }
0x6b: {  	[sflag:s22] =	ssyncset.done $0x0  }
0x6c: {  	s28 =	simm.s32 $0x180;
	s26 =	simm.s32 $0x400;
	[sflag:s22] =	ssyncadd.s32 $0xFFFFC000  }
.LBB2_4:
0x6d: {  	[tilespmem:s18], [sflag:$0x2] =	stream.indirect.gather [hbm4b:s4+s16], $0x80, s28, s16, $0xb8;
	[tilespmem:$0x1E400] =	vst v63  }
0x6e: {  	s28 =	smov.u32 s26  }
0x6f: {  	p0 =	sne.s32 s26, $0x4800;
	s26 =	sadd.s32 $0x400, s26;
	_ =	swait.ge [sflag:s19], $0x4000  }
0x70: {  	s28 =	sshra.s32 s28, $0x2;
	[sflag:s19] =	ssyncset.done $0x0  }
0x71: {  	s29 =	sadd.s32 $0x1400, s28;
	[sflag:s19] =	ssyncadd.s32 $0xFFFFC000  }
0x72: {  	[spmem:s2] =	stream.indirect.scatter.add.f32 [tilespmem:s17], [sflag:$0x3], $0x80, s29, s16, $0xb8;
	[tilespmem:$0x1E400] =	vst v63  }
0x73: {  	_ =	swait.ge [sflag:s20], $0x4000  }
0x74: {  	[sflag:s20] =	ssyncset.done $0x0  }
0x75: {  	s29 =	sadd.s32 $0x100, s28;
	[sflag:s20] =	ssyncadd.s32 $0xFFFFC000  }
0x76: {  	[tilespmem:s17], [sflag:$0x1] =	stream.indirect.gather [hbm4b:s4+s16], $0x80, s29, s16, $0xb8;
	[tilespmem:$0x1E400] =	vst v63  }
0x77: {  	_ =	swait.ge [sflag:s21], $0x4000  }
0x78: {  	[sflag:s21] =	ssyncset.done $0x0  }
.Ltmp1:
0x79: {  	s29 =	sadd.s32 $0x1480, s28;
	[sflag:s21] =	ssyncadd.s32 $0xFFFFC000;
	(pc) =	sbr.rel @p0 .LBB2_4-.Ltmp1, $4  }
0x7a: {  	[spmem:s2] =	stream.indirect.scatter.add.f32 [tilespmem:s18], [sflag:$0x4], $0x80, s29, s16, $0xb8;
	[tilespmem:$0x1E400] =	vst v63  }
0x7b: {  	_ =	swait.ge [sflag:s22], $0x4000  }
0x7c: {  	[sflag:s22] =	ssyncset.done $0x0  }
0x7d: {  	s28 =	sadd.s32 $0x180, s28;
	[sflag:s22] =	ssyncadd.s32 $0xFFFFC000  }
0x7e: {  	[tilespmem:s18], [sflag:$0x2] =	stream.indirect.gather [hbm4b:s4+s16], $0x80, s28, s16, $0xb8;
	[tilespmem:$0x1E400] =	vst v63  }
0x7f: {  	_ =	swait.ge [sflag:s19], $0x4000  }
0x80: {  	[sflag:s19] =	ssyncset.done $0x0  }
0x81: {  	[sflag:s19] =	ssyncadd.s32 $0xFFFFC000  }
0x82: {  	[spmem:s2] =	stream.indirect.scatter.add.f32 [tilespmem:s17], [sflag:$0x3], $0x80, s23, s16, $0xb8;
	[tilespmem:$0x1E400] =	vst v63  }
0x83: {  	_ =	swait.ge [sflag:s21], $0x4000  }
0x84: {  	[sflag:s21] =	ssyncset.done $0x0  }
0x85: {  	[sflag:s21] =	ssyncadd.s32 $0xFFFFC000  }
0x86: {  	[spmem:s2] =	stream.indirect.scatter.add.f32 [tilespmem:s18], [sflag:$0x4], $0x80, s24, s16, $0xb8;
	[tilespmem:$0x1E400] =	vst v63  }
0x87: {  	_ =	swait.ge [sflag:s20], $0x4000  }
0x88: {  	[sflag:s20] =	ssyncset.done $0x0  }
0x89: {  	[sflag:s20] =	ssyncadd.s32 $0xFFFFC000  }
0x8a: {  	_ =	swait.ge [sflag:s22], $0x4000  }
0x8b: {  	s25 =	sadd.s32 $0x1, s25;
	[sflag:s22] =	ssyncset.done $0x0  }
0x8c: {  	p0 =	sne.s32 s25, s12;
	[sflag:s22] =	ssyncadd.s32 $0xFFFFC000  }
.Ltmp2:
0x8d: {  	[bflag:$0x0] =	sbarrier.arrive $0xFFFF;
	(pc) =	sbr.rel @p0 .LBB2_1-.Ltmp2, $4  }
0x8e: {  	[hbm:s11], [sflag:s6] =	dma.local [spmem:s13], $0x2780  }
0x8f: {  	_ =	swait.ge [sflag:s14], $0x2780  }
0x90: {  	[sflag:s14] =	ssyncset.done $0x0  }
0x91: {  	[sflag:s14] =	ssyncadd.s32 $0xFFFFD880  }
0x92: {  	_ =	sfence.sel $0x180000  }
0x93: {  	[bflag:$0x0] =	sbarrier.arrive $0xFFFF  }
0x94: {  	p0 =	sne.s32 s1, $0x0;
	_ =	strace $0x9000004A  }
0x95: {  	s0 =	sadd.s32 @!p0 $0x100000, s0;
	[bflag:$0x2] =	sbarrier.arrive $0xFFFF  }
0x96: {  	[sflag:s0] =	ssyncadd.tile.s32 @!p0 $0x1;
	_ =	shalt  }
.Lfunc_end2:
_tile_overlayer_lowered:
.L_overlay_start_2:
0x97: {  	(tag) =	ssettag $0x2  }
0x98: {  	s0 =	rddreg [dreg:$0x0];
	s2 =	stileid.u32  }
0x99: {  	s1 =	rddreg [dreg:$0x1];
	p0 =	sne.s32 s2, $0x0  }
0x9a: {  	s3 =	rddreg [dreg:$0x2];
	[bflag:$0x3] =	sbarrier.arrive $0xFFFF;
	s2 =	simm.s32 @!p0 $0x1C05  }
0x9b: {  	[timem:s3], [sflag:s2] =	dma.local @!p0 [hbm:s0], s1  }
0x9c: {  	s0 =	simm.s32 @!p0 $0x5  }
0x9d: {  	_ =	swait.ge @!p0 [sflag:s0], s1  }
0x9e: {  	s1 =	ssub.s32 @!p0 $0x0, s1;
	[sflag:s0] =	ssyncset.done @!p0 $0x0  }
0x9f: {  	[sflag:s0] =	ssyncadd.s32 @!p0 s1  }
0xa0: {  	[bflag:$0x3] =	sbarrier.arrive $0xFFFF  }
0xa1: {  	_ =	shalt  }

// kernel: kernel.14.cloned.1.call-start
scs
__scs_entry_jumppad:
0x0: {  	(pc) =	sbr.rel $0x88, $3  }
0x1: {  	(tag) =	ssettag $0x0;
	lr =	simm.s32 $0x1  }
0x2: {  	[smem:$0x3F98] =	sst lr;
	_ =	strace $0xD0000000  }
0x3: {  	_ = 	snop  }
0x4: {  	_ = 	snop  }
0x5: {  	_ = 	snop  }
0x6: {  	_ = 	snop  }
0x7: {  	_ = 	snop  }
__scs_overlays_trampoline_lowered:
0x8: {  	[smem:$0x3FA7] =	sst s0  }
0x9: {  	[smem:$0x3FA8] =	sst s1  }
0xa: {  	[smem:$0x3FA9] =	sst s2  }
0xb: {  	[smem:$0x3FAA] =	sst s3  }
0xc: {  	[smem:$0x3FAB] =	sst s4  }
0xd: {  	[smem:$0x3FAC] =	sst s5  }
0xe: {  	[smem:$0x3FAD] =	sst s6  }
0xf: {  	[smem:$0x3FAE] =	sst s7  }
0x10: {  	[smem:$0x3FAF] =	sst s8  }
0x11: {  	[smem:$0x3FB0] =	sst s9;
	s0 =	simm.s32 @!p0 $0x0  }
0x12: {  	s1 =	sld [smem:$0x3F96];
	s0 =	simm.s32 @p0 $0x1  }
0x13: {  	[smem:$0x3FB1] =	sst s0;
	s0 =	simm.s32 @!p1 $0x0  }
0x14: {  	s2 =	sld [smem:$0x3F95];
	s0 =	simm.s32 @p1 $0x1  }
0x15: {  	[smem:$0x3FB2] =	sst s0;
	s0 =	simm.s32 @!p2 $0x0  }
0x16: {  	s3 =	sld [smem:$0x3FDB];
	s0 =	simm.s32 @p2 $0x1  }
0x17: {  	s4 =	simm.s32 $0x1BF5;
	[smem:$0x3FB4] =	sst s0  }
0x18: {  	s0 =	sld [smem:$0x3F97];
	_ =	swait.ge [sflag:s4], $0x0  }
0x19: {  	s7 =	sld [smem:$0x3F98]  }
0x1a: {  	s8 =	sadd.s32 $0xFFFFE003, lr  }
0x1b: {  	s9 =	sadd.s32 $0xFFFFFEF7, lr;
	s5 =	simm.s32 $0xFFFFFFFF;
	p2 =	slt.u32 s8, $0xFFFFF086  }
0x1c: {  	p1 =	slt.u32 s9, $0xF7A;
	s5 =	simm.s32 @!p2 $0x0  }
0x1d: {  	s5 =	simm.s32 @p1 $0x1;
	p0 =	seq.s32 s7, s2  }
0x1e: {  	s7 =	smul.u32 @!p0 $0xF7A, s2;
	p2 =	seq.s32 @!p0 s5, $0x0  }
0x1f: {  	s9 =	smul.u32 $0xF7A, s1;
	s8 =	simm.s32 @!p0 $0x1BF5;
	p2 =	por !p2, p0  }
0x20: {  	[sflag:s8] =	ssyncset.s32 @!p0 $0xFFFFF086;
	s6 =	sadd.s32 @!p0 s3, s7;
	s7 =	simm.s32 @!p0 $0x108  }
0x21: {  	s3 =	sadd.s32 s3, s9;
	s6 =	sadd.s32 @!p0 $0x88, s6;
	s7 =	simm.s32 @p2 $0x1082  }
0x22: {  	[simem:s7], [sflag:s8] =	dma.local @!p0 [hbm:s6], $0xF7A  }
0x23: {  	s9 =	sor.u32 $0xD0000000, s2;
	s6 =	simm.s32 $0x108;
	_ =	swait.ge @!p0 [sflag:s8], $0x0  }
0x24: {  	s3 =	sadd.s32 $0x88, s3;
	s6 =	simm.s32 @!p1 $0x1082;
	[sflag:s4] =	ssyncset.s32 $0xFFFFF086  }
0x25: {  	[simem:s6], [sflag:s4] =	dma.local [hbm:s3], $0xF7A  }
0x26: {  	[smem:$0x3F98] =	sst s1;
	(tag) =	ssettag s2;
	_ =	strace s9  }
0x27: {  	s1 =	sld [smem:$0x3FA8]  }
0x28: {  	s2 =	sld [smem:$0x3FA9]  }
0x29: {  	s4 =	sld [smem:$0x3FAB]  }
0x2a: {  	p0 =	seq.s32 s5, $0x0;
	s5 =	sld [smem:$0x3FAC]  }
0x2b: {  	s6 =	sld [smem:$0x3FAD]  }
0x2c: {  	s7 =	sld [smem:$0x3FAE]  }
0x2d: {  	s3 =	simm.s32 $0x108;
	s8 =	sld [smem:$0x3FAF]  }
0x2e: {  	s3 =	simm.s32 @!p0 $0x1082;
	s9 =	sld [smem:$0x3FB0]  }
0x2f: {  	lr =	sadd.s32 s0, s3;
	s0 =	sld [smem:$0x3FA7]  }
0x30: {  	s3 =	sld [smem:$0x3FAA]  }
0x31: {  	[smem:$0x3FB3] =	sst s10  }
0x32: {  	s10 =	sld [smem:$0x3FB1];
	_ =	sdelay $0x3  }
0x33: {  	p0 =	seq.s32 s10, $0x1;
	s10 =	sld [smem:$0x3FB3];
	_ =	sdelay $0x3  }
0x34: {  	[smem:$0x3FB3] =	sst s10  }
0x35: {  	s10 =	sld [smem:$0x3FB2];
	_ =	sdelay $0x3  }
0x36: {  	p1 =	seq.s32 s10, $0x1;
	s10 =	sld [smem:$0x3FB3];
	_ =	sdelay $0x3  }
0x37: {  	[smem:$0x3FB3] =	sst s10  }
0x38: {  	s10 =	sld [smem:$0x3FB4]  }
0x39: {  	_ = 	snop;
	(pc) =	sbr.ind lr, $3  }
0x3a: {  	_ = 	snop  }
0x3b: {  	_ = 	snop  }
0x3c: {  	p2 =	seq.s32 s10, $0x1;
	s10 =	sld [smem:$0x3FB3]  }
0x3d: {  	_ =	shalt  }
0x3e: {  	_ =	shalt  }
0x3f: {  	_ =	shalt  }
0x40: {  	_ =	shalt  }
0x41: {  	_ =	shalt  }
0x42: {  	_ =	shalt  }
0x43: {  	_ =	shalt  }
0x44: {  	_ =	shalt  }
0x45: {  	_ =	shalt  }
0x46: {  	_ =	shalt  }
0x47: {  	_ =	shalt  }
0x48: {  	_ =	shalt  }
0x49: {  	_ =	shalt  }
0x4a: {  	_ =	shalt  }
0x4b: {  	_ =	shalt  }
0x4c: {  	_ =	shalt  }
0x4d: {  	_ =	shalt  }
0x4e: {  	_ =	shalt  }
0x4f: {  	_ =	shalt  }
0x50: {  	_ =	shalt  }
0x51: {  	_ =	shalt  }
0x52: {  	_ =	shalt  }
0x53: {  	_ =	shalt  }
0x54: {  	_ =	shalt  }
0x55: {  	_ =	shalt  }
0x56: {  	_ =	shalt  }
0x57: {  	_ =	shalt  }
0x58: {  	_ =	shalt  }
0x59: {  	_ =	shalt  }
0x5a: {  	_ =	shalt  }
0x5b: {  	_ =	shalt  }
0x5c: {  	_ =	shalt  }
0x5d: {  	_ =	shalt  }
0x5e: {  	_ =	shalt  }
0x5f: {  	_ =	shalt  }
0x60: {  	_ =	shalt  }
0x61: {  	_ =	shalt  }
0x62: {  	_ =	shalt  }
0x63: {  	_ =	shalt  }
0x64: {  	_ =	shalt  }
0x65: {  	_ =	shalt  }
0x66: {  	_ =	shalt  }
0x67: {  	_ =	shalt  }
0x68: {  	_ =	shalt  }
0x69: {  	_ =	shalt  }
0x6a: {  	_ =	shalt  }
0x6b: {  	_ =	shalt  }
0x6c: {  	_ =	shalt  }
0x6d: {  	_ =	shalt  }
0x6e: {  	_ =	shalt  }
0x6f: {  	_ =	shalt  }
0x70: {  	_ =	shalt  }
0x71: {  	_ =	shalt  }
0x72: {  	_ =	shalt  }
0x73: {  	_ =	shalt  }
0x74: {  	_ =	shalt  }
0x75: {  	_ =	shalt  }
0x76: {  	_ =	shalt  }
0x77: {  	_ =	shalt  }
0x78: {  	_ =	shalt  }
0x79: {  	_ =	shalt  }
0x7a: {  	_ =	shalt  }
0x7b: {  	_ =	shalt  }
0x7c: {  	_ =	shalt  }
0x7d: {  	_ =	shalt  }
0x7e: {  	_ =	shalt  }
0x7f: {  	_ =	shalt  }
0x80: {  	_ =	shalt  }
0x81: {  	_ =	shalt  }
0x82: {  	_ =	shalt  }
0x83: {  	_ =	shalt  }
0x84: {  	_ =	shalt  }
0x85: {  	_ =	shalt  }
0x86: {  	_ =	shalt  }
0x87: {  	_ =	shalt  }
.Lfunc_end0:
.L_simem_size_0:
called_computation.2_lowered:
.L_overlay_start_0:
0x88: {  	s2 =	sld [smem:$0x3FD9]  }
0x89: {  	s3 =	sld [smem:$0x3FFE];
	_ =	sdelay $0x1  }
0x8a: {  	s1 =	srdreg.scid  }
0x8b: {  	s0 =	sand.u32 $0x1, s1  }
0x8c: {  	s16 =	sshll.u32 s0, $0xA;
	s2 =	sadd.s32 s3, s2  }
0x8d: {  	s2 =	sadd.s32 s2, s16  }
0x8e: {  	[smem:$0x3FBF] =	sst s2  }
0x8f: {  	_ = 	snop  }
0x90: {  	(tm) =	ssettm $0x1  }
0x91: {  	s17 =	sld [smem:$0x3FFB];
	_ =	sdelay $0x3  }
0x92: {  	_ =	strace s17  }
0x93: {  	s2 =	sld [smem:$0x3FFC];
	_ =	sdelay $0x3  }
0x94: {  	_ =	strace s2  }
0x95: {  	s2 =	sld [smem:$0x3FFD];
	_ =	sdelay $0x3  }
0x96: {  	_ =	strace s2  }
0x97: {  	_ =	strace $0x8FFFFFFF  }
0x98: {  	s18 =	sld [smem:$0x3FDB];
	_ =	sdelay $0x1  }
0x99: {  	s19 =	simm.s32 $_scs_section_size  }
0x9a: {  	s4 =	simm.s32 $_size__tile_overlayer_lowered;
	s5 =	simm.s32 $_tile_overlayer_lowered  }
0x9b: {  	s22 =	simm.s32 $0x1BFF;
	s21 =	sshll.u32 s5, $0x1;
	s2 =	sadd.s32 s19, s18  }
0x9c: {  	s6 =	simm.s32 $0x0;
	s20 =	sshll.u32 s4, $0x1;
	s4 =	sadd.s32 s21, s2  }
0x9d: {  	[timem:s6], [sflag:s22] =	dma.local [hbm:s4], s20  }
0x9e: {  	_ =	swait.ge [sflag:s22], s20  }
0x9f: {  	s3 =	ssub.s32 $0x0, s20;
	[sflag:s22] =	ssyncset.done $0x0  }
0xa0: {  	[sflag:s22] =	ssyncadd.s32 s3;
	_ =	sdelay $0x1  }
0xa1: {  	s23 =	simm.s32 $0x1B8B  }
0xa2: {  	_ =	swait.ge [sflag:s23], $0x1  }
0xa3: {  	[sflag:s23] =	ssyncset.done $0x0  }
0xa4: {  	s25 =	simm.s32 $0x1B8E;
	s24 =	sld [smem:$0x3FFE];
	[sflag:s23] =	ssyncadd.s32 $0xFFFFFFFF  }
0xa5: {  	s26 =	simm.s32 $execute0_lowered;
	[smem:$0x3FD2] =	sst s25  }
0xa6: {  	s4 =	sshll.u32 s26, $0x1;
	_ =	strace $0x8000004C;
	[dreg:$0x1] =	wrdreg $0xFFFFFFFF  }
0xa7: {  	s28 =	simm.s32 $_size_execute0_lowered;
	s2 =	sadd.s32 s2, s4;
	[dreg:$0x0] =	wrdreg $0x0  }
0xa8: {  	s4 =	sshll.u32 s28, $0x1;
	[dreg:$0x2] =	wrdreg s2  }
0xa9: {  	[dreg:$0x3] =	wrdreg s4  }
0xaa: {  	[dreg:$0x4] =	wrdreg $0xC0  }
0xab: {  	_ =	task [dreg:s6], $0x5FFFF  }
0xac: {  	[dreg:$0x1] =	wrdreg $0xFFFFFFFF  }
0xad: {  	[dreg:$0x0] =	wrdreg $0x60  }
0xae: {  	[dreg:$0x2] =	wrdreg s24  }
0xaf: {  	[dreg:$0x3] =	wrdreg $0x9  }
0xb0: {  	_ =	task.clear_ibuf [dreg:s6], $0x4FFFF;
	_ =	strace $0x9000004C  }
0xb1: {  	s29 =	simm.s32 $0x9;
	_ =	strace $0x8000004E  }
0xb2: {  	_ =	swait.ge [sflag:s29], $0x1  }
0xb3: {  	[sflag:s29] =	ssyncadd.s32 $0xFFFFFFFF  }
0xb4: {  	_ =	strace $0x9000004E  }
0xb5: {  	_ =	sfence  }
0xb6: {  	s30 =	sld [smem:$0x0];
	_ =	sdelay $0x2  }
0xb7: {  	s31 =	sshll.u32 s1, $0xD;
	s1 =	sshrl.u32 s1, $0x2  }
0xb8: {  	s3 =	sand.u32 $0x4000, s31;
	s1 =	sadd.s32 s1, s30  }
0xb9: {  	s0 =	sor.u32 s3, s0;
	s1 =	sshll.u32 s1, $0x11  }
0xba: {  	s0 =	sor.u32 s1, s0  }
0xbb: {  	s0 =	sadd.s32 $0x8F2B, s0  }
0xbc: {  	[sflag:s0] =	ssyncadd.remote.s32 $0x1  }
0xbd: {  	_ =	sfence.sel $0xFFFF  }
0xbe: {  	[dreg:$0x0] =	wrdreg $0xFFFFFFFF;
	(pc) =	sbr.abs _section_cstart, $3  }
0xbf: {  	[dreg:$0x1] =	wrdreg $0xFFFFFFFF  }
0xc0: {  	_ =	task.clear_ibuf [dreg:s6], $0x2FFFF;
	_ =	strace $0x9FFFFFFF  }
0xc1: {  	(tm) =	ssettm $0x7FFFFFFF  }
tec
execute0_lowered:
.L_overlay_start_1:
0x0: {  	(tag) =	ssettag $0x1  }
0x1: {  	s0 =	srdreg.scid  }
0x2: {  	s16 =	sand.u32 $0x1, s0  }
0x3: {  	s0 =	stileid.u32;
	s1 =	sshll.u32 s16, $0x4  }
0x4: {  	s10 =	sor.u32 s0, s1  }
0x5: {  	s8 =	rddreg [dreg:$0x0];
	s2 =	simm.s32 $0x0;
	s3 =	smul.u32 $0x60, s10  }
0x6: {  	[smem:$0x7FF] =	sst s2  }
0x7: {  	s1 =	rddreg [dreg:$0x1];
	s3 =	sadd.s32 s3, s8  }
0x8: {  	_ =	strace $0x8000004D;
	s4 =	sadd.s32 $0xB3800, s3;
	s3 =	simm.s32 $0x1  }
0x9: {  	[tilespmem:s2], [sflag:$0x1] =	stream.linear.gather [hbm4b:s4+s2], $0x300, $0x38;
	[tilespmem:$0x4300] =	vst v63  }
0xa: {  	_ =	swait.ge [sflag:s3], $0x300  }
0xb: {  	s6 =	simm.s32 $0x80;
	[sflag:s3] =	ssyncset.done $0x0  }
0xc: {  	s7 =	simm.s32 $0x300;
	s5 =	sadd.s32 $0x64800, s8;
	[sflag:s3] =	ssyncadd.s32 $0xFFFFFD00  }
0xd: {  	[tilespmem:s7], [sflag:$0x1] =	stream.indirect.gather [hbm4b:s5+s6], $0x80, s2, s6, $0xb8;
	[tilespmem:$0x4300] =	vst v63  }
0xe: {  	s9 =	smul.u32 $0x3000, s10;
	_ =	swait.ge [sflag:s3], $0x4000  }
0xf: {  	s11 =	sadd.s32 $0x1E00, s8;
	[sflag:s3] =	ssyncset.done $0x0  }
0x10: {  	s8 =	sadd.s32 s11, s9;
	[sflag:s3] =	ssyncadd.s32 $0xFFFFC000  }
0x11: {  	[hbm4b:s8+s2] =	stream.linear.scatter [tilespmem:s7], [sflag:$0x1], $0x4000, $0x38;
	[tilespmem:$0x4300] =	vst v63  }
0x12: {  	_ =	swait.ge [sflag:s3], $0x4000  }
0x13: {  	[sflag:s3] =	ssyncset.done $0x0  }
0x14: {  	[sflag:s3] =	ssyncadd.s32 $0xFFFFC000  }
0x15: {  	[tilespmem:s7], [sflag:$0x1] =	stream.indirect.gather [hbm4b:s5+s6], $0x80, s6, s6, $0xb8;
	[tilespmem:$0x4300] =	vst v63  }
0x16: {  	_ =	swait.ge [sflag:s3], $0x4000  }
0x17: {  	[sflag:s3] =	ssyncset.done $0x0  }
0x18: {  	s9 =	sadd.s32 $0x800, s8;
	[sflag:s3] =	ssyncadd.s32 $0xFFFFC000  }
0x19: {  	[hbm4b:s9+s2] =	stream.linear.scatter [tilespmem:s7], [sflag:$0x1], $0x4000, $0x38;
	[tilespmem:$0x4300] =	vst v63  }
0x1a: {  	_ =	swait.ge [sflag:s3], $0x4000  }
0x1b: {  	[sflag:s3] =	ssyncset.done $0x0  }
0x1c: {  	s12 =	smul.u32 $0x18000, s10;
	s10 =	simm.s32 $0x100;
	[sflag:s3] =	ssyncadd.s32 $0xFFFFC000  }
0x1d: {  	[tilespmem:s7], [sflag:$0x1] =	stream.indirect.gather [hbm4b:s5+s6], $0x80, s10, s6, $0xb8;
	[tilespmem:$0x4300] =	vst v63  }
0x1e: {  	s12 =	sshrl.u32 s12, $0x3;
	_ =	swait.ge [sflag:s3], $0x4000  }
0x1f: {  	s17 =	sadd.s32 s11, s12;
	[sflag:s3] =	ssyncset.done $0x0  }
0x20: {  	s11 =	sadd.s32 $0x1000, s17;
	[sflag:s3] =	ssyncadd.s32 $0xFFFFC000  }
0x21: {  	[hbm4b:s11+s2] =	stream.linear.scatter [tilespmem:s7], [sflag:$0x1], $0x4000, $0x38;
	[tilespmem:$0x4300] =	vst v63  }
0x22: {  	_ =	swait.ge [sflag:s3], $0x4000  }
0x23: {  	[sflag:s3] =	ssyncset.done $0x0  }
0x24: {  	s12 =	simm.s32 $0x180;
	[sflag:s3] =	ssyncadd.s32 $0xFFFFC000  }
0x25: {  	[tilespmem:s7], [sflag:$0x1] =	stream.indirect.gather [hbm4b:s5+s6], $0x80, s12, s6, $0xb8;
	[tilespmem:$0x4300] =	vst v63  }
0x26: {  	_ =	swait.ge [sflag:s3], $0x4000  }
0x27: {  	[sflag:s3] =	ssyncset.done $0x0  }
0x28: {  	s13 =	sadd.s32 $0x1800, s17;
	[sflag:s3] =	ssyncadd.s32 $0xFFFFC000  }
0x29: {  	[hbm4b:s13+s2] =	stream.linear.scatter [tilespmem:s7], [sflag:$0x1], $0x4000, $0x38;
	[tilespmem:$0x4300] =	vst v63  }
0x2a: {  	_ =	swait.ge [sflag:s3], $0x4000  }
0x2b: {  	[sflag:s3] =	ssyncset.done $0x0  }
0x2c: {  	s14 =	simm.s32 $0x200;
	[sflag:s3] =	ssyncadd.s32 $0xFFFFC000  }
0x2d: {  	[tilespmem:s7], [sflag:$0x1] =	stream.indirect.gather [hbm4b:s5+s6], $0x80, s14, s6, $0xb8;
	[tilespmem:$0x4300] =	vst v63  }
0x2e: {  	_ =	swait.ge [sflag:s3], $0x4000  }
0x2f: {  	[sflag:s3] =	ssyncset.done $0x0  }
0x30: {  	s18 =	ssub.s32 $0x2, s16;
	s15 =	sadd.s32 $0x2000, s17;
	[sflag:s3] =	ssyncadd.s32 $0xFFFFC000  }
0x31: {  	[hbm4b:s15+s2] =	stream.linear.scatter [tilespmem:s7], [sflag:$0x1], $0x4000, $0x38;
	[tilespmem:$0x4300] =	vst v63  }
0x32: {  	s19 =	sshrl.u32 s18, $0x1;
	_ =	swait.ge [sflag:s3], $0x4000  }
0x33: {  	s18 =	ssub.s32 s18, s19;
	[sflag:s3] =	ssyncset.done $0x0  }
0x34: {  	s16 =	simm.s32 $0x280;
	s18 =	smax.u32 s18, $0x1;
	[sflag:s3] =	ssyncadd.s32 $0xFFFFC000  }
0x35: {  	[tilespmem:s7], [sflag:$0x1] =	stream.indirect.gather [hbm4b:s5+s6], $0x80, s16, s6, $0xb8;
	[tilespmem:$0x4300] =	vst v63  }
0x36: {  	p0 =	sne.s32 s18, $0x1;
	_ =	swait.ge [sflag:s3], $0x4000  }
.Ltmp0:
0x37: {  	[sflag:s3] =	ssyncset.done $0x0;
	(pc) =	sbr.rel @!p0 .LBB2_2-.Ltmp0, $4  }
0x38: {  	s17 =	sadd.s32 $0x2800, s17;
	[sflag:s3] =	ssyncadd.s32 $0xFFFFC000  }
0x39: {  	[hbm4b:s17+s2] =	stream.linear.scatter [tilespmem:s7], [sflag:$0x1], $0x4000, $0x38;
	[tilespmem:$0x4300] =	vst v63  }
0x3a: {  	_ =	swait.ge [sflag:s3], $0x4000  }
0x3b: {  	s18 =	sadd.s32 $0xFFFFFFFF, s18;
	[sflag:s3] =	ssyncset.done $0x0  }
.LBB2_1:
0x3c: {  	p0 =	sne.s32 s18, $0x1;
	s18 =	sadd.s32 $0xFFFFFFFF, s18;
	[sflag:s3] =	ssyncadd.s32 $0xFFFFC000  }
0x3d: {  	[tilespmem:s2], [sflag:$0x1] =	stream.linear.gather [hbm4b:s4+s2], $0x300, $0x38;
	[tilespmem:$0x4300] =	vst v63  }
0x3e: {  	_ =	swait.ge [sflag:s3], $0x300  }
0x3f: {  	[sflag:s3] =	ssyncset.done $0x0  }
0x40: {  	[sflag:s3] =	ssyncadd.s32 $0xFFFFFD00  }
0x41: {  	[tilespmem:s7], [sflag:$0x1] =	stream.indirect.gather [hbm4b:s5+s6], $0x80, s2, s6, $0xb8;
	[tilespmem:$0x4300] =	vst v63  }
0x42: {  	_ =	swait.ge [sflag:s3], $0x4000  }
0x43: {  	[sflag:s3] =	ssyncset.done $0x0  }
0x44: {  	[sflag:s3] =	ssyncadd.s32 $0xFFFFC000  }
0x45: {  	[hbm4b:s8+s2] =	stream.linear.scatter [tilespmem:s7], [sflag:$0x1], $0x4000, $0x38;
	[tilespmem:$0x4300] =	vst v63  }
0x46: {  	_ =	swait.ge [sflag:s3], $0x4000  }
0x47: {  	[sflag:s3] =	ssyncset.done $0x0  }
0x48: {  	[sflag:s3] =	ssyncadd.s32 $0xFFFFC000  }
0x49: {  	[tilespmem:s7], [sflag:$0x1] =	stream.indirect.gather [hbm4b:s5+s6], $0x80, s6, s6, $0xb8;
	[tilespmem:$0x4300] =	vst v63  }
0x4a: {  	_ =	swait.ge [sflag:s3], $0x4000  }
0x4b: {  	[sflag:s3] =	ssyncset.done $0x0  }
0x4c: {  	[sflag:s3] =	ssyncadd.s32 $0xFFFFC000  }
0x4d: {  	[hbm4b:s9+s2] =	stream.linear.scatter [tilespmem:s7], [sflag:$0x1], $0x4000, $0x38;
	[tilespmem:$0x4300] =	vst v63  }
0x4e: {  	_ =	swait.ge [sflag:s3], $0x4000  }
0x4f: {  	[sflag:s3] =	ssyncset.done $0x0  }
0x50: {  	[sflag:s3] =	ssyncadd.s32 $0xFFFFC000  }
0x51: {  	[tilespmem:s7], [sflag:$0x1] =	stream.indirect.gather [hbm4b:s5+s6], $0x80, s10, s6, $0xb8;
	[tilespmem:$0x4300] =	vst v63  }
0x52: {  	_ =	swait.ge [sflag:s3], $0x4000  }
0x53: {  	[sflag:s3] =	ssyncset.done $0x0  }
0x54: {  	[sflag:s3] =	ssyncadd.s32 $0xFFFFC000  }
0x55: {  	[hbm4b:s11+s2] =	stream.linear.scatter [tilespmem:s7], [sflag:$0x1], $0x4000, $0x38;
	[tilespmem:$0x4300] =	vst v63  }
0x56: {  	_ =	swait.ge [sflag:s3], $0x4000  }
0x57: {  	[sflag:s3] =	ssyncset.done $0x0  }
0x58: {  	[sflag:s3] =	ssyncadd.s32 $0xFFFFC000  }
0x59: {  	[tilespmem:s7], [sflag:$0x1] =	stream.indirect.gather [hbm4b:s5+s6], $0x80, s12, s6, $0xb8;
	[tilespmem:$0x4300] =	vst v63  }
0x5a: {  	_ =	swait.ge [sflag:s3], $0x4000  }
0x5b: {  	[sflag:s3] =	ssyncset.done $0x0  }
0x5c: {  	[sflag:s3] =	ssyncadd.s32 $0xFFFFC000  }
0x5d: {  	[hbm4b:s13+s2] =	stream.linear.scatter [tilespmem:s7], [sflag:$0x1], $0x4000, $0x38;
	[tilespmem:$0x4300] =	vst v63  }
0x5e: {  	_ =	swait.ge [sflag:s3], $0x4000  }
0x5f: {  	[sflag:s3] =	ssyncset.done $0x0  }
0x60: {  	[sflag:s3] =	ssyncadd.s32 $0xFFFFC000  }
0x61: {  	[tilespmem:s7], [sflag:$0x1] =	stream.indirect.gather [hbm4b:s5+s6], $0x80, s14, s6, $0xb8;
	[tilespmem:$0x4300] =	vst v63  }
0x62: {  	_ =	swait.ge [sflag:s3], $0x4000  }
0x63: {  	[sflag:s3] =	ssyncset.done $0x0  }
0x64: {  	[sflag:s3] =	ssyncadd.s32 $0xFFFFC000  }
0x65: {  	[hbm4b:s15+s2] =	stream.linear.scatter [tilespmem:s7], [sflag:$0x1], $0x4000, $0x38;
	[tilespmem:$0x4300] =	vst v63  }
0x66: {  	_ =	swait.ge [sflag:s3], $0x4000  }
0x67: {  	[sflag:s3] =	ssyncset.done $0x0  }
0x68: {  	[sflag:s3] =	ssyncadd.s32 $0xFFFFC000  }
0x69: {  	[tilespmem:s7], [sflag:$0x1] =	stream.indirect.gather [hbm4b:s5+s6], $0x80, s16, s6, $0xb8;
	[tilespmem:$0x4300] =	vst v63  }
0x6a: {  	_ =	swait.ge [sflag:s3], $0x4000  }
.Ltmp1:
0x6b: {  	[sflag:s3] =	ssyncset.done $0x0;
	(pc) =	sbr.rel @p0 .LBB2_1-.Ltmp1, $4  }
0x6c: {  	[sflag:s3] =	ssyncadd.s32 $0xFFFFC000  }
0x6d: {  	[hbm4b:s17+s2] =	stream.linear.scatter [tilespmem:s7], [sflag:$0x1], $0x4000, $0x38;
	[tilespmem:$0x4300] =	vst v63  }
0x6e: {  	_ =	swait.ge [sflag:s3], $0x4000  }
0x6f: {  	[sflag:s3] =	ssyncset.done $0x0  }
.LBB2_2:
0x70: {  	[sflag:s3] =	ssyncadd.s32 $0xFFFFC000  }
0x71: {  	_ =	sfence.sel $0x180000  }
0x72: {  	[bflag:$0x0] =	sbarrier.arrive $0xFFFF  }
0x73: {  	p0 =	sne.s32 s0, $0x0;
	_ =	strace $0x9000004D  }
0x74: {  	s0 =	sadd.s32 @!p0 $0x100000, s1;
	[bflag:$0x2] =	sbarrier.arrive $0xFFFF  }
0x75: {  	[sflag:s0] =	ssyncadd.tile.s32 @!p0 $0x1;
	_ =	shalt  }
.Lfunc_end2:
_tile_overlayer_lowered:
.L_overlay_start_2:
0x76: {  	(tag) =	ssettag $0x2  }
0x77: {  	s0 =	rddreg [dreg:$0x0];
	s2 =	stileid.u32  }
0x78: {  	s1 =	rddreg [dreg:$0x1];
	p0 =	sne.s32 s2, $0x0  }
0x79: {  	s3 =	rddreg [dreg:$0x2];
	[bflag:$0x3] =	sbarrier.arrive $0xFFFF;
	s2 =	simm.s32 @!p0 $0x1C01  }
0x7a: {  	[timem:s3], [sflag:s2] =	dma.local @!p0 [hbm:s0], s1  }
0x7b: {  	s0 =	simm.s32 @!p0 $0x1  }
0x7c: {  	_ =	swait.ge @!p0 [sflag:s0], s1  }
0x7d: {  	s1 =	ssub.s32 @!p0 $0x0, s1;
	[sflag:s0] =	ssyncset.done @!p0 $0x0  }
0x7e: {  	[sflag:s0] =	ssyncadd.s32 @!p0 s1  }
0x7f: {  	[bflag:$0x3] =	sbarrier.arrive $0xFFFF  }
0x80: {  	_ =	shalt  }

// kernel: kernel.8.cloned.1.call-start
scs
__scs_entry_jumppad:
0x0: {  	(pc) =	sbr.rel $0x88, $3  }
0x1: {  	(tag) =	ssettag $0x0;
	lr =	simm.s32 $0x1  }
0x2: {  	[smem:$0x3F98] =	sst lr;
	_ =	strace $0xD0000000  }
0x3: {  	_ = 	snop  }
0x4: {  	_ = 	snop  }
0x5: {  	_ = 	snop  }
0x6: {  	_ = 	snop  }
0x7: {  	_ = 	snop  }
__scs_overlays_trampoline_lowered:
0x8: {  	[smem:$0x3FA7] =	sst s0  }
0x9: {  	[smem:$0x3FA8] =	sst s1  }
0xa: {  	[smem:$0x3FA9] =	sst s2  }
0xb: {  	[smem:$0x3FAA] =	sst s3  }
0xc: {  	[smem:$0x3FAB] =	sst s4  }
0xd: {  	[smem:$0x3FAC] =	sst s5  }
0xe: {  	[smem:$0x3FAD] =	sst s6  }
0xf: {  	[smem:$0x3FAE] =	sst s7  }
0x10: {  	[smem:$0x3FAF] =	sst s8  }
0x11: {  	[smem:$0x3FB0] =	sst s9;
	s0 =	simm.s32 @!p0 $0x0  }
0x12: {  	s1 =	sld [smem:$0x3F96];
	s0 =	simm.s32 @p0 $0x1  }
0x13: {  	[smem:$0x3FB1] =	sst s0;
	s0 =	simm.s32 @!p1 $0x0  }
0x14: {  	s2 =	sld [smem:$0x3F95];
	s0 =	simm.s32 @p1 $0x1  }
0x15: {  	[smem:$0x3FB2] =	sst s0;
	s0 =	simm.s32 @!p2 $0x0  }
0x16: {  	s3 =	sld [smem:$0x3FDB];
	s0 =	simm.s32 @p2 $0x1  }
0x17: {  	s4 =	simm.s32 $0x1BF5;
	[smem:$0x3FB4] =	sst s0  }
0x18: {  	s0 =	sld [smem:$0x3F97];
	_ =	swait.ge [sflag:s4], $0x0  }
0x19: {  	s7 =	sld [smem:$0x3F98]  }
0x1a: {  	s8 =	sadd.s32 $0xFFFFE003, lr  }
0x1b: {  	s9 =	sadd.s32 $0xFFFFFEF7, lr;
	s5 =	simm.s32 $0xFFFFFFFF;
	p2 =	slt.u32 s8, $0xFFFFF086  }
0x1c: {  	p1 =	slt.u32 s9, $0xF7A;
	s5 =	simm.s32 @!p2 $0x0  }
0x1d: {  	s5 =	simm.s32 @p1 $0x1;
	p0 =	seq.s32 s7, s2  }
0x1e: {  	s7 =	smul.u32 @!p0 $0xF7A, s2;
	p2 =	seq.s32 @!p0 s5, $0x0  }
0x1f: {  	s9 =	smul.u32 $0xF7A, s1;
	s8 =	simm.s32 @!p0 $0x1BF5;
	p2 =	por !p2, p0  }
0x20: {  	[sflag:s8] =	ssyncset.s32 @!p0 $0xFFFFF086;
	s6 =	sadd.s32 @!p0 s3, s7;
	s7 =	simm.s32 @!p0 $0x108  }
0x21: {  	s3 =	sadd.s32 s3, s9;
	s6 =	sadd.s32 @!p0 $0x88, s6;
	s7 =	simm.s32 @p2 $0x1082  }
0x22: {  	[simem:s7], [sflag:s8] =	dma.local @!p0 [hbm:s6], $0xF7A  }
0x23: {  	s9 =	sor.u32 $0xD0000000, s2;
	s6 =	simm.s32 $0x108;
	_ =	swait.ge @!p0 [sflag:s8], $0x0  }
0x24: {  	s3 =	sadd.s32 $0x88, s3;
	s6 =	simm.s32 @!p1 $0x1082;
	[sflag:s4] =	ssyncset.s32 $0xFFFFF086  }
0x25: {  	[simem:s6], [sflag:s4] =	dma.local [hbm:s3], $0xF7A  }
0x26: {  	[smem:$0x3F98] =	sst s1;
	(tag) =	ssettag s2;
	_ =	strace s9  }
0x27: {  	s1 =	sld [smem:$0x3FA8]  }
0x28: {  	s2 =	sld [smem:$0x3FA9]  }
0x29: {  	s4 =	sld [smem:$0x3FAB]  }
0x2a: {  	p0 =	seq.s32 s5, $0x0;
	s5 =	sld [smem:$0x3FAC]  }
0x2b: {  	s6 =	sld [smem:$0x3FAD]  }
0x2c: {  	s7 =	sld [smem:$0x3FAE]  }
0x2d: {  	s3 =	simm.s32 $0x108;
	s8 =	sld [smem:$0x3FAF]  }
0x2e: {  	s3 =	simm.s32 @!p0 $0x1082;
	s9 =	sld [smem:$0x3FB0]  }
0x2f: {  	lr =	sadd.s32 s0, s3;
	s0 =	sld [smem:$0x3FA7]  }
0x30: {  	s3 =	sld [smem:$0x3FAA]  }
0x31: {  	[smem:$0x3FB3] =	sst s10  }
0x32: {  	s10 =	sld [smem:$0x3FB1];
	_ =	sdelay $0x3  }
0x33: {  	p0 =	seq.s32 s10, $0x1;
	s10 =	sld [smem:$0x3FB3];
	_ =	sdelay $0x3  }
0x34: {  	[smem:$0x3FB3] =	sst s10  }
0x35: {  	s10 =	sld [smem:$0x3FB2];
	_ =	sdelay $0x3  }
0x36: {  	p1 =	seq.s32 s10, $0x1;
	s10 =	sld [smem:$0x3FB3];
	_ =	sdelay $0x3  }
0x37: {  	[smem:$0x3FB3] =	sst s10  }
0x38: {  	s10 =	sld [smem:$0x3FB4]  }
0x39: {  	_ = 	snop;
	(pc) =	sbr.ind lr, $3  }
0x3a: {  	_ = 	snop  }
0x3b: {  	_ = 	snop  }
0x3c: {  	p2 =	seq.s32 s10, $0x1;
	s10 =	sld [smem:$0x3FB3]  }
0x3d: {  	_ =	shalt  }
0x3e: {  	_ =	shalt  }
0x3f: {  	_ =	shalt  }
0x40: {  	_ =	shalt  }
0x41: {  	_ =	shalt  }
0x42: {  	_ =	shalt  }
0x43: {  	_ =	shalt  }
0x44: {  	_ =	shalt  }
0x45: {  	_ =	shalt  }
0x46: {  	_ =	shalt  }
0x47: {  	_ =	shalt  }
0x48: {  	_ =	shalt  }
0x49: {  	_ =	shalt  }
0x4a: {  	_ =	shalt  }
0x4b: {  	_ =	shalt  }
0x4c: {  	_ =	shalt  }
0x4d: {  	_ =	shalt  }
0x4e: {  	_ =	shalt  }
0x4f: {  	_ =	shalt  }
0x50: {  	_ =	shalt  }
0x51: {  	_ =	shalt  }
0x52: {  	_ =	shalt  }
0x53: {  	_ =	shalt  }
0x54: {  	_ =	shalt  }
0x55: {  	_ =	shalt  }
0x56: {  	_ =	shalt  }
0x57: {  	_ =	shalt  }
0x58: {  	_ =	shalt  }
0x59: {  	_ =	shalt  }
0x5a: {  	_ =	shalt  }
0x5b: {  	_ =	shalt  }
0x5c: {  	_ =	shalt  }
0x5d: {  	_ =	shalt  }
0x5e: {  	_ =	shalt  }
0x5f: {  	_ =	shalt  }
0x60: {  	_ =	shalt  }
0x61: {  	_ =	shalt  }
0x62: {  	_ =	shalt  }
0x63: {  	_ =	shalt  }
0x64: {  	_ =	shalt  }
0x65: {  	_ =	shalt  }
0x66: {  	_ =	shalt  }
0x67: {  	_ =	shalt  }
0x68: {  	_ =	shalt  }
0x69: {  	_ =	shalt  }
0x6a: {  	_ =	shalt  }
0x6b: {  	_ =	shalt  }
0x6c: {  	_ =	shalt  }
0x6d: {  	_ =	shalt  }
0x6e: {  	_ =	shalt  }
0x6f: {  	_ =	shalt  }
0x70: {  	_ =	shalt  }
0x71: {  	_ =	shalt  }
0x72: {  	_ =	shalt  }
0x73: {  	_ =	shalt  }
0x74: {  	_ =	shalt  }
0x75: {  	_ =	shalt  }
0x76: {  	_ =	shalt  }
0x77: {  	_ =	shalt  }
0x78: {  	_ =	shalt  }
0x79: {  	_ =	shalt  }
0x7a: {  	_ =	shalt  }
0x7b: {  	_ =	shalt  }
0x7c: {  	_ =	shalt  }
0x7d: {  	_ =	shalt  }
0x7e: {  	_ =	shalt  }
0x7f: {  	_ =	shalt  }
0x80: {  	_ =	shalt  }
0x81: {  	_ =	shalt  }
0x82: {  	_ =	shalt  }
0x83: {  	_ =	shalt  }
0x84: {  	_ =	shalt  }
0x85: {  	_ =	shalt  }
0x86: {  	_ =	shalt  }
0x87: {  	_ =	shalt  }
.Lfunc_end0:
.L_simem_size_0:
called_computation_lowered:
.L_overlay_start_0:
0x88: {  	s2 =	sld [smem:$0x3FD9]  }
0x89: {  	s3 =	sld [smem:$0x3FFE];
	_ =	sdelay $0x1  }
0x8a: {  	s1 =	srdreg.scid  }
0x8b: {  	s0 =	sand.u32 $0x1, s1  }
0x8c: {  	s16 =	sshll.u32 s0, $0xA;
	s2 =	sadd.s32 s3, s2  }
0x8d: {  	s2 =	sadd.s32 s2, s16  }
0x8e: {  	[smem:$0x3FBF] =	sst s2  }
0x8f: {  	_ = 	snop  }
0x90: {  	(tm) =	ssettm $0x1  }
0x91: {  	s17 =	sld [smem:$0x3FFB];
	_ =	sdelay $0x3  }
0x92: {  	_ =	strace s17  }
0x93: {  	s2 =	sld [smem:$0x3FFC];
	_ =	sdelay $0x3  }
0x94: {  	_ =	strace s2  }
0x95: {  	s2 =	sld [smem:$0x3FFD];
	_ =	sdelay $0x3  }
0x96: {  	_ =	strace s2  }
0x97: {  	_ =	strace $0x8FFFFFFF  }
0x98: {  	s18 =	sld [smem:$0x3FDB];
	_ =	sdelay $0x1  }
0x99: {  	s19 =	simm.s32 $_scs_section_size  }
0x9a: {  	s4 =	simm.s32 $_size__tile_overlayer_lowered;
	s5 =	simm.s32 $_tile_overlayer_lowered  }
0x9b: {  	s22 =	simm.s32 $0x1BFF;
	s21 =	sshll.u32 s5, $0x1;
	s2 =	sadd.s32 s19, s18  }
0x9c: {  	s6 =	simm.s32 $0x0;
	s20 =	sshll.u32 s4, $0x1;
	s4 =	sadd.s32 s21, s2  }
0x9d: {  	[timem:s6], [sflag:s22] =	dma.local [hbm:s4], s20  }
0x9e: {  	_ =	swait.ge [sflag:s22], s20  }
0x9f: {  	s3 =	ssub.s32 $0x0, s20;
	[sflag:s22] =	ssyncset.done $0x0  }
0xa0: {  	[sflag:s22] =	ssyncadd.s32 s3;
	_ =	sdelay $0x1  }
0xa1: {  	s23 =	simm.s32 $0x1B8B  }
0xa2: {  	_ =	swait.ge [sflag:s23], $0x1  }
0xa3: {  	[sflag:s23] =	ssyncset.done $0x0  }
0xa4: {  	s25 =	simm.s32 $0x1B8E;
	s24 =	sld [smem:$0x3FFE];
	[sflag:s23] =	ssyncadd.s32 $0xFFFFFFFF  }
0xa5: {  	s26 =	simm.s32 $execute0_lowered;
	[smem:$0x3FD2] =	sst s25  }
0xa6: {  	s4 =	sshll.u32 s26, $0x1;
	_ =	strace $0x80000046;
	[dreg:$0x1] =	wrdreg $0xFFFFFFFF  }
0xa7: {  	s28 =	simm.s32 $_size_execute0_lowered;
	s2 =	sadd.s32 s2, s4;
	[dreg:$0x0] =	wrdreg $0x0  }
0xa8: {  	s4 =	sshll.u32 s28, $0x1;
	[dreg:$0x2] =	wrdreg s2  }
0xa9: {  	[dreg:$0x3] =	wrdreg s4  }
0xaa: {  	[dreg:$0x4] =	wrdreg $0xC0  }
0xab: {  	_ =	task [dreg:s6], $0x5FFFF  }
0xac: {  	[dreg:$0x1] =	wrdreg $0xFFFFFFFF  }
0xad: {  	[dreg:$0x0] =	wrdreg $0x60  }
0xae: {  	[dreg:$0x2] =	wrdreg s24  }
0xaf: {  	[dreg:$0x3] =	wrdreg $0xA8000  }
0xb0: {  	[dreg:$0x4] =	wrdreg $0x9  }
0xb1: {  	_ =	task.clear_ibuf [dreg:s6], $0x5FFFF;
	_ =	strace $0x90000046  }
0xb2: {  	s29 =	simm.s32 $0x9;
	_ =	strace $0x80000048  }
0xb3: {  	_ =	swait.ge [sflag:s29], $0x1  }
0xb4: {  	[sflag:s29] =	ssyncadd.s32 $0xFFFFFFFF  }
0xb5: {  	_ =	strace $0x90000048  }
0xb6: {  	_ =	sfence  }
0xb7: {  	s30 =	sld [smem:$0x0];
	_ =	sdelay $0x2  }
0xb8: {  	s31 =	sshll.u32 s1, $0xD;
	s1 =	sshrl.u32 s1, $0x2  }
0xb9: {  	s3 =	sand.u32 $0x4000, s31;
	s1 =	sadd.s32 s1, s30  }
0xba: {  	s0 =	sor.u32 s3, s0;
	s1 =	sshll.u32 s1, $0x11  }
0xbb: {  	s0 =	sor.u32 s1, s0  }
0xbc: {  	s0 =	sadd.s32 $0x8F2B, s0  }
0xbd: {  	[sflag:s0] =	ssyncadd.remote.s32 $0x1  }
0xbe: {  	_ =	sfence.sel $0xFFFF  }
0xbf: {  	[dreg:$0x0] =	wrdreg $0xFFFFFFFF;
	(pc) =	sbr.abs _section_cstart, $3  }
0xc0: {  	[dreg:$0x1] =	wrdreg $0xFFFFFFFF  }
0xc1: {  	_ =	task.clear_ibuf [dreg:s6], $0x2FFFF;
	_ =	strace $0x9FFFFFFF  }
0xc2: {  	(tm) =	ssettm $0x7FFFFFFF  }
0xc3: {  	_ =	shalt  }
tec
execute0_lowered:
.L_overlay_start_1:
0x0: {  	(tag) =	ssettag $0x1  }
0x1: {  	s5 =	rddreg [dreg:$0x0]  }
0x2: {  	s2 =	rddreg [dreg:$0x1]  }
0x3: {  	s0 =	rddreg [dreg:$0x2];
	s3 =	simm.s32 $0x0;
	s1 =	stileid.u32  }
0x4: {  	s4 =	srdreg.scid;
	s16 =	simm.s32 $0x80;
	s17 =	simm.s32 $0x2800  }
0x5: {  	s18 =	simm.s32 $0x6800;
	s19 =	simm.s32 $0x1;
	s20 =	simm.s32 $0x3  }
0x6: {  	s21 =	simm.s32 $0x2;
	s22 =	simm.s32 $0x4;
	[smem:$0x7FF] =	sst s3  }
0x7: {  	s6 =	smul.u32 $0x13C00, s1;
	s7 =	sand.u32 $0x1, s4;
	s4 =	sadd.s32 $0x15E00, s5  }
0x8: {  	s9 =	sadd.s32 $0xBE00, s5;
	s11 =	sadd.s32 $0x1E00, s5;
	s12 =	smul.u32 $0x4F000, s1  }
0x9: {  	s30 =	sshll.u32 s1, $0x6;
	_ =	strace $0x80000047;
	s8 =	smul.u32 $0x13C000, s7  }
0xa: {  	s23 =	sshll.u32 s7, $0x4;
	s24 =	ssub.s32 $0x2, s7;
	s10 =	sshrl.u32 s6, $0x3  }
0xb: {  	s25 =	sor.u32 s1, s23;
	s7 =	sshrl.u32 s24, $0x1;
	s26 =	sshrl.u32 s12, $0x2  }
0xc: {  	s23 =	simm.s32 $0x2700;
	s10 =	sadd.s32 s10, s5;
	s6 =	sadd.s32 s6, s8  }
0xd: {  	s28 =	smul.u32 $0x2800, s25;
	s14 =	ssub.s32 s24, s7;
	s15 =	sadd.s32 s26, s2  }
0xe: {  	s29 =	smul.u32 $0x500, s25;
	s24 =	simm.s32 $0x2780;
	s25 =	simm.s32 $0x0  }
0xf: {  	s6 =	sshrl.u32 s6, $0x3;
	s12 =	smax.u32 s14, $0x1;
	s14 =	simm.s32 $0x5  }
0x10: {  	s13 =	sadd.s32 s6, s5;
	s5 =	sadd.s32 $0x3D000, s10;
	s31 =	sshrl.u32 s28, $0x3  }
0x11: {  	s6 =	sor.u32 $0x1C05, s30;
	s7 =	sadd.s32 s9, s29;
	s10 =	sadd.s32 $0x280, s31  }
0x12: {  	s8 =	sadd.s32 s11, s29;
	s9 =	sadd.s32 s9, s10;
	s10 =	sadd.s32 s11, s10  }
0x13: {  	s11 =	sadd.s32 $0x64800, s13;
	s13 =	sshrl.u32 s15, $0x3;
	s15 =	simm.s32 $0x1400  }
.LBB2_1:
0x14: {  	[spmem:s13], [sflag:s6] =	dma.local [hbm:s5], $0x2780  }
0x15: {  	_ =	swait.ge [sflag:s14], $0x2780  }
0x16: {  	[sflag:s14] =	ssyncset.done $0x0  }
0x17: {  	[sflag:s14] =	ssyncadd.s32 $0xFFFFD880  }
0x18: {  	[bflag:$0x0] =	sbarrier.arrive $0xFFFF  }
0x19: {  	[tilespmem:s3], [sflag:$0x5] =	stream.linear.gather [hbm4b:s7+s3], $0x1400, $0x38;
	[tilespmem:$0x1E400] =	vst v63  }
0x1a: {  	_ =	swait.ge [sflag:s14], $0x1400  }
0x1b: {  	[sflag:s14] =	ssyncset.done $0x0  }
0x1c: {  	[sflag:s14] =	ssyncadd.s32 $0xFFFFEC00  }
0x1d: {  	[tilespmem:s15], [sflag:$0x5] =	stream.linear.gather [hbm4b:s8+s3], $0x1400, $0x38;
	[tilespmem:$0x1E400] =	vst v63  }
0x1e: {  	_ =	swait.ge [sflag:s14], $0x1400  }
0x1f: {  	[sflag:s14] =	ssyncset.done $0x0  }
0x20: {  	[sflag:s14] =	ssyncadd.s32 $0xFFFFEC00  }
0x21: {  	[tilespmem:s17], [sflag:$0x1] =	stream.indirect.gather [hbm4b:s4+s16], $0x80, s3, s16, $0xb8;
	[tilespmem:$0x1E400] =	vst v63  }
0x22: {  	_ = 	snop  }
0x23: {  	[tilespmem:s18], [sflag:$0x2] =	stream.indirect.gather [hbm4b:s4+s16], $0x80, s16, s16, $0xb8;
	[tilespmem:$0x1E400] =	vst v63  }
0x24: {  	_ =	swait.ge [sflag:s19], $0x4000  }
0x25: {  	[sflag:s19] =	ssyncset.done $0x0  }
0x26: {  	s26 =	simm.s32 $0x1400;
	[sflag:s19] =	ssyncadd.s32 $0xFFFFC000  }
0x27: {  	[spmem:s2] =	stream.indirect.scatter.add.f32 [tilespmem:s17], [sflag:$0x3], $0x80, s26, s16, $0xb8;
	[tilespmem:$0x1E400] =	vst v63  }
0x28: {  	_ =	swait.ge [sflag:s20], $0x4000  }
0x29: {  	[sflag:s20] =	ssyncset.done $0x0  }
0x2a: {  	s30 =	simm.s32 $0x100;
	[sflag:s20] =	ssyncadd.s32 $0xFFFFC000  }
0x2b: {  	[tilespmem:s17], [sflag:$0x1] =	stream.indirect.gather [hbm4b:s4+s16], $0x80, s30, s16, $0xb8;
	[tilespmem:$0x1E400] =	vst v63  }
0x2c: {  	_ =	swait.ge [sflag:s21], $0x4000  }
0x2d: {  	[sflag:s21] =	ssyncset.done $0x0  }
0x2e: {  	s31 =	simm.s32 $0x1480;
	[sflag:s21] =	ssyncadd.s32 $0xFFFFC000  }
0x2f: {  	[spmem:s2] =	stream.indirect.scatter.add.f32 [tilespmem:s18], [sflag:$0x4], $0x80, s31, s16, $0xb8;
	[tilespmem:$0x1E400] =	vst v63  }
0x30: {  	_ =	swait.ge [sflag:s22], $0x4000  }
0x31: {  	[sflag:s22] =	ssyncset.done $0x0  }
0x32: {  	s28 =	simm.s32 $0x180;
	s26 =	simm.s32 $0x400;
	[sflag:s22] =	ssyncadd.s32 $0xFFFFC000  }
.LBB2_2:
0x33: {  	[tilespmem:s18], [sflag:$0x2] =	stream.indirect.gather [hbm4b:s4+s16], $0x80, s28, s16, $0xb8;
	[tilespmem:$0x1E400] =	vst v63  }
0x34: {  	s28 =	smov.u32 s26  }
0x35: {  	p0 =	sne.s32 s26, $0x4800;
	s26 =	sadd.s32 $0x400, s26;
	_ =	swait.ge [sflag:s19], $0x4000  }
0x36: {  	s28 =	sshra.s32 s28, $0x2;
	[sflag:s19] =	ssyncset.done $0x0  }
0x37: {  	s29 =	sadd.s32 $0x1400, s28;
	[sflag:s19] =	ssyncadd.s32 $0xFFFFC000  }
0x38: {  	[spmem:s2] =	stream.indirect.scatter.add.f32 [tilespmem:s17], [sflag:$0x3], $0x80, s29, s16, $0xb8;
	[tilespmem:$0x1E400] =	vst v63  }
0x39: {  	_ =	swait.ge [sflag:s20], $0x4000  }
0x3a: {  	[sflag:s20] =	ssyncset.done $0x0  }
0x3b: {  	s29 =	sadd.s32 $0x100, s28;
	[sflag:s20] =	ssyncadd.s32 $0xFFFFC000  }
0x3c: {  	[tilespmem:s17], [sflag:$0x1] =	stream.indirect.gather [hbm4b:s4+s16], $0x80, s29, s16, $0xb8;
	[tilespmem:$0x1E400] =	vst v63  }
0x3d: {  	_ =	swait.ge [sflag:s21], $0x4000  }
0x3e: {  	[sflag:s21] =	ssyncset.done $0x0  }
.Ltmp0:
0x3f: {  	s29 =	sadd.s32 $0x1480, s28;
	[sflag:s21] =	ssyncadd.s32 $0xFFFFC000;
	(pc) =	sbr.rel @p0 .LBB2_2-.Ltmp0, $4  }
0x40: {  	[spmem:s2] =	stream.indirect.scatter.add.f32 [tilespmem:s18], [sflag:$0x4], $0x80, s29, s16, $0xb8;
	[tilespmem:$0x1E400] =	vst v63  }
0x41: {  	_ =	swait.ge [sflag:s22], $0x4000  }
0x42: {  	[sflag:s22] =	ssyncset.done $0x0  }
0x43: {  	s28 =	sadd.s32 $0x180, s28;
	[sflag:s22] =	ssyncadd.s32 $0xFFFFC000  }
0x44: {  	[tilespmem:s18], [sflag:$0x2] =	stream.indirect.gather [hbm4b:s4+s16], $0x80, s28, s16, $0xb8;
	[tilespmem:$0x1E400] =	vst v63  }
0x45: {  	_ =	swait.ge [sflag:s19], $0x4000  }
0x46: {  	[sflag:s19] =	ssyncset.done $0x0  }
0x47: {  	[sflag:s19] =	ssyncadd.s32 $0xFFFFC000  }
0x48: {  	[spmem:s2] =	stream.indirect.scatter.add.f32 [tilespmem:s17], [sflag:$0x3], $0x80, s23, s16, $0xb8;
	[tilespmem:$0x1E400] =	vst v63  }
0x49: {  	_ =	swait.ge [sflag:s21], $0x4000  }
0x4a: {  	[sflag:s21] =	ssyncset.done $0x0  }
0x4b: {  	[sflag:s21] =	ssyncadd.s32 $0xFFFFC000  }
0x4c: {  	[spmem:s2] =	stream.indirect.scatter.add.f32 [tilespmem:s18], [sflag:$0x4], $0x80, s24, s16, $0xb8;
	[tilespmem:$0x1E400] =	vst v63  }
0x4d: {  	_ =	swait.ge [sflag:s20], $0x4000  }
0x4e: {  	[sflag:s20] =	ssyncset.done $0x0  }
0x4f: {  	[sflag:s20] =	ssyncadd.s32 $0xFFFFC000  }
0x50: {  	_ =	swait.ge [sflag:s22], $0x4000  }
0x51: {  	[sflag:s22] =	ssyncset.done $0x0  }
0x52: {  	s26 =	simm.s32 $0x0;
	[sflag:s22] =	ssyncadd.s32 $0xFFFFC000  }
0x53: {  	[tilespmem:s26], [sflag:$0x5] =	stream.linear.gather [hbm4b:s9+s26], $0x1400, $0x38;
	[tilespmem:$0x1E400] =	vst v63  }
0x54: {  	_ =	swait.ge [sflag:s14], $0x1400  }
0x55: {  	[sflag:s14] =	ssyncset.done $0x0  }
0x56: {  	[sflag:s14] =	ssyncadd.s32 $0xFFFFEC00  }
0x57: {  	[tilespmem:s15], [sflag:$0x5] =	stream.linear.gather [hbm4b:s10+s26], $0x1400, $0x38;
	[tilespmem:$0x1E400] =	vst v63  }
0x58: {  	_ =	swait.ge [sflag:s14], $0x1400  }
0x59: {  	[sflag:s14] =	ssyncset.done $0x0  }
0x5a: {  	[sflag:s14] =	ssyncadd.s32 $0xFFFFEC00  }
0x5b: {  	[tilespmem:s17], [sflag:$0x1] =	stream.indirect.gather [hbm4b:s4+s16], $0x80, s26, s16, $0xb8;
	[tilespmem:$0x1E400] =	vst v63  }
0x5c: {  	_ = 	snop  }
0x5d: {  	[tilespmem:s18], [sflag:$0x2] =	stream.indirect.gather [hbm4b:s4+s16], $0x80, s16, s16, $0xb8;
	[tilespmem:$0x1E400] =	vst v63  }
0x5e: {  	_ =	swait.ge [sflag:s19], $0x4000  }
0x5f: {  	[sflag:s19] =	ssyncset.done $0x0  }
0x60: {  	s29 =	simm.s32 $0x1400;
	[sflag:s19] =	ssyncadd.s32 $0xFFFFC000  }
0x61: {  	[spmem:s2] =	stream.indirect.scatter.add.f32 [tilespmem:s17], [sflag:$0x3], $0x80, s29, s16, $0xb8;
	[tilespmem:$0x1E400] =	vst v63  }
0x62: {  	_ =	swait.ge [sflag:s20], $0x4000  }
0x63: {  	[sflag:s20] =	ssyncset.done $0x0  }
0x64: {  	s30 =	simm.s32 $0x100;
	[sflag:s20] =	ssyncadd.s32 $0xFFFFC000  }
0x65: {  	[tilespmem:s17], [sflag:$0x1] =	stream.indirect.gather [hbm4b:s4+s16], $0x80, s30, s16, $0xb8;
	[tilespmem:$0x1E400] =	vst v63  }
0x66: {  	_ =	swait.ge [sflag:s21], $0x4000  }
0x67: {  	[sflag:s21] =	ssyncset.done $0x0  }
0x68: {  	s31 =	simm.s32 $0x1480;
	[sflag:s21] =	ssyncadd.s32 $0xFFFFC000  }
0x69: {  	[spmem:s2] =	stream.indirect.scatter.add.f32 [tilespmem:s18], [sflag:$0x4], $0x80, s31, s16, $0xb8;
	[tilespmem:$0x1E400] =	vst v63  }
0x6a: {  	_ =	swait.ge [sflag:s22], $0x4000  }
0x6b: {  	[sflag:s22] =	ssyncset.done $0x0  }
0x6c: {  	s28 =	simm.s32 $0x180;
	s26 =	simm.s32 $0x400;
	[sflag:s22] =	ssyncadd.s32 $0xFFFFC000  }
.LBB2_4:
0x6d: {  	[tilespmem:s18], [sflag:$0x2] =	stream.indirect.gather [hbm4b:s4+s16], $0x80, s28, s16, $0xb8;
	[tilespmem:$0x1E400] =	vst v63  }
0x6e: {  	s28 =	smov.u32 s26  }
0x6f: {  	p0 =	sne.s32 s26, $0x4800;
	s26 =	sadd.s32 $0x400, s26;
	_ =	swait.ge [sflag:s19], $0x4000  }
0x70: {  	s28 =	sshra.s32 s28, $0x2;
	[sflag:s19] =	ssyncset.done $0x0  }
0x71: {  	s29 =	sadd.s32 $0x1400, s28;
	[sflag:s19] =	ssyncadd.s32 $0xFFFFC000  }
0x72: {  	[spmem:s2] =	stream.indirect.scatter.add.f32 [tilespmem:s17], [sflag:$0x3], $0x80, s29, s16, $0xb8;
	[tilespmem:$0x1E400] =	vst v63  }
0x73: {  	_ =	swait.ge [sflag:s20], $0x4000  }
0x74: {  	[sflag:s20] =	ssyncset.done $0x0  }
0x75: {  	s29 =	sadd.s32 $0x100, s28;
	[sflag:s20] =	ssyncadd.s32 $0xFFFFC000  }
0x76: {  	[tilespmem:s17], [sflag:$0x1] =	stream.indirect.gather [hbm4b:s4+s16], $0x80, s29, s16, $0xb8;
	[tilespmem:$0x1E400] =	vst v63  }
0x77: {  	_ =	swait.ge [sflag:s21], $0x4000  }
0x78: {  	[sflag:s21] =	ssyncset.done $0x0  }
.Ltmp1:
0x79: {  	s29 =	sadd.s32 $0x1480, s28;
	[sflag:s21] =	ssyncadd.s32 $0xFFFFC000;
	(pc) =	sbr.rel @p0 .LBB2_4-.Ltmp1, $4  }
0x7a: {  	[spmem:s2] =	stream.indirect.scatter.add.f32 [tilespmem:s18], [sflag:$0x4], $0x80, s29, s16, $0xb8;
	[tilespmem:$0x1E400] =	vst v63  }
0x7b: {  	_ =	swait.ge [sflag:s22], $0x4000  }
0x7c: {  	[sflag:s22] =	ssyncset.done $0x0  }
0x7d: {  	s28 =	sadd.s32 $0x180, s28;
	[sflag:s22] =	ssyncadd.s32 $0xFFFFC000  }
0x7e: {  	[tilespmem:s18], [sflag:$0x2] =	stream.indirect.gather [hbm4b:s4+s16], $0x80, s28, s16, $0xb8;
	[tilespmem:$0x1E400] =	vst v63  }
0x7f: {  	_ =	swait.ge [sflag:s19], $0x4000  }
0x80: {  	[sflag:s19] =	ssyncset.done $0x0  }
0x81: {  	[sflag:s19] =	ssyncadd.s32 $0xFFFFC000  }
0x82: {  	[spmem:s2] =	stream.indirect.scatter.add.f32 [tilespmem:s17], [sflag:$0x3], $0x80, s23, s16, $0xb8;
	[tilespmem:$0x1E400] =	vst v63  }
0x83: {  	_ =	swait.ge [sflag:s21], $0x4000  }
0x84: {  	[sflag:s21] =	ssyncset.done $0x0  }
0x85: {  	[sflag:s21] =	ssyncadd.s32 $0xFFFFC000  }
0x86: {  	[spmem:s2] =	stream.indirect.scatter.add.f32 [tilespmem:s18], [sflag:$0x4], $0x80, s24, s16, $0xb8;
	[tilespmem:$0x1E400] =	vst v63  }
0x87: {  	_ =	swait.ge [sflag:s20], $0x4000  }
0x88: {  	[sflag:s20] =	ssyncset.done $0x0  }
0x89: {  	[sflag:s20] =	ssyncadd.s32 $0xFFFFC000  }
0x8a: {  	_ =	swait.ge [sflag:s22], $0x4000  }
0x8b: {  	s25 =	sadd.s32 $0x1, s25;
	[sflag:s22] =	ssyncset.done $0x0  }
0x8c: {  	p0 =	sne.s32 s25, s12;
	[sflag:s22] =	ssyncadd.s32 $0xFFFFC000  }
.Ltmp2:
0x8d: {  	[bflag:$0x0] =	sbarrier.arrive $0xFFFF;
	(pc) =	sbr.rel @p0 .LBB2_1-.Ltmp2, $4  }
0x8e: {  	[hbm:s11], [sflag:s6] =	dma.local [spmem:s13], $0x2780  }
0x8f: {  	_ =	swait.ge [sflag:s14], $0x2780  }
0x90: {  	[sflag:s14] =	ssyncset.done $0x0  }
0x91: {  	[sflag:s14] =	ssyncadd.s32 $0xFFFFD880  }
0x92: {  	_ =	sfence.sel $0x180000  }
0x93: {  	[bflag:$0x0] =	sbarrier.arrive $0xFFFF  }
0x94: {  	p0 =	sne.s32 s1, $0x0;
	_ =	strace $0x90000047  }
0x95: {  	s0 =	sadd.s32 @!p0 $0x100000, s0;
	[bflag:$0x2] =	sbarrier.arrive $0xFFFF  }
0x96: {  	[sflag:s0] =	ssyncadd.tile.s32 @!p0 $0x1;
	_ =	shalt  }
.Lfunc_end2:
_tile_overlayer_lowered:
.L_overlay_start_2:
0x97: {  	(tag) =	ssettag $0x2  }
0x98: {  	s0 =	rddreg [dreg:$0x0];
	s2 =	stileid.u32  }
0x99: {  	s1 =	rddreg [dreg:$0x1];
	p0 =	sne.s32 s2, $0x0  }
0x9a: {  	s3 =	rddreg [dreg:$0x2];
	[bflag:$0x3] =	sbarrier.arrive $0xFFFF;
	s2 =	simm.s32 @!p0 $0x1C05  }
0x9b: {  	[timem:s3], [sflag:s2] =	dma.local @!p0 [hbm:s0], s1  }
0x9c: {  	s0 =	simm.s32 @!p0 $0x5  }
0x9d: {  	_ =	swait.ge @!p0 [sflag:s0], s1  }
0x9e: {  	s1 =	ssub.s32 @!p0 $0x0, s1;
	[sflag:s0] =	ssyncset.done @!p0 $0x0  }
0x9f: {  	[sflag:s0] =	ssyncadd.s32 @!p0 s1  }
0xa0: {  	[bflag:$0x3] =	sbarrier.arrive $0xFFFF  }
0xa1: {  	_ =	shalt  }

</sc_bundles>
